<compile_context>
chip_gen: v7x
topology: tpu7x:2x2x1
jax: 0.10.2.dev20260603
libtpu: 0.0.44.dev20260713+nightly
codegen_flags: <defaults>
</compile_context>

<pallas_src>
import jax
import jax.numpy as jnp
from jax import lax
from jax.experimental import pallas as pl
from jax.experimental.pallas import tpu as pltpu
from jax.experimental.pallas import tpu_sc as plsc

_D = 768
_LT = _D // 128
_NW = 32
_C = 64
_G = _C // 8
_N_CHUNKS = 20 * 4096 // (_NW * _C)


def _emb_body(idx_hbm, table_hbm, out_hbm, idx_v, buf0, buf1, gs0, gs1, ss0, ss1):
    bufs = (buf0, buf1)
    gsems = (gs0, gs1)
    ssems = (ss0, ss1)
    wid = lax.axis_index("s") * 2 + lax.axis_index("c")
    pltpu.sync_copy(idx_hbm.at[wid], idx_v)

    def gathers(c, b, issue):
        for g in range(_G):
            d = pltpu.make_async_copy(
                table_hbm.at[idx_v.at[c, pl.ds(g * 8, 8)]], bufs[b].at[g], gsems[b]
            )
            d.start() if issue else d.wait()

    def stores(c, b, issue):
        for t in range(_LT):
            d = pltpu.make_async_copy(
                bufs[b].at[:, :, pl.ds(t * 128, 128)],
                out_hbm.at[wid, c, :, t],
                ssems[b],
            )
            d.start() if issue else d.wait()

    gathers(0, 0, True)

    @pl.loop(0, _N_CHUNKS, step=2)
    def _(j):
        for b in range(2):
            c = j + b
            bn = 1 - b

            gathers(c, b, False)
            stores(c, b, True)

            @pl.when(c + 1 < _N_CHUNKS)
            def _():
                @pl.when(c >= 1)
                def _():
                    stores(c - 1, bn, False)
                gathers(c + 1, bn, True)

    stores(_N_CHUNKS - 2, (_N_CHUNKS - 2) % 2, False)
    stores(_N_CHUNKS - 1, (_N_CHUNKS - 1) % 2, False)


@jax.jit
def _emb(idx, weight):
    mesh = plsc.VectorSubcoreMesh(core_axis_name="c", subcore_axis_name="s")
    return pl.kernel(
        _emb_body,
        out_type=jax.ShapeDtypeStruct((_NW, _N_CHUNKS, _G, _LT, 8, 128), jnp.float32),
        mesh=mesh,
        scratch_types=(
            [pltpu.VMEM((_N_CHUNKS, _C), jnp.int32)]
            + [pltpu.VMEM((_G, 8, _D), jnp.float32) for _ in range(2)]
            + [pltpu.SemaphoreType.DMA for _ in range(4)]
        ),
    )(idx, weight)


def kernel(text, weight):
    b, h = text.shape
    idx = text.T.reshape(_NW, _N_CHUNKS, _C).astype(jnp.int32)
    out = _emb(idx, weight)
    x = out.reshape(h * b // 8, _LT, 8, 128).transpose(0, 2, 1, 3)
    return x.reshape(h, b, _D).transpose(1, 0, 2)

# --- scband reference (transcript-rebuilt; emitter-appended) ---
"""Pipeline reference for scband-text-embedding-9277129359801 (READ-ONLY COPY).

The authoritative reference and input builder live on the scoring server;
editing this copy changes nothing except your own understanding.
"""

import jax, jax.numpy as jnp
import numpy as np

VOCAB = 256001  # Siglip2 text vocab 256000 + 1
EMBED_DIM = 768
BATCH = 4096
HIST = 20


def setup_inputs(seed: int = 0) -> dict:
    key = jax.random.key(seed)
    k_idx, k_w = jax.random.split(key)
    text = jax.random.randint(k_idx, (BATCH, HIST), 0, 256000, dtype=jnp.int64 if jax.config.read('jax_enable_x64') else jnp.int32)
    weight = jax.random.normal(k_w, (VOCAB, EMBED_DIM), dtype=jnp.float32) * 0.02
    return {"text": text, "weight": weight}


def reference(text, weight):
    # nn.Embedding forward: gather rows of the table by index
    return jnp.take(weight, text, axis=0)

if __name__ == "__main__":
    import jax
    _d = setup_inputs()
    print(jax.jit(kernel)(*tuple(_d.values())))

</pallas_src>

<mosaic_0001>
#map = affine_map<(d0, d1) -> (0, 0, 0)>
#map1 = affine_map<(d0, d1) -> (0, 0)>
#map2 = affine_map<(d0, d1) -> (0, 0, 0, 0, 0, 0)>
module attributes {stable_mosaic.version = 14 : i64} {
  func.func @_emb_body(%arg0: i32, %arg1: i32, %arg2: memref<32x40x64xi32, #tpu.memory_space<hbm>>, %arg3: memref<256001x768xf32, #tpu.memory_space<hbm>>, %arg4: memref<32x40x8x6x8x128xf32, #tpu.memory_space<hbm>>, %arg5: memref<40x64xi32, #tpu.memory_space<vmem>>, %arg6: memref<8x8x768xf32, #tpu.memory_space<vmem>>, %arg7: memref<8x8x768xf32, #tpu.memory_space<vmem>>, %arg8: memref<!tpu.dma_semaphore, #tpu.memory_space<semaphore_mem>>, %arg9: memref<!tpu.dma_semaphore, #tpu.memory_space<semaphore_mem>>, %arg10: memref<!tpu.dma_semaphore, #tpu.memory_space<semaphore_mem>>, %arg11: memref<!tpu.dma_semaphore, #tpu.memory_space<semaphore_mem>>) attributes {dimension_semantics = [#tpu.dimension_semantics<core_parallel>, #tpu.dimension_semantics<subcore_parallel>], iteration_bounds = array<i64: 2, 16>, scalar_prefetch = 0 : i64, scratch_operands = 7 : i64, tpu.core_type = #tpu.core_type<sc_vector_subcore>, window_params = [{transform_indices = #map}, {transform_indices = #map1}, {transform_indices = #map2}]} {
    %mul3A = arith.constant 2 : i32
    %mul3A_0 = arith.muli %arg1, %mul3A : i32
    %add3A = arith.addi %mul3A_0, %arg0 : i32
    "tpu.region"() ({
      %run_scoped3A = tpu.sem_alloc : memref<!tpu.dma_semaphore, #tpu.memory_space<semaphore_mem>>
      %dma_start3A_339 = arith.constant 0 : i32
      %dma_start3A_340 = arith.constant 0 : i32
      %dma_start3A_341 = tpu.memref_slice %arg2[%add3A, %dma_start3A_339, %dma_start3A_340] : memref<32x40x64xi32, #tpu.memory_space<hbm>> -> memref<1x40x64xi32, #tpu.memory_space<hbm>>
      %dma_start3A_342 = tpu.memref_squeeze %dma_start3A_341 : memref<1x40x64xi32, #tpu.memory_space<hbm>> -> memref<40x64xi32, #tpu.memory_space<hbm>>
      %dma_start3A_343 = arith.constant 0 : i32
      %dma_start3A_344 = arith.constant 0 : i32
      %dma_start3A_345 = tpu.memref_slice %arg2[%add3A, %dma_start3A_343, %dma_start3A_344] : memref<32x40x64xi32, #tpu.memory_space<hbm>> -> memref<1x40x64xi32, #tpu.memory_space<hbm>>
      %dma_start3A_346 = tpu.memref_squeeze %dma_start3A_345 : memref<1x40x64xi32, #tpu.memory_space<hbm>> -> memref<40x64xi32, #tpu.memory_space<hbm>>
      tpu.enqueue_dma source(%dma_start3A_346 : memref<40x64xi32, #tpu.memory_space<hbm>>) target(%arg5 : memref<40x64xi32, #tpu.memory_space<vmem>>) target_semaphore(%run_scoped3A : memref<!tpu.dma_semaphore, #tpu.memory_space<semaphore_mem>>)
      %dma_wait3A_347 = arith.constant 0 : i32
      %dma_wait3A_348 = arith.constant 0 : i32
      %dma_wait3A_349 = tpu.memref_slice %arg2[%add3A, %dma_wait3A_347, %dma_wait3A_348] : memref<32x40x64xi32, #tpu.memory_space<hbm>> -> memref<1x40x64xi32, #tpu.memory_space<hbm>>
      %dma_wait3A_350 = tpu.memref_squeeze %dma_wait3A_349 : memref<1x40x64xi32, #tpu.memory_space<hbm>> -> memref<40x64xi32, #tpu.memory_space<hbm>>
      %dma_wait3A_351 = arith.constant 0 : i32
      %dma_wait3A_352 = arith.constant 0 : i32
      %dma_wait3A_353 = tpu.memref_slice %arg2[%add3A, %dma_wait3A_351, %dma_wait3A_352] : memref<32x40x64xi32, #tpu.memory_space<hbm>> -> memref<1x40x64xi32, #tpu.memory_space<hbm>>
      %dma_wait3A_354 = tpu.memref_squeeze %dma_wait3A_353 : memref<1x40x64xi32, #tpu.memory_space<hbm>> -> memref<40x64xi32, #tpu.memory_space<hbm>>
      tpu.wait_dma2 semaphore(%run_scoped3A : memref<!tpu.dma_semaphore, #tpu.memory_space<semaphore_mem>>) src(%dma_wait3A_354 : memref<40x64xi32, #tpu.memory_space<hbm>>) dst(%arg5 : memref<40x64xi32, #tpu.memory_space<vmem>>)
      tpu.yield
    }) : () -> ()
    %dma_start3A = arith.constant 0 : i32
    %dma_start3A_1 = arith.constant 0 : i32
    %dma_start3A_2 = arith.constant 0 : i32
    %dma_start3A_3 = arith.constant 0 : i32
    %dma_start3A_4 = tpu.memref_slice %arg6[%dma_start3A_1, %dma_start3A_2, %dma_start3A_3] : memref<8x8x768xf32, #tpu.memory_space<vmem>> -> memref<1x8x768xf32, #tpu.memory_space<vmem>>
    %dma_start3A_5 = tpu.memref_squeeze %dma_start3A_4 : memref<1x8x768xf32, #tpu.memory_space<vmem>> -> memref<8x768xf32, #tpu.memory_space<vmem>>
    %dma_start3A_6 = arith.constant 0 : i32
    %dma_start3A_7 = tpu.memref_slice %arg5[%dma_start3A, %dma_start3A_6] : memref<40x64xi32, #tpu.memory_space<vmem>> -> memref<1x8xi32, #tpu.memory_space<vmem>>
    %dma_start3A_8 = tpu.memref_squeeze %dma_start3A_7 : memref<1x8xi32, #tpu.memory_space<vmem>> -> memref<8xi32, #tpu.memory_space<vmem>>
    %dma_start3A_9 = arith.constant 0 : i32
    %dma_start3A_10 = arith.constant 0 : i32
    %dma_start3A_11 = tpu.memref_slice %arg3[%dma_start3A_9, %dma_start3A_10] : memref<256001x768xf32, #tpu.memory_space<hbm>> -> memref<256001x768xf32, #tpu.memory_space<hbm>>
    tpu.enqueue_indirect_dma source(%dma_start3A_11 : memref<256001x768xf32, #tpu.memory_space<hbm>>) target(%dma_start3A_5 : memref<8x768xf32, #tpu.memory_space<vmem>>) offsets(%dma_start3A_8 : memref<8xi32, #tpu.memory_space<vmem>>) semaphore(%arg8 : memref<!tpu.dma_semaphore, #tpu.memory_space<semaphore_mem>>)
    %dma_start3A_12 = arith.constant 0 : i32
    %dma_start3A_13 = arith.constant 1 : i32
    %dma_start3A_14 = arith.constant 0 : i32
    %dma_start3A_15 = arith.constant 0 : i32
    %dma_start3A_16 = tpu.memref_slice %arg6[%dma_start3A_13, %dma_start3A_14, %dma_start3A_15] : memref<8x8x768xf32, #tpu.memory_space<vmem>> -> memref<1x8x768xf32, #tpu.memory_space<vmem>>
    %dma_start3A_17 = tpu.memref_squeeze %dma_start3A_16 : memref<1x8x768xf32, #tpu.memory_space<vmem>> -> memref<8x768xf32, #tpu.memory_space<vmem>>
    %dma_start3A_18 = arith.constant 8 : i32
    %dma_start3A_19 = tpu.memref_slice %arg5[%dma_start3A_12, %dma_start3A_18] : memref<40x64xi32, #tpu.memory_space<vmem>> -> memref<1x8xi32, #tpu.memory_space<vmem>>
    %dma_start3A_20 = tpu.memref_squeeze %dma_start3A_19 : memref<1x8xi32, #tpu.memory_space<vmem>> -> memref<8xi32, #tpu.memory_space<vmem>>
    %dma_start3A_21 = arith.constant 0 : i32
    %dma_start3A_22 = arith.constant 0 : i32
    %dma_start3A_23 = tpu.memref_slice %arg3[%dma_start3A_21, %dma_start3A_22] : memref<256001x768xf32, #tpu.memory_space<hbm>> -> memref<256001x768xf32, #tpu.memory_space<hbm>>
    tpu.enqueue_indirect_dma source(%dma_start3A_23 : memref<256001x768xf32, #tpu.memory_space<hbm>>) target(%dma_start3A_17 : memref<8x768xf32, #tpu.memory_space<vmem>>) offsets(%dma_start3A_20 : memref<8xi32, #tpu.memory_space<vmem>>) semaphore(%arg8 : memref<!tpu.dma_semaphore, #tpu.memory_space<semaphore_mem>>)
    %dma_start3A_24 = arith.constant 0 : i32
    %dma_start3A_25 = arith.constant 2 : i32
    %dma_start3A_26 = arith.constant 0 : i32
    %dma_start3A_27 = arith.constant 0 : i32
    %dma_start3A_28 = tpu.memref_slice %arg6[%dma_start3A_25, %dma_start3A_26, %dma_start3A_27] : memref<8x8x768xf32, #tpu.memory_space<vmem>> -> memref<1x8x768xf32, #tpu.memory_space<vmem>>
    %dma_start3A_29 = tpu.memref_squeeze %dma_start3A_28 : memref<1x8x768xf32, #tpu.memory_space<vmem>> -> memref<8x768xf32, #tpu.memory_space<vmem>>
    %dma_start3A_30 = arith.constant 16 : i32
    %dma_start3A_31 = tpu.memref_slice %arg5[%dma_start3A_24, %dma_start3A_30] : memref<40x64xi32, #tpu.memory_space<vmem>> -> memref<1x8xi32, #tpu.memory_space<vmem>>
    %dma_start3A_32 = tpu.memref_squeeze %dma_start3A_31 : memref<1x8xi32, #tpu.memory_space<vmem>> -> memref<8xi32, #tpu.memory_space<vmem>>
    %dma_start3A_33 = arith.constant 0 : i32
    %dma_start3A_34 = arith.constant 0 : i32
    %dma_start3A_35 = tpu.memref_slice %arg3[%dma_start3A_33, %dma_start3A_34] : memref<256001x768xf32, #tpu.memory_space<hbm>> -> memref<256001x768xf32, #tpu.memory_space<hbm>>
    tpu.enqueue_indirect_dma source(%dma_start3A_35 : memref<256001x768xf32, #tpu.memory_space<hbm>>) target(%dma_start3A_29 : memref<8x768xf32, #tpu.memory_space<vmem>>) offsets(%dma_start3A_32 : memref<8xi32, #tpu.memory_space<vmem>>) semaphore(%arg8 : memref<!tpu.dma_semaphore, #tpu.memory_space<semaphore_mem>>)
    %dma_start3A_36 = arith.constant 0 : i32
    %dma_start3A_37 = arith.constant 3 : i32
    %dma_start3A_38 = arith.constant 0 : i32
    %dma_start3A_39 = arith.constant 0 : i32
    %dma_start3A_40 = tpu.memref_slice %arg6[%dma_start3A_37, %dma_start3A_38, %dma_start3A_39] : memref<8x8x768xf32, #tpu.memory_space<vmem>> -> memref<1x8x768xf32, #tpu.memory_space<vmem>>
    %dma_start3A_41 = tpu.memref_squeeze %dma_start3A_40 : memref<1x8x768xf32, #tpu.memory_space<vmem>> -> memref<8x768xf32, #tpu.memory_space<vmem>>
    %dma_start3A_42 = arith.constant 24 : i32
    %dma_start3A_43 = tpu.memref_slice %arg5[%dma_start3A_36, %dma_start3A_42] : memref<40x64xi32, #tpu.memory_space<vmem>> -> memref<1x8xi32, #tpu.memory_space<vmem>>
    %dma_start3A_44 = tpu.memref_squeeze %dma_start3A_43 : memref<1x8xi32, #tpu.memory_space<vmem>> -> memref<8xi32, #tpu.memory_space<vmem>>
    %dma_start3A_45 = arith.constant 0 : i32
    %dma_start3A_46 = arith.constant 0 : i32
    %dma_start3A_47 = tpu.memref_slice %arg3[%dma_start3A_45, %dma_start3A_46] : memref<256001x768xf32, #tpu.memory_space<hbm>> -> memref<256001x768xf32, #tpu.memory_space<hbm>>
    tpu.enqueue_indirect_dma source(%dma_start3A_47 : memref<256001x768xf32, #tpu.memory_space<hbm>>) target(%dma_start3A_41 : memref<8x768xf32, #tpu.memory_space<vmem>>) offsets(%dma_start3A_44 : memref<8xi32, #tpu.memory_space<vmem>>) semaphore(%arg8 : memref<!tpu.dma_semaphore, #tpu.memory_space<semaphore_mem>>)
    %dma_start3A_48 = arith.constant 0 : i32
    %dma_start3A_49 = arith.constant 4 : i32
    %dma_start3A_50 = arith.constant 0 : i32
    %dma_start3A_51 = arith.constant 0 : i32
    %dma_start3A_52 = tpu.memref_slice %arg6[%dma_start3A_49, %dma_start3A_50, %dma_start3A_51] : memref<8x8x768xf32, #tpu.memory_space<vmem>> -> memref<1x8x768xf32, #tpu.memory_space<vmem>>
    %dma_start3A_53 = tpu.memref_squeeze %dma_start3A_52 : memref<1x8x768xf32, #tpu.memory_space<vmem>> -> memref<8x768xf32, #tpu.memory_space<vmem>>
    %dma_start3A_54 = arith.constant 32 : i32
    %dma_start3A_55 = tpu.memref_slice %arg5[%dma_start3A_48, %dma_start3A_54] : memref<40x64xi32, #tpu.memory_space<vmem>> -> memref<1x8xi32, #tpu.memory_space<vmem>>
    %dma_start3A_56 = tpu.memref_squeeze %dma_start3A_55 : memref<1x8xi32, #tpu.memory_space<vmem>> -> memref<8xi32, #tpu.memory_space<vmem>>
    %dma_start3A_57 = arith.constant 0 : i32
    %dma_start3A_58 = arith.constant 0 : i32
    %dma_start3A_59 = tpu.memref_slice %arg3[%dma_start3A_57, %dma_start3A_58] : memref<256001x768xf32, #tpu.memory_space<hbm>> -> memref<256001x768xf32, #tpu.memory_space<hbm>>
    tpu.enqueue_indirect_dma source(%dma_start3A_59 : memref<256001x768xf32, #tpu.memory_space<hbm>>) target(%dma_start3A_53 : memref<8x768xf32, #tpu.memory_space<vmem>>) offsets(%dma_start3A_56 : memref<8xi32, #tpu.memory_space<vmem>>) semaphore(%arg8 : memref<!tpu.dma_semaphore, #tpu.memory_space<semaphore_mem>>)
    %dma_start3A_60 = arith.constant 0 : i32
    %dma_start3A_61 = arith.constant 5 : i32
    %dma_start3A_62 = arith.constant 0 : i32
    %dma_start3A_63 = arith.constant 0 : i32
    %dma_start3A_64 = tpu.memref_slice %arg6[%dma_start3A_61, %dma_start3A_62, %dma_start3A_63] : memref<8x8x768xf32, #tpu.memory_space<vmem>> -> memref<1x8x768xf32, #tpu.memory_space<vmem>>
    %dma_start3A_65 = tpu.memref_squeeze %dma_start3A_64 : memref<1x8x768xf32, #tpu.memory_space<vmem>> -> memref<8x768xf32, #tpu.memory_space<vmem>>
    %dma_start3A_66 = arith.constant 40 : i32
    %dma_start3A_67 = tpu.memref_slice %arg5[%dma_start3A_60, %dma_start3A_66] : memref<40x64xi32, #tpu.memory_space<vmem>> -> memref<1x8xi32, #tpu.memory_space<vmem>>
    %dma_start3A_68 = tpu.memref_squeeze %dma_start3A_67 : memref<1x8xi32, #tpu.memory_space<vmem>> -> memref<8xi32, #tpu.memory_space<vmem>>
    %dma_start3A_69 = arith.constant 0 : i32
    %dma_start3A_70 = arith.constant 0 : i32
    %dma_start3A_71 = tpu.memref_slice %arg3[%dma_start3A_69, %dma_start3A_70] : memref<256001x768xf32, #tpu.memory_space<hbm>> -> memref<256001x768xf32, #tpu.memory_space<hbm>>
    tpu.enqueue_indirect_dma source(%dma_start3A_71 : memref<256001x768xf32, #tpu.memory_space<hbm>>) target(%dma_start3A_65 : memref<8x768xf32, #tpu.memory_space<vmem>>) offsets(%dma_start3A_68 : memref<8xi32, #tpu.memory_space<vmem>>) semaphore(%arg8 : memref<!tpu.dma_semaphore, #tpu.memory_space<semaphore_mem>>)
    %dma_start3A_72 = arith.constant 0 : i32
    %dma_start3A_73 = arith.constant 6 : i32
    %dma_start3A_74 = arith.constant 0 : i32
    %dma_start3A_75 = arith.constant 0 : i32
    %dma_start3A_76 = tpu.memref_slice %arg6[%dma_start3A_73, %dma_start3A_74, %dma_start3A_75] : memref<8x8x768xf32, #tpu.memory_space<vmem>> -> memref<1x8x768xf32, #tpu.memory_space<vmem>>
    %dma_start3A_77 = tpu.memref_squeeze %dma_start3A_76 : memref<1x8x768xf32, #tpu.memory_space<vmem>> -> memref<8x768xf32, #tpu.memory_space<vmem>>
    %dma_start3A_78 = arith.constant 48 : i32
    %dma_start3A_79 = tpu.memref_slice %arg5[%dma_start3A_72, %dma_start3A_78] : memref<40x64xi32, #tpu.memory_space<vmem>> -> memref<1x8xi32, #tpu.memory_space<vmem>>
    %dma_start3A_80 = tpu.memref_squeeze %dma_start3A_79 : memref<1x8xi32, #tpu.memory_space<vmem>> -> memref<8xi32, #tpu.memory_space<vmem>>
    %dma_start3A_81 = arith.constant 0 : i32
    %dma_start3A_82 = arith.constant 0 : i32
    %dma_start3A_83 = tpu.memref_slice %arg3[%dma_start3A_81, %dma_start3A_82] : memref<256001x768xf32, #tpu.memory_space<hbm>> -> memref<256001x768xf32, #tpu.memory_space<hbm>>
    tpu.enqueue_indirect_dma source(%dma_start3A_83 : memref<256001x768xf32, #tpu.memory_space<hbm>>) target(%dma_start3A_77 : memref<8x768xf32, #tpu.memory_space<vmem>>) offsets(%dma_start3A_80 : memref<8xi32, #tpu.memory_space<vmem>>) semaphore(%arg8 : memref<!tpu.dma_semaphore, #tpu.memory_space<semaphore_mem>>)
    %dma_start3A_84 = arith.constant 0 : i32
    %dma_start3A_85 = arith.constant 7 : i32
    %dma_start3A_86 = arith.constant 0 : i32
    %dma_start3A_87 = arith.constant 0 : i32
    %dma_start3A_88 = tpu.memref_slice %arg6[%dma_start3A_85, %dma_start3A_86, %dma_start3A_87] : memref<8x8x768xf32, #tpu.memory_space<vmem>> -> memref<1x8x768xf32, #tpu.memory_space<vmem>>
    %dma_start3A_89 = tpu.memref_squeeze %dma_start3A_88 : memref<1x8x768xf32, #tpu.memory_space<vmem>> -> memref<8x768xf32, #tpu.memory_space<vmem>>
    %dma_start3A_90 = arith.constant 56 : i32
    %dma_start3A_91 = tpu.memref_slice %arg5[%dma_start3A_84, %dma_start3A_90] : memref<40x64xi32, #tpu.memory_space<vmem>> -> memref<1x8xi32, #tpu.memory_space<vmem>>
    %dma_start3A_92 = tpu.memref_squeeze %dma_start3A_91 : memref<1x8xi32, #tpu.memory_space<vmem>> -> memref<8xi32, #tpu.memory_space<vmem>>
    %dma_start3A_93 = arith.constant 0 : i32
    %dma_start3A_94 = arith.constant 0 : i32
    %dma_start3A_95 = tpu.memref_slice %arg3[%dma_start3A_93, %dma_start3A_94] : memref<256001x768xf32, #tpu.memory_space<hbm>> -> memref<256001x768xf32, #tpu.memory_space<hbm>>
    tpu.enqueue_indirect_dma source(%dma_start3A_95 : memref<256001x768xf32, #tpu.memory_space<hbm>>) target(%dma_start3A_89 : memref<8x768xf32, #tpu.memory_space<vmem>>) offsets(%dma_start3A_92 : memref<8xi32, #tpu.memory_space<vmem>>) semaphore(%arg8 : memref<!tpu.dma_semaphore, #tpu.memory_space<semaphore_mem>>)
    %scan3A = arith.constant 0 : i32
    %scan3A_96 = arith.constant 20 : i32
    %scan3A_97 = arith.addi %scan3A, %scan3A_96 : i32
    %scan3A_98 = arith.constant 1 : i32
    scf.for %scan3A_339 = %scan3A to %scan3A_97 step %scan3A_98  : i32 {
      %mul3A_340 = arith.constant 2 : i32
      %mul3A_341 = arith.muli %scan3A_339, %mul3A_340 : i32
      %add3A_342 = arith.constant 0 : i32
      %add3A_343 = arith.addi %add3A_342, %mul3A_341 : i32
      %add3A_344 = arith.constant 0 : i32
      %add3A_345 = arith.addi %add3A_343, %add3A_344 : i32
      %dma_wait3A_346 = arith.constant 0 : i32
      %dma_wait3A_347 = arith.constant 0 : i32
      %dma_wait3A_348 = arith.constant 0 : i32
      %dma_wait3A_349 = tpu.memref_slice %arg6[%dma_wait3A_346, %dma_wait3A_347, %dma_wait3A_348] : memref<8x8x768xf32, #tpu.memory_space<vmem>> -> memref<1x8x768xf32, #tpu.memory_space<vmem>>
      %dma_wait3A_350 = tpu.memref_squeeze %dma_wait3A_349 : memref<1x8x768xf32, #tpu.memory_space<vmem>> -> memref<8x768xf32, #tpu.memory_space<vmem>>
      %dma_wait3A_351 = arith.constant 0 : i32
      %dma_wait3A_352 = tpu.memref_slice %arg5[%add3A_345, %dma_wait3A_351] : memref<40x64xi32, #tpu.memory_space<vmem>> -> memref<1x8xi32, #tpu.memory_space<vmem>>
      %dma_wait3A_353 = tpu.memref_squeeze %dma_wait3A_352 : memref<1x8xi32, #tpu.memory_space<vmem>> -> memref<8xi32, #tpu.memory_space<vmem>>
      %dma_wait3A_354 = arith.constant 0 : i32
      %dma_wait3A_355 = arith.constant 0 : i32
      %dma_wait3A_356 = tpu.memref_slice %arg3[%dma_wait3A_354, %dma_wait3A_355] : memref<256001x768xf32, #tpu.memory_space<hbm>> -> memref<256001x768xf32, #tpu.memory_space<hbm>>
      tpu.wait_indirect_dma semaphore(%arg8 : memref<!tpu.dma_semaphore, #tpu.memory_space<semaphore_mem>>) src(%dma_wait3A_356 : memref<256001x768xf32, #tpu.memory_space<hbm>>) dst(%dma_wait3A_350 : memref<8x768xf32, #tpu.memory_space<vmem>>)
      %dma_wait3A_357 = arith.constant 1 : i32
      %dma_wait3A_358 = arith.constant 0 : i32
      %dma_wait3A_359 = arith.constant 0 : i32
      %dma_wait3A_360 = tpu.memref_slice %arg6[%dma_wait3A_357, %dma_wait3A_358, %dma_wait3A_359] : memref<8x8x768xf32, #tpu.memory_space<vmem>> -> memref<1x8x768xf32, #tpu.memory_space<vmem>>
      %dma_wait3A_361 = tpu.memref_squeeze %dma_wait3A_360 : memref<1x8x768xf32, #tpu.memory_space<vmem>> -> memref<8x768xf32, #tpu.memory_space<vmem>>
      %dma_wait3A_362 = arith.constant 8 : i32
      %dma_wait3A_363 = tpu.memref_slice %arg5[%add3A_345, %dma_wait3A_362] : memref<40x64xi32, #tpu.memory_space<vmem>> -> memref<1x8xi32, #tpu.memory_space<vmem>>
      %dma_wait3A_364 = tpu.memref_squeeze %dma_wait3A_363 : memref<1x8xi32, #tpu.memory_space<vmem>> -> memref<8xi32, #tpu.memory_space<vmem>>
      %dma_wait3A_365 = arith.constant 0 : i32
      %dma_wait3A_366 = arith.constant 0 : i32
      %dma_wait3A_367 = tpu.memref_slice %arg3[%dma_wait3A_365, %dma_wait3A_366] : memref<256001x768xf32, #tpu.memory_space<hbm>> -> memref<256001x768xf32, #tpu.memory_space<hbm>>
      tpu.wait_indirect_dma semaphore(%arg8 : memref<!tpu.dma_semaphore, #tpu.memory_space<semaphore_mem>>) src(%dma_wait3A_367 : memref<256001x768xf32, #tpu.memory_space<hbm>>) dst(%dma_wait3A_361 : memref<8x768xf32, #tpu.memory_space<vmem>>)
      %dma_wait3A_368 = arith.constant 2 : i32
      %dma_wait3A_369 = arith.constant 0 : i32
      %dma_wait3A_370 = arith.constant 0 : i32
      %dma_wait3A_371 = tpu.memref_slice %arg6[%dma_wait3A_368, %dma_wait3A_369, %dma_wait3A_370] : memref<8x8x768xf32, #tpu.memory_space<vmem>> -> memref<1x8x768xf32, #tpu.memory_space<vmem>>
      %dma_wait3A_372 = tpu.memref_squeeze %dma_wait3A_371 : memref<1x8x768xf32, #tpu.memory_space<vmem>> -> memref<8x768xf32, #tpu.memory_space<vmem>>
      %dma_wait3A_373 = arith.constant 16 : i32
      %dma_wait3A_374 = tpu.memref_slice %arg5[%add3A_345, %dma_wait3A_373] : memref<40x64xi32, #tpu.memory_space<vmem>> -> memref<1x8xi32, #tpu.memory_space<vmem>>
      %dma_wait3A_375 = tpu.memref_squeeze %dma_wait3A_374 : memref<1x8xi32, #tpu.memory_space<vmem>> -> memref<8xi32, #tpu.memory_space<vmem>>
      %dma_wait3A_376 = arith.constant 0 : i32
      %dma_wait3A_377 = arith.constant 0 : i32
      %dma_wait3A_378 = tpu.memref_slice %arg3[%dma_wait3A_376, %dma_wait3A_377] : memref<256001x768xf32, #tpu.memory_space<hbm>> -> memref<256001x768xf32, #tpu.memory_space<hbm>>
      tpu.wait_indirect_dma semaphore(%arg8 : memref<!tpu.dma_semaphore, #tpu.memory_space<semaphore_mem>>) src(%dma_wait3A_378 : memref<256001x768xf32, #tpu.memory_space<hbm>>) dst(%dma_wait3A_372 : memref<8x768xf32, #tpu.memory_space<vmem>>)
      %dma_wait3A_379 = arith.constant 3 : i32
      %dma_wait3A_380 = arith.constant 0 : i32
      %dma_wait3A_381 = arith.constant 0 : i32
      %dma_wait3A_382 = tpu.memref_slice %arg6[%dma_wait3A_379, %dma_wait3A_380, %dma_wait3A_381] : memref<8x8x768xf32, #tpu.memory_space<vmem>> -> memref<1x8x768xf32, #tpu.memory_space<vmem>>
      %dma_wait3A_383 = tpu.memref_squeeze %dma_wait3A_382 : memref<1x8x768xf32, #tpu.memory_space<vmem>> -> memref<8x768xf32, #tpu.memory_space<vmem>>
      %dma_wait3A_384 = arith.constant 24 : i32
      %dma_wait3A_385 = tpu.memref_slice %arg5[%add3A_345, %dma_wait3A_384] : memref<40x64xi32, #tpu.memory_space<vmem>> -> memref<1x8xi32, #tpu.memory_space<vmem>>
      %dma_wait3A_386 = tpu.memref_squeeze %dma_wait3A_385 : memref<1x8xi32, #tpu.memory_space<vmem>> -> memref<8xi32, #tpu.memory_space<vmem>>
      %dma_wait3A_387 = arith.constant 0 : i32
      %dma_wait3A_388 = arith.constant 0 : i32
      %dma_wait3A_389 = tpu.memref_slice %arg3[%dma_wait3A_387, %dma_wait3A_388] : memref<256001x768xf32, #tpu.memory_space<hbm>> -> memref<256001x768xf32, #tpu.memory_space<hbm>>
      tpu.wait_indirect_dma semaphore(%arg8 : memref<!tpu.dma_semaphore, #tpu.memory_space<semaphore_mem>>) src(%dma_wait3A_389 : memref<256001x768xf32, #tpu.memory_space<hbm>>) dst(%dma_wait3A_383 : memref<8x768xf32, #tpu.memory_space<vmem>>)
      %dma_wait3A_390 = arith.constant 4 : i32
      %dma_wait3A_391 = arith.constant 0 : i32
      %dma_wait3A_392 = arith.constant 0 : i32
      %dma_wait3A_393 = tpu.memref_slice %arg6[%dma_wait3A_390, %dma_wait3A_391, %dma_wait3A_392] : memref<8x8x768xf32, #tpu.memory_space<vmem>> -> memref<1x8x768xf32, #tpu.memory_space<vmem>>
      %dma_wait3A_394 = tpu.memref_squeeze %dma_wait3A_393 : memref<1x8x768xf32, #tpu.memory_space<vmem>> -> memref<8x768xf32, #tpu.memory_space<vmem>>
      %dma_wait3A_395 = arith.constant 32 : i32
      %dma_wait3A_396 = tpu.memref_slice %arg5[%add3A_345, %dma_wait3A_395] : memref<40x64xi32, #tpu.memory_space<vmem>> -> memref<1x8xi32, #tpu.memory_space<vmem>>
      %dma_wait3A_397 = tpu.memref_squeeze %dma_wait3A_396 : memref<1x8xi32, #tpu.memory_space<vmem>> -> memref<8xi32, #tpu.memory_space<vmem>>
      %dma_wait3A_398 = arith.constant 0 : i32
      %dma_wait3A_399 = arith.constant 0 : i32
      %dma_wait3A_400 = tpu.memref_slice %arg3[%dma_wait3A_398, %dma_wait3A_399] : memref<256001x768xf32, #tpu.memory_space<hbm>> -> memref<256001x768xf32, #tpu.memory_space<hbm>>
      tpu.wait_indirect_dma semaphore(%arg8 : memref<!tpu.dma_semaphore, #tpu.memory_space<semaphore_mem>>) src(%dma_wait3A_400 : memref<256001x768xf32, #tpu.memory_space<hbm>>) dst(%dma_wait3A_394 : memref<8x768xf32, #tpu.memory_space<vmem>>)
      %dma_wait3A_401 = arith.constant 5 : i32
      %dma_wait3A_402 = arith.constant 0 : i32
      %dma_wait3A_403 = arith.constant 0 : i32
      %dma_wait3A_404 = tpu.memref_slice %arg6[%dma_wait3A_401, %dma_wait3A_402, %dma_wait3A_403] : memref<8x8x768xf32, #tpu.memory_space<vmem>> -> memref<1x8x768xf32, #tpu.memory_space<vmem>>
      %dma_wait3A_405 = tpu.memref_squeeze %dma_wait3A_404 : memref<1x8x768xf32, #tpu.memory_space<vmem>> -> memref<8x768xf32, #tpu.memory_space<vmem>>
      %dma_wait3A_406 = arith.constant 40 : i32
      %dma_wait3A_407 = tpu.memref_slice %arg5[%add3A_345, %dma_wait3A_406] : memref<40x64xi32, #tpu.memory_space<vmem>> -> memref<1x8xi32, #tpu.memory_space<vmem>>
      %dma_wait3A_408 = tpu.memref_squeeze %dma_wait3A_407 : memref<1x8xi32, #tpu.memory_space<vmem>> -> memref<8xi32, #tpu.memory_space<vmem>>
      %dma_wait3A_409 = arith.constant 0 : i32
      %dma_wait3A_410 = arith.constant 0 : i32
      %dma_wait3A_411 = tpu.memref_slice %arg3[%dma_wait3A_409, %dma_wait3A_410] : memref<256001x768xf32, #tpu.memory_space<hbm>> -> memref<256001x768xf32, #tpu.memory_space<hbm>>
      tpu.wait_indirect_dma semaphore(%arg8 : memref<!tpu.dma_semaphore, #tpu.memory_space<semaphore_mem>>) src(%dma_wait3A_411 : memref<256001x768xf32, #tpu.memory_space<hbm>>) dst(%dma_wait3A_405 : memref<8x768xf32, #tpu.memory_space<vmem>>)
      %dma_wait3A_412 = arith.constant 6 : i32
      %dma_wait3A_413 = arith.constant 0 : i32
      %dma_wait3A_414 = arith.constant 0 : i32
      %dma_wait3A_415 = tpu.memref_slice %arg6[%dma_wait3A_412, %dma_wait3A_413, %dma_wait3A_414] : memref<8x8x768xf32, #tpu.memory_space<vmem>> -> memref<1x8x768xf32, #tpu.memory_space<vmem>>
      %dma_wait3A_416 = tpu.memref_squeeze %dma_wait3A_415 : memref<1x8x768xf32, #tpu.memory_space<vmem>> -> memref<8x768xf32, #tpu.memory_space<vmem>>
      %dma_wait3A_417 = arith.constant 48 : i32
      %dma_wait3A_418 = tpu.memref_slice %arg5[%add3A_345, %dma_wait3A_417] : memref<40x64xi32, #tpu.memory_space<vmem>> -> memref<1x8xi32, #tpu.memory_space<vmem>>
      %dma_wait3A_419 = tpu.memref_squeeze %dma_wait3A_418 : memref<1x8xi32, #tpu.memory_space<vmem>> -> memref<8xi32, #tpu.memory_space<vmem>>
      %dma_wait3A_420 = arith.constant 0 : i32
      %dma_wait3A_421 = arith.constant 0 : i32
      %dma_wait3A_422 = tpu.memref_slice %arg3[%dma_wait3A_420, %dma_wait3A_421] : memref<256001x768xf32, #tpu.memory_space<hbm>> -> memref<256001x768xf32, #tpu.memory_space<hbm>>
      tpu.wait_indirect_dma semaphore(%arg8 : memref<!tpu.dma_semaphore, #tpu.memory_space<semaphore_mem>>) src(%dma_wait3A_422 : memref<256001x768xf32, #tpu.memory_space<hbm>>) dst(%dma_wait3A_416 : memref<8x768xf32, #tpu.memory_space<vmem>>)
      %dma_wait3A_423 = arith.constant 7 : i32
      %dma_wait3A_424 = arith.constant 0 : i32
      %dma_wait3A_425 = arith.constant 0 : i32
      %dma_wait3A_426 = tpu.memref_slice %arg6[%dma_wait3A_423, %dma_wait3A_424, %dma_wait3A_425] : memref<8x8x768xf32, #tpu.memory_space<vmem>> -> memref<1x8x768xf32, #tpu.memory_space<vmem>>
      %dma_wait3A_427 = tpu.memref_squeeze %dma_wait3A_426 : memref<1x8x768xf32, #tpu.memory_space<vmem>> -> memref<8x768xf32, #tpu.memory_space<vmem>>
      %dma_wait3A_428 = arith.constant 56 : i32
      %dma_wait3A_429 = tpu.memref_slice %arg5[%add3A_345, %dma_wait3A_428] : memref<40x64xi32, #tpu.memory_space<vmem>> -> memref<1x8xi32, #tpu.memory_space<vmem>>
      %dma_wait3A_430 = tpu.memref_squeeze %dma_wait3A_429 : memref<1x8xi32, #tpu.memory_space<vmem>> -> memref<8xi32, #tpu.memory_space<vmem>>
      %dma_wait3A_431 = arith.constant 0 : i32
      %dma_wait3A_432 = arith.constant 0 : i32
      %dma_wait3A_433 = tpu.memref_slice %arg3[%dma_wait3A_431, %dma_wait3A_432] : memref<256001x768xf32, #tpu.memory_space<hbm>> -> memref<256001x768xf32, #tpu.memory_space<hbm>>
      tpu.wait_indirect_dma semaphore(%arg8 : memref<!tpu.dma_semaphore, #tpu.memory_space<semaphore_mem>>) src(%dma_wait3A_433 : memref<256001x768xf32, #tpu.memory_space<hbm>>) dst(%dma_wait3A_427 : memref<8x768xf32, #tpu.memory_space<vmem>>)
      %dma_start3A_434 = arith.constant 0 : i32
      %dma_start3A_435 = arith.constant 0 : i32
      %dma_start3A_436 = arith.constant 0 : i32
      %dma_start3A_437 = arith.constant 0 : i32
      %dma_start3A_438 = tpu.memref_slice %arg6[%dma_start3A_435, %dma_start3A_436, %dma_start3A_437] : memref<8x8x768xf32, #tpu.memory_space<vmem>> -> memref<8x8x128xf32, #tpu.memory_space<vmem>>
      %dma_start3A_439 = arith.constant 0 : i32
      %dma_start3A_440 = arith.constant 0 : i32
      %dma_start3A_441 = arith.constant 0 : i32
      %dma_start3A_442 = tpu.memref_slice %arg4[%add3A, %add3A_345, %dma_start3A_439, %dma_start3A_434, %dma_start3A_440, %dma_start3A_441] : memref<32x40x8x6x8x128xf32, #tpu.memory_space<hbm>> -> memref<1x1x8x1x8x128xf32, #tpu.memory_space<hbm>>
      %dma_start3A_443 = tpu.memref_squeeze %dma_start3A_442 : memref<1x1x8x1x8x128xf32, #tpu.memory_space<hbm>> -> memref<8x8x128xf32, #tpu.memory_space<hbm>>
      %dma_start3A_444 = arith.constant 0 : i32
      %dma_start3A_445 = arith.constant 0 : i32
      %dma_start3A_446 = arith.constant 0 : i32
      %dma_start3A_447 = tpu.memref_slice %arg4[%add3A, %add3A_345, %dma_start3A_444, %dma_start3A_434, %dma_start3A_445, %dma_start3A_446] : memref<32x40x8x6x8x128xf32, #tpu.memory_space<hbm>> -> memref<1x1x8x1x8x128xf32, #tpu.memory_space<hbm>>
      %dma_start3A_448 = tpu.memref_squeeze %dma_start3A_447 : memref<1x1x8x1x8x128xf32, #tpu.memory_space<hbm>> -> memref<8x8x128xf32, #tpu.memory_space<hbm>>
      %dma_start3A_449 = arith.constant 0 : i32
      %dma_start3A_450 = arith.constant 0 : i32
      %dma_start3A_451 = arith.constant 0 : i32
      %dma_start3A_452 = tpu.memref_slice %arg6[%dma_start3A_449, %dma_start3A_450, %dma_start3A_451] : memref<8x8x768xf32, #tpu.memory_space<vmem>> -> memref<8x8x128xf32, #tpu.memory_space<vmem>>
      tpu.enqueue_dma source(%dma_start3A_452 : memref<8x8x128xf32, #tpu.memory_space<vmem>>) target(%dma_start3A_448 : memref<8x8x128xf32, #tpu.memory_space<hbm>>) target_semaphore(%arg10 : memref<!tpu.dma_semaphore, #tpu.memory_space<semaphore_mem>>)
      %dma_start3A_453 = arith.constant 1 : i32
      %dma_start3A_454 = arith.constant 0 : i32
      %dma_start3A_455 = arith.constant 0 : i32
      %dma_start3A_456 = arith.constant 128 : i32
      %dma_start3A_457 = tpu.memref_slice %arg6[%dma_start3A_454, %dma_start3A_455, %dma_start3A_456] : memref<8x8x768xf32, #tpu.memory_space<vmem>> -> memref<8x8x128xf32, #tpu.memory_space<vmem>>
      %dma_start3A_458 = arith.constant 0 : i32
      %dma_start3A_459 = arith.constant 0 : i32
      %dma_start3A_460 = arith.constant 0 : i32
      %dma_start3A_461 = tpu.memref_slice %arg4[%add3A, %add3A_345, %dma_start3A_458, %dma_start3A_453, %dma_start3A_459, %dma_start3A_460] : memref<32x40x8x6x8x128xf32, #tpu.memory_space<hbm>> -> memref<1x1x8x1x8x128xf32, #tpu.memory_space<hbm>>
      %dma_start3A_462 = tpu.memref_squeeze %dma_start3A_461 : memref<1x1x8x1x8x128xf32, #tpu.memory_space<hbm>> -> memref<8x8x128xf32, #tpu.memory_space<hbm>>
      %dma_start3A_463 = arith.constant 0 : i32
      %dma_start3A_464 = arith.constant 0 : i32
      %dma_start3A_465 = arith.constant 0 : i32
      %dma_start3A_466 = tpu.memref_slice %arg4[%add3A, %add3A_345, %dma_start3A_463, %dma_start3A_453, %dma_start3A_464, %dma_start3A_465] : memref<32x40x8x6x8x128xf32, #tpu.memory_space<hbm>> -> memref<1x1x8x1x8x128xf32, #tpu.memory_space<hbm>>
      %dma_start3A_467 = tpu.memref_squeeze %dma_start3A_466 : memref<1x1x8x1x8x128xf32, #tpu.memory_space<hbm>> -> memref<8x8x128xf32, #tpu.memory_space<hbm>>
      %dma_start3A_468 = arith.constant 0 : i32
      %dma_start3A_469 = arith.constant 0 : i32
      %dma_start3A_470 = arith.constant 128 : i32
      %dma_start3A_471 = tpu.memref_slice %arg6[%dma_start3A_468, %dma_start3A_469, %dma_start3A_470] : memref<8x8x768xf32, #tpu.memory_space<vmem>> -> memref<8x8x128xf32, #tpu.memory_space<vmem>>
      tpu.enqueue_dma source(%dma_start3A_471 : memref<8x8x128xf32, #tpu.memory_space<vmem>>) target(%dma_start3A_467 : memref<8x8x128xf32, #tpu.memory_space<hbm>>) target_semaphore(%arg10 : memref<!tpu.dma_semaphore, #tpu.memory_space<semaphore_mem>>)
      %dma_start3A_472 = arith.constant 2 : i32
      %dma_start3A_473 = arith.constant 0 : i32
      %dma_start3A_474 = arith.constant 0 : i32
      %dma_start3A_475 = arith.constant 256 : i32
      %dma_start3A_476 = tpu.memref_slice %arg6[%dma_start3A_473, %dma_start3A_474, %dma_start3A_475] : memref<8x8x768xf32, #tpu.memory_space<vmem>> -> memref<8x8x128xf32, #tpu.memory_space<vmem>>
      %dma_start3A_477 = arith.constant 0 : i32
      %dma_start3A_478 = arith.constant 0 : i32
      %dma_start3A_479 = arith.constant 0 : i32
      %dma_start3A_480 = tpu.memref_slice %arg4[%add3A, %add3A_345, %dma_start3A_477, %dma_start3A_472, %dma_start3A_478, %dma_start3A_479] : memref<32x40x8x6x8x128xf32, #tpu.memory_space<hbm>> -> memref<1x1x8x1x8x128xf32, #tpu.memory_space<hbm>>
      %dma_start3A_481 = tpu.memref_squeeze %dma_start3A_480 : memref<1x1x8x1x8x128xf32, #tpu.memory_space<hbm>> -> memref<8x8x128xf32, #tpu.memory_space<hbm>>
      %dma_start3A_482 = arith.constant 0 : i32
      %dma_start3A_483 = arith.constant 0 : i32
      %dma_start3A_484 = arith.constant 0 : i32
      %dma_start3A_485 = tpu.memref_slice %arg4[%add3A, %add3A_345, %dma_start3A_482, %dma_start3A_472, %dma_start3A_483, %dma_start3A_484] : memref<32x40x8x6x8x128xf32, #tpu.memory_space<hbm>> -> memref<1x1x8x1x8x128xf32, #tpu.memory_space<hbm>>
      %dma_start3A_486 = tpu.memref_squeeze %dma_start3A_485 : memref<1x1x8x1x8x128xf32, #tpu.memory_space<hbm>> -> memref<8x8x128xf32, #tpu.memory_space<hbm>>
      %dma_start3A_487 = arith.constant 0 : i32
      %dma_start3A_488 = arith.constant 0 : i32
      %dma_start3A_489 = arith.constant 256 : i32
      %dma_start3A_490 = tpu.memref_slice %arg6[%dma_start3A_487, %dma_start3A_488, %dma_start3A_489] : memref<8x8x768xf32, #tpu.memory_space<vmem>> -> memref<8x8x128xf32, #tpu.memory_space<vmem>>
      tpu.enqueue_dma source(%dma_start3A_490 : memref<8x8x128xf32, #tpu.memory_space<vmem>>) target(%dma_start3A_486 : memref<8x8x128xf32, #tpu.memory_space<hbm>>) target_semaphore(%arg10 : memref<!tpu.dma_semaphore, #tpu.memory_space<semaphore_mem>>)
      %dma_start3A_491 = arith.constant 3 : i32
      %dma_start3A_492 = arith.constant 0 : i32
      %dma_start3A_493 = arith.constant 0 : i32
      %dma_start3A_494 = arith.constant 384 : i32
      %dma_start3A_495 = tpu.memref_slice %arg6[%dma_start3A_492, %dma_start3A_493, %dma_start3A_494] : memref<8x8x768xf32, #tpu.memory_space<vmem>> -> memref<8x8x128xf32, #tpu.memory_space<vmem>>
      %dma_start3A_496 = arith.constant 0 : i32
      %dma_start3A_497 = arith.constant 0 : i32
      %dma_start3A_498 = arith.constant 0 : i32
      %dma_start3A_499 = tpu.memref_slice %arg4[%add3A, %add3A_345, %dma_start3A_496, %dma_start3A_491, %dma_start3A_497, %dma_start3A_498] : memref<32x40x8x6x8x128xf32, #tpu.memory_space<hbm>> -> memref<1x1x8x1x8x128xf32, #tpu.memory_space<hbm>>
      %dma_start3A_500 = tpu.memref_squeeze %dma_start3A_499 : memref<1x1x8x1x8x128xf32, #tpu.memory_space<hbm>> -> memref<8x8x128xf32, #tpu.memory_space<hbm>>
      %dma_start3A_501 = arith.constant 0 : i32
      %dma_start3A_502 = arith.constant 0 : i32
      %dma_start3A_503 = arith.constant 0 : i32
      %dma_start3A_504 = tpu.memref_slice %arg4[%add3A, %add3A_345, %dma_start3A_501, %dma_start3A_491, %dma_start3A_502, %dma_start3A_503] : memref<32x40x8x6x8x128xf32, #tpu.memory_space<hbm>> -> memref<1x1x8x1x8x128xf32, #tpu.memory_space<hbm>>
      %dma_start3A_505 = tpu.memref_squeeze %dma_start3A_504 : memref<1x1x8x1x8x128xf32, #tpu.memory_space<hbm>> -> memref<8x8x128xf32, #tpu.memory_space<hbm>>
      %dma_start3A_506 = arith.constant 0 : i32
      %dma_start3A_507 = arith.constant 0 : i32
      %dma_start3A_508 = arith.constant 384 : i32
      %dma_start3A_509 = tpu.memref_slice %arg6[%dma_start3A_506, %dma_start3A_507, %dma_start3A_508] : memref<8x8x768xf32, #tpu.memory_space<vmem>> -> memref<8x8x128xf32, #tpu.memory_space<vmem>>
      tpu.enqueue_dma source(%dma_start3A_509 : memref<8x8x128xf32, #tpu.memory_space<vmem>>) target(%dma_start3A_505 : memref<8x8x128xf32, #tpu.memory_space<hbm>>) target_semaphore(%arg10 : memref<!tpu.dma_semaphore, #tpu.memory_space<semaphore_mem>>)
      %dma_start3A_510 = arith.constant 4 : i32
      %dma_start3A_511 = arith.constant 0 : i32
      %dma_start3A_512 = arith.constant 0 : i32
      %dma_start3A_513 = arith.constant 512 : i32
      %dma_start3A_514 = tpu.memref_slice %arg6[%dma_start3A_511, %dma_start3A_512, %dma_start3A_513] : memref<8x8x768xf32, #tpu.memory_space<vmem>> -> memref<8x8x128xf32, #tpu.memory_space<vmem>>
      %dma_start3A_515 = arith.constant 0 : i32
      %dma_start3A_516 = arith.constant 0 : i32
      %dma_start3A_517 = arith.constant 0 : i32
      %dma_start3A_518 = tpu.memref_slice %arg4[%add3A, %add3A_345, %dma_start3A_515, %dma_start3A_510, %dma_start3A_516, %dma_start3A_517] : memref<32x40x8x6x8x128xf32, #tpu.memory_space<hbm>> -> memref<1x1x8x1x8x128xf32, #tpu.memory_space<hbm>>
      %dma_start3A_519 = tpu.memref_squeeze %dma_start3A_518 : memref<1x1x8x1x8x128xf32, #tpu.memory_space<hbm>> -> memref<8x8x128xf32, #tpu.memory_space<hbm>>
      %dma_start3A_520 = arith.constant 0 : i32
      %dma_start3A_521 = arith.constant 0 : i32
      %dma_start3A_522 = arith.constant 0 : i32
      %dma_start3A_523 = tpu.memref_slice %arg4[%add3A, %add3A_345, %dma_start3A_520, %dma_start3A_510, %dma_start3A_521, %dma_start3A_522] : memref<32x40x8x6x8x128xf32, #tpu.memory_space<hbm>> -> memref<1x1x8x1x8x128xf32, #tpu.memory_space<hbm>>
      %dma_start3A_524 = tpu.memref_squeeze %dma_start3A_523 : memref<1x1x8x1x8x128xf32, #tpu.memory_space<hbm>> -> memref<8x8x128xf32, #tpu.memory_space<hbm>>
      %dma_start3A_525 = arith.constant 0 : i32
      %dma_start3A_526 = arith.constant 0 : i32
      %dma_start3A_527 = arith.constant 512 : i32
      %dma_start3A_528 = tpu.memref_slice %arg6[%dma_start3A_525, %dma_start3A_526, %dma_start3A_527] : memref<8x8x768xf32, #tpu.memory_space<vmem>> -> memref<8x8x128xf32, #tpu.memory_space<vmem>>
      tpu.enqueue_dma source(%dma_start3A_528 : memref<8x8x128xf32, #tpu.memory_space<vmem>>) target(%dma_start3A_524 : memref<8x8x128xf32, #tpu.memory_space<hbm>>) target_semaphore(%arg10 : memref<!tpu.dma_semaphore, #tpu.memory_space<semaphore_mem>>)
      %dma_start3A_529 = arith.constant 5 : i32
      %dma_start3A_530 = arith.constant 0 : i32
      %dma_start3A_531 = arith.constant 0 : i32
      %dma_start3A_532 = arith.constant 640 : i32
      %dma_start3A_533 = tpu.memref_slice %arg6[%dma_start3A_530, %dma_start3A_531, %dma_start3A_532] : memref<8x8x768xf32, #tpu.memory_space<vmem>> -> memref<8x8x128xf32, #tpu.memory_space<vmem>>
      %dma_start3A_534 = arith.constant 0 : i32
      %dma_start3A_535 = arith.constant 0 : i32
      %dma_start3A_536 = arith.constant 0 : i32
      %dma_start3A_537 = tpu.memref_slice %arg4[%add3A, %add3A_345, %dma_start3A_534, %dma_start3A_529, %dma_start3A_535, %dma_start3A_536] : memref<32x40x8x6x8x128xf32, #tpu.memory_space<hbm>> -> memref<1x1x8x1x8x128xf32, #tpu.memory_space<hbm>>
      %dma_start3A_538 = tpu.memref_squeeze %dma_start3A_537 : memref<1x1x8x1x8x128xf32, #tpu.memory_space<hbm>> -> memref<8x8x128xf32, #tpu.memory_space<hbm>>
      %dma_start3A_539 = arith.constant 0 : i32
      %dma_start3A_540 = arith.constant 0 : i32
      %dma_start3A_541 = arith.constant 0 : i32
      %dma_start3A_542 = tpu.memref_slice %arg4[%add3A, %add3A_345, %dma_start3A_539, %dma_start3A_529, %dma_start3A_540, %dma_start3A_541] : memref<32x40x8x6x8x128xf32, #tpu.memory_space<hbm>> -> memref<1x1x8x1x8x128xf32, #tpu.memory_space<hbm>>
      %dma_start3A_543 = tpu.memref_squeeze %dma_start3A_542 : memref<1x1x8x1x8x128xf32, #tpu.memory_space<hbm>> -> memref<8x8x128xf32, #tpu.memory_space<hbm>>
      %dma_start3A_544 = arith.constant 0 : i32
      %dma_start3A_545 = arith.constant 0 : i32
      %dma_start3A_546 = arith.constant 640 : i32
      %dma_start3A_547 = tpu.memref_slice %arg6[%dma_start3A_544, %dma_start3A_545, %dma_start3A_546] : memref<8x8x768xf32, #tpu.memory_space<vmem>> -> memref<8x8x128xf32, #tpu.memory_space<vmem>>
      tpu.enqueue_dma source(%dma_start3A_547 : memref<8x8x128xf32, #tpu.memory_space<vmem>>) target(%dma_start3A_543 : memref<8x8x128xf32, #tpu.memory_space<hbm>>) target_semaphore(%arg10 : memref<!tpu.dma_semaphore, #tpu.memory_space<semaphore_mem>>)
      %add3A_548 = arith.constant 1 : i32
      %add3A_549 = arith.addi %add3A_345, %add3A_548 : i32
      %lt3A = arith.constant 40 : i32
      %lt3A_550 = arith.cmpi slt, %add3A_549, %lt3A : i32
      %convert_element_type3A = arith.extui %lt3A_550 : i1 to i32
      %cond3A = arith.constant 0 : i32
      %cond3A_551 = arith.cmpi ne, %convert_element_type3A, %cond3A : i32
      scf.if %cond3A_551 {
        %ge3A = arith.constant 1 : i32
        %ge3A_763 = arith.cmpi sge, %add3A_345, %ge3A : i32
        %convert_element_type3A_764 = arith.extui %ge3A_763 : i1 to i32
        %cond3A_765 = arith.constant 0 : i32
        %cond3A_766 = arith.cmpi ne, %convert_element_type3A_764, %cond3A_765 : i32
        scf.if %cond3A_766 {
          %sub3A = arith.constant 1 : i32
          %sub3A_857 = arith.subi %add3A_345, %sub3A : i32
          %dma_wait3A_858 = arith.constant 0 : i32
          %dma_wait3A_859 = arith.constant 0 : i32
          %dma_wait3A_860 = arith.constant 0 : i32
          %dma_wait3A_861 = arith.constant 0 : i32
          %dma_wait3A_862 = tpu.memref_slice %arg7[%dma_wait3A_859, %dma_wait3A_860, %dma_wait3A_861] : memref<8x8x768xf32, #tpu.memory_space<vmem>> -> memref<8x8x128xf32, #tpu.memory_space<vmem>>
          %dma_wait3A_863 = arith.constant 0 : i32
          %dma_wait3A_864 = arith.constant 0 : i32
          %dma_wait3A_865 = arith.constant 0 : i32
          %dma_wait3A_866 = tpu.memref_slice %arg4[%add3A, %sub3A_857, %dma_wait3A_863, %dma_wait3A_858, %dma_wait3A_864, %dma_wait3A_865] : memref<32x40x8x6x8x128xf32, #tpu.memory_space<hbm>> -> memref<1x1x8x1x8x128xf32, #tpu.memory_space<hbm>>
          %dma_wait3A_867 = tpu.memref_squeeze %dma_wait3A_866 : memref<1x1x8x1x8x128xf32, #tpu.memory_space<hbm>> -> memref<8x8x128xf32, #tpu.memory_space<hbm>>
          %dma_wait3A_868 = arith.constant 0 : i32
          %dma_wait3A_869 = arith.constant 0 : i32
          %dma_wait3A_870 = arith.constant 0 : i32
          %dma_wait3A_871 = tpu.memref_slice %arg4[%add3A, %sub3A_857, %dma_wait3A_868, %dma_wait3A_858, %dma_wait3A_869, %dma_wait3A_870] : memref<32x40x8x6x8x128xf32, #tpu.memory_space<hbm>> -> memref<1x1x8x1x8x128xf32, #tpu.memory_space<hbm>>
          %dma_wait3A_872 = tpu.memref_squeeze %dma_wait3A_871 : memref<1x1x8x1x8x128xf32, #tpu.memory_space<hbm>> -> memref<8x8x128xf32, #tpu.memory_space<hbm>>
          %dma_wait3A_873 = arith.constant 0 : i32
          %dma_wait3A_874 = arith.constant 0 : i32
          %dma_wait3A_875 = arith.constant 0 : i32
          %dma_wait3A_876 = tpu.memref_slice %arg7[%dma_wait3A_873, %dma_wait3A_874, %dma_wait3A_875] : memref<8x8x768xf32, #tpu.memory_space<vmem>> -> memref<8x8x128xf32, #tpu.memory_space<vmem>>
          tpu.wait_dma2 semaphore(%arg11 : memref<!tpu.dma_semaphore, #tpu.memory_space<semaphore_mem>>) src(%dma_wait3A_876 : memref<8x8x128xf32, #tpu.memory_space<vmem>>) dst(%dma_wait3A_872 : memref<8x8x128xf32, #tpu.memory_space<hbm>>)
          %dma_wait3A_877 = arith.constant 1 : i32
          %dma_wait3A_878 = arith.constant 0 : i32
          %dma_wait3A_879 = arith.constant 0 : i32
          %dma_wait3A_880 = arith.constant 128 : i32
          %dma_wait3A_881 = tpu.memref_slice %arg7[%dma_wait3A_878, %dma_wait3A_879, %dma_wait3A_880] : memref<8x8x768xf32, #tpu.memory_space<vmem>> -> memref<8x8x128xf32, #tpu.memory_space<vmem>>
          %dma_wait3A_882 = arith.constant 0 : i32
          %dma_wait3A_883 = arith.constant 0 : i32
          %dma_wait3A_884 = arith.constant 0 : i32
          %dma_wait3A_885 = tpu.memref_slice %arg4[%add3A, %sub3A_857, %dma_wait3A_882, %dma_wait3A_877, %dma_wait3A_883, %dma_wait3A_884] : memref<32x40x8x6x8x128xf32, #tpu.memory_space<hbm>> -> memref<1x1x8x1x8x128xf32, #tpu.memory_space<hbm>>
          %dma_wait3A_886 = tpu.memref_squeeze %dma_wait3A_885 : memref<1x1x8x1x8x128xf32, #tpu.memory_space<hbm>> -> memref<8x8x128xf32, #tpu.memory_space<hbm>>
          %dma_wait3A_887 = arith.constant 0 : i32
          %dma_wait3A_888 = arith.constant 0 : i32
          %dma_wait3A_889 = arith.constant 0 : i32
          %dma_wait3A_890 = tpu.memref_slice %arg4[%add3A, %sub3A_857, %dma_wait3A_887, %dma_wait3A_877, %dma_wait3A_888, %dma_wait3A_889] : memref<32x40x8x6x8x128xf32, #tpu.memory_space<hbm>> -> memref<1x1x8x1x8x128xf32, #tpu.memory_space<hbm>>
          %dma_wait3A_891 = tpu.memref_squeeze %dma_wait3A_890 : memref<1x1x8x1x8x128xf32, #tpu.memory_space<hbm>> -> memref<8x8x128xf32, #tpu.memory_space<hbm>>
          %dma_wait3A_892 = arith.constant 0 : i32
          %dma_wait3A_893 = arith.constant 0 : i32
          %dma_wait3A_894 = arith.constant 128 : i32
          %dma_wait3A_895 = tpu.memref_slice %arg7[%dma_wait3A_892, %dma_wait3A_893, %dma_wait3A_894] : memref<8x8x768xf32, #tpu.memory_space<vmem>> -> memref<8x8x128xf32, #tpu.memory_space<vmem>>
          tpu.wait_dma2 semaphore(%arg11 : memref<!tpu.dma_semaphore, #tpu.memory_space<semaphore_mem>>) src(%dma_wait3A_895 : memref<8x8x128xf32, #tpu.memory_space<vmem>>) dst(%dma_wait3A_891 : memref<8x8x128xf32, #tpu.memory_space<hbm>>)
          %dma_wait3A_896 = arith.constant 2 : i32
          %dma_wait3A_897 = arith.constant 0 : i32
          %dma_wait3A_898 = arith.constant 0 : i32
          %dma_wait3A_899 = arith.constant 256 : i32
          %dma_wait3A_900 = tpu.memref_slice %arg7[%dma_wait3A_897, %dma_wait3A_898, %dma_wait3A_899] : memref<8x8x768xf32, #tpu.memory_space<vmem>> -> memref<8x8x128xf32, #tpu.memory_space<vmem>>
          %dma_wait3A_901 = arith.constant 0 : i32
          %dma_wait3A_902 = arith.constant 0 : i32
          %dma_wait3A_903 = arith.constant 0 : i32
          %dma_wait3A_904 = tpu.memref_slice %arg4[%add3A, %sub3A_857, %dma_wait3A_901, %dma_wait3A_896, %dma_wait3A_902, %dma_wait3A_903] : memref<32x40x8x6x8x128xf32, #tpu.memory_space<hbm>> -> memref<1x1x8x1x8x128xf32, #tpu.memory_space<hbm>>
          %dma_wait3A_905 = tpu.memref_squeeze %dma_wait3A_904 : memref<1x1x8x1x8x128xf32, #tpu.memory_space<hbm>> -> memref<8x8x128xf32, #tpu.memory_space<hbm>>
          %dma_wait3A_906 = arith.constant 0 : i32
          %dma_wait3A_907 = arith.constant 0 : i32
          %dma_wait3A_908 = arith.constant 0 : i32
          %dma_wait3A_909 = tpu.memref_slice %arg4[%add3A, %sub3A_857, %dma_wait3A_906, %dma_wait3A_896, %dma_wait3A_907, %dma_wait3A_908] : memref<32x40x8x6x8x128xf32, #tpu.memory_space<hbm>> -> memref<1x1x8x1x8x128xf32, #tpu.memory_space<hbm>>
          %dma_wait3A_910 = tpu.memref_squeeze %dma_wait3A_909 : memref<1x1x8x1x8x128xf32, #tpu.memory_space<hbm>> -> memref<8x8x128xf32, #tpu.memory_space<hbm>>
          %dma_wait3A_911 = arith.constant 0 : i32
          %dma_wait3A_912 = arith.constant 0 : i32
          %dma_wait3A_913 = arith.constant 256 : i32
          %dma_wait3A_914 = tpu.memref_slice %arg7[%dma_wait3A_911, %dma_wait3A_912, %dma_wait3A_913] : memref<8x8x768xf32, #tpu.memory_space<vmem>> -> memref<8x8x128xf32, #tpu.memory_space<vmem>>
          tpu.wait_dma2 semaphore(%arg11 : memref<!tpu.dma_semaphore, #tpu.memory_space<semaphore_mem>>) src(%dma_wait3A_914 : memref<8x8x128xf32, #tpu.memory_space<vmem>>) dst(%dma_wait3A_910 : memref<8x8x128xf32, #tpu.memory_space<hbm>>)
          %dma_wait3A_915 = arith.constant 3 : i32
          %dma_wait3A_916 = arith.constant 0 : i32
          %dma_wait3A_917 = arith.constant 0 : i32
          %dma_wait3A_918 = arith.constant 384 : i32
          %dma_wait3A_919 = tpu.memref_slice %arg7[%dma_wait3A_916, %dma_wait3A_917, %dma_wait3A_918] : memref<8x8x768xf32, #tpu.memory_space<vmem>> -> memref<8x8x128xf32, #tpu.memory_space<vmem>>
          %dma_wait3A_920 = arith.constant 0 : i32
          %dma_wait3A_921 = arith.constant 0 : i32
          %dma_wait3A_922 = arith.constant 0 : i32
          %dma_wait3A_923 = tpu.memref_slice %arg4[%add3A, %sub3A_857, %dma_wait3A_920, %dma_wait3A_915, %dma_wait3A_921, %dma_wait3A_922] : memref<32x40x8x6x8x128xf32, #tpu.memory_space<hbm>> -> memref<1x1x8x1x8x128xf32, #tpu.memory_space<hbm>>
          %dma_wait3A_924 = tpu.memref_squeeze %dma_wait3A_923 : memref<1x1x8x1x8x128xf32, #tpu.memory_space<hbm>> -> memref<8x8x128xf32, #tpu.memory_space<hbm>>
          %dma_wait3A_925 = arith.constant 0 : i32
          %dma_wait3A_926 = arith.constant 0 : i32
          %dma_wait3A_927 = arith.constant 0 : i32
          %dma_wait3A_928 = tpu.memref_slice %arg4[%add3A, %sub3A_857, %dma_wait3A_925, %dma_wait3A_915, %dma_wait3A_926, %dma_wait3A_927] : memref<32x40x8x6x8x128xf32, #tpu.memory_space<hbm>> -> memref<1x1x8x1x8x128xf32, #tpu.memory_space<hbm>>
          %dma_wait3A_929 = tpu.memref_squeeze %dma_wait3A_928 : memref<1x1x8x1x8x128xf32, #tpu.memory_space<hbm>> -> memref<8x8x128xf32, #tpu.memory_space<hbm>>
          %dma_wait3A_930 = arith.constant 0 : i32
          %dma_wait3A_931 = arith.constant 0 : i32
          %dma_wait3A_932 = arith.constant 384 : i32
          %dma_wait3A_933 = tpu.memref_slice %arg7[%dma_wait3A_930, %dma_wait3A_931, %dma_wait3A_932] : memref<8x8x768xf32, #tpu.memory_space<vmem>> -> memref<8x8x128xf32, #tpu.memory_space<vmem>>
          tpu.wait_dma2 semaphore(%arg11 : memref<!tpu.dma_semaphore, #tpu.memory_space<semaphore_mem>>) src(%dma_wait3A_933 : memref<8x8x128xf32, #tpu.memory_space<vmem>>) dst(%dma_wait3A_929 : memref<8x8x128xf32, #tpu.memory_space<hbm>>)
          %dma_wait3A_934 = arith.constant 4 : i32
          %dma_wait3A_935 = arith.constant 0 : i32
          %dma_wait3A_936 = arith.constant 0 : i32
          %dma_wait3A_937 = arith.constant 512 : i32
          %dma_wait3A_938 = tpu.memref_slice %arg7[%dma_wait3A_935, %dma_wait3A_936, %dma_wait3A_937] : memref<8x8x768xf32, #tpu.memory_space<vmem>> -> memref<8x8x128xf32, #tpu.memory_space<vmem>>
          %dma_wait3A_939 = arith.constant 0 : i32
          %dma_wait3A_940 = arith.constant 0 : i32
          %dma_wait3A_941 = arith.constant 0 : i32
          %dma_wait3A_942 = tpu.memref_slice %arg4[%add3A, %sub3A_857, %dma_wait3A_939, %dma_wait3A_934, %dma_wait3A_940, %dma_wait3A_941] : memref<32x40x8x6x8x128xf32, #tpu.memory_space<hbm>> -> memref<1x1x8x1x8x128xf32, #tpu.memory_space<hbm>>
          %dma_wait3A_943 = tpu.memref_squeeze %dma_wait3A_942 : memref<1x1x8x1x8x128xf32, #tpu.memory_space<hbm>> -> memref<8x8x128xf32, #tpu.memory_space<hbm>>
          %dma_wait3A_944 = arith.constant 0 : i32
          %dma_wait3A_945 = arith.constant 0 : i32
          %dma_wait3A_946 = arith.constant 0 : i32
          %dma_wait3A_947 = tpu.memref_slice %arg4[%add3A, %sub3A_857, %dma_wait3A_944, %dma_wait3A_934, %dma_wait3A_945, %dma_wait3A_946] : memref<32x40x8x6x8x128xf32, #tpu.memory_space<hbm>> -> memref<1x1x8x1x8x128xf32, #tpu.memory_space<hbm>>
          %dma_wait3A_948 = tpu.memref_squeeze %dma_wait3A_947 : memref<1x1x8x1x8x128xf32, #tpu.memory_space<hbm>> -> memref<8x8x128xf32, #tpu.memory_space<hbm>>
          %dma_wait3A_949 = arith.constant 0 : i32
          %dma_wait3A_950 = arith.constant 0 : i32
          %dma_wait3A_951 = arith.constant 512 : i32
          %dma_wait3A_952 = tpu.memref_slice %arg7[%dma_wait3A_949, %dma_wait3A_950, %dma_wait3A_951] : memref<8x8x768xf32, #tpu.memory_space<vmem>> -> memref<8x8x128xf32, #tpu.memory_space<vmem>>
          tpu.wait_dma2 semaphore(%arg11 : memref<!tpu.dma_semaphore, #tpu.memory_space<semaphore_mem>>) src(%dma_wait3A_952 : memref<8x8x128xf32, #tpu.memory_space<vmem>>) dst(%dma_wait3A_948 : memref<8x8x128xf32, #tpu.memory_space<hbm>>)
          %dma_wait3A_953 = arith.constant 5 : i32
          %dma_wait3A_954 = arith.constant 0 : i32
          %dma_wait3A_955 = arith.constant 0 : i32
          %dma_wait3A_956 = arith.constant 640 : i32
          %dma_wait3A_957 = tpu.memref_slice %arg7[%dma_wait3A_954, %dma_wait3A_955, %dma_wait3A_956] : memref<8x8x768xf32, #tpu.memory_space<vmem>> -> memref<8x8x128xf32, #tpu.memory_space<vmem>>
          %dma_wait3A_958 = arith.constant 0 : i32
          %dma_wait3A_959 = arith.constant 0 : i32
          %dma_wait3A_960 = arith.constant 0 : i32
          %dma_wait3A_961 = tpu.memref_slice %arg4[%add3A, %sub3A_857, %dma_wait3A_958, %dma_wait3A_953, %dma_wait3A_959, %dma_wait3A_960] : memref<32x40x8x6x8x128xf32, #tpu.memory_space<hbm>> -> memref<1x1x8x1x8x128xf32, #tpu.memory_space<hbm>>
          %dma_wait3A_962 = tpu.memref_squeeze %dma_wait3A_961 : memref<1x1x8x1x8x128xf32, #tpu.memory_space<hbm>> -> memref<8x8x128xf32, #tpu.memory_space<hbm>>
          %dma_wait3A_963 = arith.constant 0 : i32
          %dma_wait3A_964 = arith.constant 0 : i32
          %dma_wait3A_965 = arith.constant 0 : i32
          %dma_wait3A_966 = tpu.memref_slice %arg4[%add3A, %sub3A_857, %dma_wait3A_963, %dma_wait3A_953, %dma_wait3A_964, %dma_wait3A_965] : memref<32x40x8x6x8x128xf32, #tpu.memory_space<hbm>> -> memref<1x1x8x1x8x128xf32, #tpu.memory_space<hbm>>
          %dma_wait3A_967 = tpu.memref_squeeze %dma_wait3A_966 : memref<1x1x8x1x8x128xf32, #tpu.memory_space<hbm>> -> memref<8x8x128xf32, #tpu.memory_space<hbm>>
          %dma_wait3A_968 = arith.constant 0 : i32
          %dma_wait3A_969 = arith.constant 0 : i32
          %dma_wait3A_970 = arith.constant 640 : i32
          %dma_wait3A_971 = tpu.memref_slice %arg7[%dma_wait3A_968, %dma_wait3A_969, %dma_wait3A_970] : memref<8x8x768xf32, #tpu.memory_space<vmem>> -> memref<8x8x128xf32, #tpu.memory_space<vmem>>
          tpu.wait_dma2 semaphore(%arg11 : memref<!tpu.dma_semaphore, #tpu.memory_space<semaphore_mem>>) src(%dma_wait3A_971 : memref<8x8x128xf32, #tpu.memory_space<vmem>>) dst(%dma_wait3A_967 : memref<8x8x128xf32, #tpu.memory_space<hbm>>)
        } else {
        }
        %add3A_767 = arith.constant 1 : i32
        %add3A_768 = arith.addi %add3A_345, %add3A_767 : i32
        %dma_start3A_769 = arith.constant 0 : i32
        %dma_start3A_770 = arith.constant 0 : i32
        %dma_start3A_771 = arith.constant 0 : i32
        %dma_start3A_772 = tpu.memref_slice %arg7[%dma_start3A_769, %dma_start3A_770, %dma_start3A_771] : memref<8x8x768xf32, #tpu.memory_space<vmem>> -> memref<1x8x768xf32, #tpu.memory_space<vmem>>
        %dma_start3A_773 = tpu.memref_squeeze %dma_start3A_772 : memref<1x8x768xf32, #tpu.memory_space<vmem>> -> memref<8x768xf32, #tpu.memory_space<vmem>>
        %dma_start3A_774 = arith.constant 0 : i32
        %dma_start3A_775 = tpu.memref_slice %arg5[%add3A_768, %dma_start3A_774] : memref<40x64xi32, #tpu.memory_space<vmem>> -> memref<1x8xi32, #tpu.memory_space<vmem>>
        %dma_start3A_776 = tpu.memref_squeeze %dma_start3A_775 : memref<1x8xi32, #tpu.memory_space<vmem>> -> memref<8xi32, #tpu.memory_space<vmem>>
        %dma_start3A_777 = arith.constant 0 : i32
        %dma_start3A_778 = arith.constant 0 : i32
        %dma_start3A_779 = tpu.memref_slice %arg3[%dma_start3A_777, %dma_start3A_778] : memref<256001x768xf32, #tpu.memory_space<hbm>> -> memref<256001x768xf32, #tpu.memory_space<hbm>>
        tpu.enqueue_indirect_dma source(%dma_start3A_779 : memref<256001x768xf32, #tpu.memory_space<hbm>>) target(%dma_start3A_773 : memref<8x768xf32, #tpu.memory_space<vmem>>) offsets(%dma_start3A_776 : memref<8xi32, #tpu.memory_space<vmem>>) semaphore(%arg9 : memref<!tpu.dma_semaphore, #tpu.memory_space<semaphore_mem>>)
        %dma_start3A_780 = arith.constant 1 : i32
        %dma_start3A_781 = arith.constant 0 : i32
        %dma_start3A_782 = arith.constant 0 : i32
        %dma_start3A_783 = tpu.memref_slice %arg7[%dma_start3A_780, %dma_start3A_781, %dma_start3A_782] : memref<8x8x768xf32, #tpu.memory_space<vmem>> -> memref<1x8x768xf32, #tpu.memory_space<vmem>>
        %dma_start3A_784 = tpu.memref_squeeze %dma_start3A_783 : memref<1x8x768xf32, #tpu.memory_space<vmem>> -> memref<8x768xf32, #tpu.memory_space<vmem>>
        %dma_start3A_785 = arith.constant 8 : i32
        %dma_start3A_786 = tpu.memref_slice %arg5[%add3A_768, %dma_start3A_785] : memref<40x64xi32, #tpu.memory_space<vmem>> -> memref<1x8xi32, #tpu.memory_space<vmem>>
        %dma_start3A_787 = tpu.memref_squeeze %dma_start3A_786 : memref<1x8xi32, #tpu.memory_space<vmem>> -> memref<8xi32, #tpu.memory_space<vmem>>
        %dma_start3A_788 = arith.constant 0 : i32
        %dma_start3A_789 = arith.constant 0 : i32
        %dma_start3A_790 = tpu.memref_slice %arg3[%dma_start3A_788, %dma_start3A_789] : memref<256001x768xf32, #tpu.memory_space<hbm>> -> memref<256001x768xf32, #tpu.memory_space<hbm>>
        tpu.enqueue_indirect_dma source(%dma_start3A_790 : memref<256001x768xf32, #tpu.memory_space<hbm>>) target(%dma_start3A_784 : memref<8x768xf32, #tpu.memory_space<vmem>>) offsets(%dma_start3A_787 : memref<8xi32, #tpu.memory_space<vmem>>) semaphore(%arg9 : memref<!tpu.dma_semaphore, #tpu.memory_space<semaphore_mem>>)
        %dma_start3A_791 = arith.constant 2 : i32
        %dma_start3A_792 = arith.constant 0 : i32
        %dma_start3A_793 = arith.constant 0 : i32
        %dma_start3A_794 = tpu.memref_slice %arg7[%dma_start3A_791, %dma_start3A_792, %dma_start3A_793] : memref<8x8x768xf32, #tpu.memory_space<vmem>> -> memref<1x8x768xf32, #tpu.memory_space<vmem>>
        %dma_start3A_795 = tpu.memref_squeeze %dma_start3A_794 : memref<1x8x768xf32, #tpu.memory_space<vmem>> -> memref<8x768xf32, #tpu.memory_space<vmem>>
        %dma_start3A_796 = arith.constant 16 : i32
        %dma_start3A_797 = tpu.memref_slice %arg5[%add3A_768, %dma_start3A_796] : memref<40x64xi32, #tpu.memory_space<vmem>> -> memref<1x8xi32, #tpu.memory_space<vmem>>
        %dma_start3A_798 = tpu.memref_squeeze %dma_start3A_797 : memref<1x8xi32, #tpu.memory_space<vmem>> -> memref<8xi32, #tpu.memory_space<vmem>>
        %dma_start3A_799 = arith.constant 0 : i32
        %dma_start3A_800 = arith.constant 0 : i32
        %dma_start3A_801 = tpu.memref_slice %arg3[%dma_start3A_799, %dma_start3A_800] : memref<256001x768xf32, #tpu.memory_space<hbm>> -> memref<256001x768xf32, #tpu.memory_space<hbm>>
        tpu.enqueue_indirect_dma source(%dma_start3A_801 : memref<256001x768xf32, #tpu.memory_space<hbm>>) target(%dma_start3A_795 : memref<8x768xf32, #tpu.memory_space<vmem>>) offsets(%dma_start3A_798 : memref<8xi32, #tpu.memory_space<vmem>>) semaphore(%arg9 : memref<!tpu.dma_semaphore, #tpu.memory_space<semaphore_mem>>)
        %dma_start3A_802 = arith.constant 3 : i32
        %dma_start3A_803 = arith.constant 0 : i32
        %dma_start3A_804 = arith.constant 0 : i32
        %dma_start3A_805 = tpu.memref_slice %arg7[%dma_start3A_802, %dma_start3A_803, %dma_start3A_804] : memref<8x8x768xf32, #tpu.memory_space<vmem>> -> memref<1x8x768xf32, #tpu.memory_space<vmem>>
        %dma_start3A_806 = tpu.memref_squeeze %dma_start3A_805 : memref<1x8x768xf32, #tpu.memory_space<vmem>> -> memref<8x768xf32, #tpu.memory_space<vmem>>
        %dma_start3A_807 = arith.constant 24 : i32
        %dma_start3A_808 = tpu.memref_slice %arg5[%add3A_768, %dma_start3A_807] : memref<40x64xi32, #tpu.memory_space<vmem>> -> memref<1x8xi32, #tpu.memory_space<vmem>>
        %dma_start3A_809 = tpu.memref_squeeze %dma_start3A_808 : memref<1x8xi32, #tpu.memory_space<vmem>> -> memref<8xi32, #tpu.memory_space<vmem>>
        %dma_start3A_810 = arith.constant 0 : i32
        %dma_start3A_811 = arith.constant 0 : i32
        %dma_start3A_812 = tpu.memref_slice %arg3[%dma_start3A_810, %dma_start3A_811] : memref<256001x768xf32, #tpu.memory_space<hbm>> -> memref<256001x768xf32, #tpu.memory_space<hbm>>
        tpu.enqueue_indirect_dma source(%dma_start3A_812 : memref<256001x768xf32, #tpu.memory_space<hbm>>) target(%dma_start3A_806 : memref<8x768xf32, #tpu.memory_space<vmem>>) offsets(%dma_start3A_809 : memref<8xi32, #tpu.memory_space<vmem>>) semaphore(%arg9 : memref<!tpu.dma_semaphore, #tpu.memory_space<semaphore_mem>>)
        %dma_start3A_813 = arith.constant 4 : i32
        %dma_start3A_814 = arith.constant 0 : i32
        %dma_start3A_815 = arith.constant 0 : i32
        %dma_start3A_816 = tpu.memref_slice %arg7[%dma_start3A_813, %dma_start3A_814, %dma_start3A_815] : memref<8x8x768xf32, #tpu.memory_space<vmem>> -> memref<1x8x768xf32, #tpu.memory_space<vmem>>
        %dma_start3A_817 = tpu.memref_squeeze %dma_start3A_816 : memref<1x8x768xf32, #tpu.memory_space<vmem>> -> memref<8x768xf32, #tpu.memory_space<vmem>>
        %dma_start3A_818 = arith.constant 32 : i32
        %dma_start3A_819 = tpu.memref_slice %arg5[%add3A_768, %dma_start3A_818] : memref<40x64xi32, #tpu.memory_space<vmem>> -> memref<1x8xi32, #tpu.memory_space<vmem>>
        %dma_start3A_820 = tpu.memref_squeeze %dma_start3A_819 : memref<1x8xi32, #tpu.memory_space<vmem>> -> memref<8xi32, #tpu.memory_space<vmem>>
        %dma_start3A_821 = arith.constant 0 : i32
        %dma_start3A_822 = arith.constant 0 : i32
        %dma_start3A_823 = tpu.memref_slice %arg3[%dma_start3A_821, %dma_start3A_822] : memref<256001x768xf32, #tpu.memory_space<hbm>> -> memref<256001x768xf32, #tpu.memory_space<hbm>>
        tpu.enqueue_indirect_dma source(%dma_start3A_823 : memref<256001x768xf32, #tpu.memory_space<hbm>>) target(%dma_start3A_817 : memref<8x768xf32, #tpu.memory_space<vmem>>) offsets(%dma_start3A_820 : memref<8xi32, #tpu.memory_space<vmem>>) semaphore(%arg9 : memref<!tpu.dma_semaphore, #tpu.memory_space<semaphore_mem>>)
        %dma_start3A_824 = arith.constant 5 : i32
        %dma_start3A_825 = arith.constant 0 : i32
        %dma_start3A_826 = arith.constant 0 : i32
        %dma_start3A_827 = tpu.memref_slice %arg7[%dma_start3A_824, %dma_start3A_825, %dma_start3A_826] : memref<8x8x768xf32, #tpu.memory_space<vmem>> -> memref<1x8x768xf32, #tpu.memory_space<vmem>>
        %dma_start3A_828 = tpu.memref_squeeze %dma_start3A_827 : memref<1x8x768xf32, #tpu.memory_space<vmem>> -> memref<8x768xf32, #tpu.memory_space<vmem>>
        %dma_start3A_829 = arith.constant 40 : i32
        %dma_start3A_830 = tpu.memref_slice %arg5[%add3A_768, %dma_start3A_829] : memref<40x64xi32, #tpu.memory_space<vmem>> -> memref<1x8xi32, #tpu.memory_space<vmem>>
        %dma_start3A_831 = tpu.memref_squeeze %dma_start3A_830 : memref<1x8xi32, #tpu.memory_space<vmem>> -> memref<8xi32, #tpu.memory_space<vmem>>
        %dma_start3A_832 = arith.constant 0 : i32
        %dma_start3A_833 = arith.constant 0 : i32
        %dma_start3A_834 = tpu.memref_slice %arg3[%dma_start3A_832, %dma_start3A_833] : memref<256001x768xf32, #tpu.memory_space<hbm>> -> memref<256001x768xf32, #tpu.memory_space<hbm>>
        tpu.enqueue_indirect_dma source(%dma_start3A_834 : memref<256001x768xf32, #tpu.memory_space<hbm>>) target(%dma_start3A_828 : memref<8x768xf32, #tpu.memory_space<vmem>>) offsets(%dma_start3A_831 : memref<8xi32, #tpu.memory_space<vmem>>) semaphore(%arg9 : memref<!tpu.dma_semaphore, #tpu.memory_space<semaphore_mem>>)
        %dma_start3A_835 = arith.constant 6 : i32
        %dma_start3A_836 = arith.constant 0 : i32
        %dma_start3A_837 = arith.constant 0 : i32
        %dma_start3A_838 = tpu.memref_slice %arg7[%dma_start3A_835, %dma_start3A_836, %dma_start3A_837] : memref<8x8x768xf32, #tpu.memory_space<vmem>> -> memref<1x8x768xf32, #tpu.memory_space<vmem>>
        %dma_start3A_839 = tpu.memref_squeeze %dma_start3A_838 : memref<1x8x768xf32, #tpu.memory_space<vmem>> -> memref<8x768xf32, #tpu.memory_space<vmem>>
        %dma_start3A_840 = arith.constant 48 : i32
        %dma_start3A_841 = tpu.memref_slice %arg5[%add3A_768, %dma_start3A_840] : memref<40x64xi32, #tpu.memory_space<vmem>> -> memref<1x8xi32, #tpu.memory_space<vmem>>
        %dma_start3A_842 = tpu.memref_squeeze %dma_start3A_841 : memref<1x8xi32, #tpu.memory_space<vmem>> -> memref<8xi32, #tpu.memory_space<vmem>>
        %dma_start3A_843 = arith.constant 0 : i32
        %dma_start3A_844 = arith.constant 0 : i32
        %dma_start3A_845 = tpu.memref_slice %arg3[%dma_start3A_843, %dma_start3A_844] : memref<256001x768xf32, #tpu.memory_space<hbm>> -> memref<256001x768xf32, #tpu.memory_space<hbm>>
        tpu.enqueue_indirect_dma source(%dma_start3A_845 : memref<256001x768xf32, #tpu.memory_space<hbm>>) target(%dma_start3A_839 : memref<8x768xf32, #tpu.memory_space<vmem>>) offsets(%dma_start3A_842 : memref<8xi32, #tpu.memory_space<vmem>>) semaphore(%arg9 : memref<!tpu.dma_semaphore, #tpu.memory_space<semaphore_mem>>)
        %dma_start3A_846 = arith.constant 7 : i32
        %dma_start3A_847 = arith.constant 0 : i32
        %dma_start3A_848 = arith.constant 0 : i32
        %dma_start3A_849 = tpu.memref_slice %arg7[%dma_start3A_846, %dma_start3A_847, %dma_start3A_848] : memref<8x8x768xf32, #tpu.memory_space<vmem>> -> memref<1x8x768xf32, #tpu.memory_space<vmem>>
        %dma_start3A_850 = tpu.memref_squeeze %dma_start3A_849 : memref<1x8x768xf32, #tpu.memory_space<vmem>> -> memref<8x768xf32, #tpu.memory_space<vmem>>
        %dma_start3A_851 = arith.constant 56 : i32
        %dma_start3A_852 = tpu.memref_slice %arg5[%add3A_768, %dma_start3A_851] : memref<40x64xi32, #tpu.memory_space<vmem>> -> memref<1x8xi32, #tpu.memory_space<vmem>>
        %dma_start3A_853 = tpu.memref_squeeze %dma_start3A_852 : memref<1x8xi32, #tpu.memory_space<vmem>> -> memref<8xi32, #tpu.memory_space<vmem>>
        %dma_start3A_854 = arith.constant 0 : i32
        %dma_start3A_855 = arith.constant 0 : i32
        %dma_start3A_856 = tpu.memref_slice %arg3[%dma_start3A_854, %dma_start3A_855] : memref<256001x768xf32, #tpu.memory_space<hbm>> -> memref<256001x768xf32, #tpu.memory_space<hbm>>
        tpu.enqueue_indirect_dma source(%dma_start3A_856 : memref<256001x768xf32, #tpu.memory_space<hbm>>) target(%dma_start3A_850 : memref<8x768xf32, #tpu.memory_space<vmem>>) offsets(%dma_start3A_853 : memref<8xi32, #tpu.memory_space<vmem>>) semaphore(%arg9 : memref<!tpu.dma_semaphore, #tpu.memory_space<semaphore_mem>>)
      } else {
      }
      %add3A_552 = arith.constant 1 : i32
      %add3A_553 = arith.addi %add3A_343, %add3A_552 : i32
      %dma_wait3A_554 = arith.constant 0 : i32
      %dma_wait3A_555 = arith.constant 0 : i32
      %dma_wait3A_556 = arith.constant 0 : i32
      %dma_wait3A_557 = tpu.memref_slice %arg7[%dma_wait3A_554, %dma_wait3A_555, %dma_wait3A_556] : memref<8x8x768xf32, #tpu.memory_space<vmem>> -> memref<1x8x768xf32, #tpu.memory_space<vmem>>
      %dma_wait3A_558 = tpu.memref_squeeze %dma_wait3A_557 : memref<1x8x768xf32, #tpu.memory_space<vmem>> -> memref<8x768xf32, #tpu.memory_space<vmem>>
      %dma_wait3A_559 = arith.constant 0 : i32
      %dma_wait3A_560 = tpu.memref_slice %arg5[%add3A_553, %dma_wait3A_559] : memref<40x64xi32, #tpu.memory_space<vmem>> -> memref<1x8xi32, #tpu.memory_space<vmem>>
      %dma_wait3A_561 = tpu.memref_squeeze %dma_wait3A_560 : memref<1x8xi32, #tpu.memory_space<vmem>> -> memref<8xi32, #tpu.memory_space<vmem>>
      %dma_wait3A_562 = arith.constant 0 : i32
      %dma_wait3A_563 = arith.constant 0 : i32
      %dma_wait3A_564 = tpu.memref_slice %arg3[%dma_wait3A_562, %dma_wait3A_563] : memref<256001x768xf32, #tpu.memory_space<hbm>> -> memref<256001x768xf32, #tpu.memory_space<hbm>>
      tpu.wait_indirect_dma semaphore(%arg9 : memref<!tpu.dma_semaphore, #tpu.memory_space<semaphore_mem>>) src(%dma_wait3A_564 : memref<256001x768xf32, #tpu.memory_space<hbm>>) dst(%dma_wait3A_558 : memref<8x768xf32, #tpu.memory_space<vmem>>)
      %dma_wait3A_565 = arith.constant 1 : i32
      %dma_wait3A_566 = arith.constant 0 : i32
      %dma_wait3A_567 = arith.constant 0 : i32
      %dma_wait3A_568 = tpu.memref_slice %arg7[%dma_wait3A_565, %dma_wait3A_566, %dma_wait3A_567] : memref<8x8x768xf32, #tpu.memory_space<vmem>> -> memref<1x8x768xf32, #tpu.memory_space<vmem>>
      %dma_wait3A_569 = tpu.memref_squeeze %dma_wait3A_568 : memref<1x8x768xf32, #tpu.memory_space<vmem>> -> memref<8x768xf32, #tpu.memory_space<vmem>>
      %dma_wait3A_570 = arith.constant 8 : i32
      %dma_wait3A_571 = tpu.memref_slice %arg5[%add3A_553, %dma_wait3A_570] : memref<40x64xi32, #tpu.memory_space<vmem>> -> memref<1x8xi32, #tpu.memory_space<vmem>>
      %dma_wait3A_572 = tpu.memref_squeeze %dma_wait3A_571 : memref<1x8xi32, #tpu.memory_space<vmem>> -> memref<8xi32, #tpu.memory_space<vmem>>
      %dma_wait3A_573 = arith.constant 0 : i32
      %dma_wait3A_574 = arith.constant 0 : i32
      %dma_wait3A_575 = tpu.memref_slice %arg3[%dma_wait3A_573, %dma_wait3A_574] : memref<256001x768xf32, #tpu.memory_space<hbm>> -> memref<256001x768xf32, #tpu.memory_space<hbm>>
      tpu.wait_indirect_dma semaphore(%arg9 : memref<!tpu.dma_semaphore, #tpu.memory_space<semaphore_mem>>) src(%dma_wait3A_575 : memref<256001x768xf32, #tpu.memory_space<hbm>>) dst(%dma_wait3A_569 : memref<8x768xf32, #tpu.memory_space<vmem>>)
      %dma_wait3A_576 = arith.constant 2 : i32
      %dma_wait3A_577 = arith.constant 0 : i32
      %dma_wait3A_578 = arith.constant 0 : i32
      %dma_wait3A_579 = tpu.memref_slice %arg7[%dma_wait3A_576, %dma_wait3A_577, %dma_wait3A_578] : memref<8x8x768xf32, #tpu.memory_space<vmem>> -> memref<1x8x768xf32, #tpu.memory_space<vmem>>
      %dma_wait3A_580 = tpu.memref_squeeze %dma_wait3A_579 : memref<1x8x768xf32, #tpu.memory_space<vmem>> -> memref<8x768xf32, #tpu.memory_space<vmem>>
      %dma_wait3A_581 = arith.constant 16 : i32
      %dma_wait3A_582 = tpu.memref_slice %arg5[%add3A_553, %dma_wait3A_581] : memref<40x64xi32, #tpu.memory_space<vmem>> -> memref<1x8xi32, #tpu.memory_space<vmem>>
      %dma_wait3A_583 = tpu.memref_squeeze %dma_wait3A_582 : memref<1x8xi32, #tpu.memory_space<vmem>> -> memref<8xi32, #tpu.memory_space<vmem>>
      %dma_wait3A_584 = arith.constant 0 : i32
      %dma_wait3A_585 = arith.constant 0 : i32
      %dma_wait3A_586 = tpu.memref_slice %arg3[%dma_wait3A_584, %dma_wait3A_585] : memref<256001x768xf32, #tpu.memory_space<hbm>> -> memref<256001x768xf32, #tpu.memory_space<hbm>>
      tpu.wait_indirect_dma semaphore(%arg9 : memref<!tpu.dma_semaphore, #tpu.memory_space<semaphore_mem>>) src(%dma_wait3A_586 : memref<256001x768xf32, #tpu.memory_space<hbm>>) dst(%dma_wait3A_580 : memref<8x768xf32, #tpu.memory_space<vmem>>)
      %dma_wait3A_587 = arith.constant 3 : i32
      %dma_wait3A_588 = arith.constant 0 : i32
      %dma_wait3A_589 = arith.constant 0 : i32
      %dma_wait3A_590 = tpu.memref_slice %arg7[%dma_wait3A_587, %dma_wait3A_588, %dma_wait3A_589] : memref<8x8x768xf32, #tpu.memory_space<vmem>> -> memref<1x8x768xf32, #tpu.memory_space<vmem>>
      %dma_wait3A_591 = tpu.memref_squeeze %dma_wait3A_590 : memref<1x8x768xf32, #tpu.memory_space<vmem>> -> memref<8x768xf32, #tpu.memory_space<vmem>>
      %dma_wait3A_592 = arith.constant 24 : i32
      %dma_wait3A_593 = tpu.memref_slice %arg5[%add3A_553, %dma_wait3A_592] : memref<40x64xi32, #tpu.memory_space<vmem>> -> memref<1x8xi32, #tpu.memory_space<vmem>>
      %dma_wait3A_594 = tpu.memref_squeeze %dma_wait3A_593 : memref<1x8xi32, #tpu.memory_space<vmem>> -> memref<8xi32, #tpu.memory_space<vmem>>
      %dma_wait3A_595 = arith.constant 0 : i32
      %dma_wait3A_596 = arith.constant 0 : i32
      %dma_wait3A_597 = tpu.memref_slice %arg3[%dma_wait3A_595, %dma_wait3A_596] : memref<256001x768xf32, #tpu.memory_space<hbm>> -> memref<256001x768xf32, #tpu.memory_space<hbm>>
      tpu.wait_indirect_dma semaphore(%arg9 : memref<!tpu.dma_semaphore, #tpu.memory_space<semaphore_mem>>) src(%dma_wait3A_597 : memref<256001x768xf32, #tpu.memory_space<hbm>>) dst(%dma_wait3A_591 : memref<8x768xf32, #tpu.memory_space<vmem>>)
      %dma_wait3A_598 = arith.constant 4 : i32
      %dma_wait3A_599 = arith.constant 0 : i32
      %dma_wait3A_600 = arith.constant 0 : i32
      %dma_wait3A_601 = tpu.memref_slice %arg7[%dma_wait3A_598, %dma_wait3A_599, %dma_wait3A_600] : memref<8x8x768xf32, #tpu.memory_space<vmem>> -> memref<1x8x768xf32, #tpu.memory_space<vmem>>
      %dma_wait3A_602 = tpu.memref_squeeze %dma_wait3A_601 : memref<1x8x768xf32, #tpu.memory_space<vmem>> -> memref<8x768xf32, #tpu.memory_space<vmem>>
      %dma_wait3A_603 = arith.constant 32 : i32
      %dma_wait3A_604 = tpu.memref_slice %arg5[%add3A_553, %dma_wait3A_603] : memref<40x64xi32, #tpu.memory_space<vmem>> -> memref<1x8xi32, #tpu.memory_space<vmem>>
      %dma_wait3A_605 = tpu.memref_squeeze %dma_wait3A_604 : memref<1x8xi32, #tpu.memory_space<vmem>> -> memref<8xi32, #tpu.memory_space<vmem>>
      %dma_wait3A_606 = arith.constant 0 : i32
      %dma_wait3A_607 = arith.constant 0 : i32
      %dma_wait3A_608 = tpu.memref_slice %arg3[%dma_wait3A_606, %dma_wait3A_607] : memref<256001x768xf32, #tpu.memory_space<hbm>> -> memref<256001x768xf32, #tpu.memory_space<hbm>>
      tpu.wait_indirect_dma semaphore(%arg9 : memref<!tpu.dma_semaphore, #tpu.memory_space<semaphore_mem>>) src(%dma_wait3A_608 : memref<256001x768xf32, #tpu.memory_space<hbm>>) dst(%dma_wait3A_602 : memref<8x768xf32, #tpu.memory_space<vmem>>)
      %dma_wait3A_609 = arith.constant 5 : i32
      %dma_wait3A_610 = arith.constant 0 : i32
      %dma_wait3A_611 = arith.constant 0 : i32
      %dma_wait3A_612 = tpu.memref_slice %arg7[%dma_wait3A_609, %dma_wait3A_610, %dma_wait3A_611] : memref<8x8x768xf32, #tpu.memory_space<vmem>> -> memref<1x8x768xf32, #tpu.memory_space<vmem>>
      %dma_wait3A_613 = tpu.memref_squeeze %dma_wait3A_612 : memref<1x8x768xf32, #tpu.memory_space<vmem>> -> memref<8x768xf32, #tpu.memory_space<vmem>>
      %dma_wait3A_614 = arith.constant 40 : i32
      %dma_wait3A_615 = tpu.memref_slice %arg5[%add3A_553, %dma_wait3A_614] : memref<40x64xi32, #tpu.memory_space<vmem>> -> memref<1x8xi32, #tpu.memory_space<vmem>>
      %dma_wait3A_616 = tpu.memref_squeeze %dma_wait3A_615 : memref<1x8xi32, #tpu.memory_space<vmem>> -> memref<8xi32, #tpu.memory_space<vmem>>
      %dma_wait3A_617 = arith.constant 0 : i32
      %dma_wait3A_618 = arith.constant 0 : i32
      %dma_wait3A_619 = tpu.memref_slice %arg3[%dma_wait3A_617, %dma_wait3A_618] : memref<256001x768xf32, #tpu.memory_space<hbm>> -> memref<256001x768xf32, #tpu.memory_space<hbm>>
      tpu.wait_indirect_dma semaphore(%arg9 : memref<!tpu.dma_semaphore, #tpu.memory_space<semaphore_mem>>) src(%dma_wait3A_619 : memref<256001x768xf32, #tpu.memory_space<hbm>>) dst(%dma_wait3A_613 : memref<8x768xf32, #tpu.memory_space<vmem>>)
      %dma_wait3A_620 = arith.constant 6 : i32
      %dma_wait3A_621 = arith.constant 0 : i32
      %dma_wait3A_622 = arith.constant 0 : i32
      %dma_wait3A_623 = tpu.memref_slice %arg7[%dma_wait3A_620, %dma_wait3A_621, %dma_wait3A_622] : memref<8x8x768xf32, #tpu.memory_space<vmem>> -> memref<1x8x768xf32, #tpu.memory_space<vmem>>
      %dma_wait3A_624 = tpu.memref_squeeze %dma_wait3A_623 : memref<1x8x768xf32, #tpu.memory_space<vmem>> -> memref<8x768xf32, #tpu.memory_space<vmem>>
      %dma_wait3A_625 = arith.constant 48 : i32
      %dma_wait3A_626 = tpu.memref_slice %arg5[%add3A_553, %dma_wait3A_625] : memref<40x64xi32, #tpu.memory_space<vmem>> -> memref<1x8xi32, #tpu.memory_space<vmem>>
      %dma_wait3A_627 = tpu.memref_squeeze %dma_wait3A_626 : memref<1x8xi32, #tpu.memory_space<vmem>> -> memref<8xi32, #tpu.memory_space<vmem>>
      %dma_wait3A_628 = arith.constant 0 : i32
      %dma_wait3A_629 = arith.constant 0 : i32
      %dma_wait3A_630 = tpu.memref_slice %arg3[%dma_wait3A_628, %dma_wait3A_629] : memref<256001x768xf32, #tpu.memory_space<hbm>> -> memref<256001x768xf32, #tpu.memory_space<hbm>>
      tpu.wait_indirect_dma semaphore(%arg9 : memref<!tpu.dma_semaphore, #tpu.memory_space<semaphore_mem>>) src(%dma_wait3A_630 : memref<256001x768xf32, #tpu.memory_space<hbm>>) dst(%dma_wait3A_624 : memref<8x768xf32, #tpu.memory_space<vmem>>)
      %dma_wait3A_631 = arith.constant 7 : i32
      %dma_wait3A_632 = arith.constant 0 : i32
      %dma_wait3A_633 = arith.constant 0 : i32
      %dma_wait3A_634 = tpu.memref_slice %arg7[%dma_wait3A_631, %dma_wait3A_632, %dma_wait3A_633] : memref<8x8x768xf32, #tpu.memory_space<vmem>> -> memref<1x8x768xf32, #tpu.memory_space<vmem>>
      %dma_wait3A_635 = tpu.memref_squeeze %dma_wait3A_634 : memref<1x8x768xf32, #tpu.memory_space<vmem>> -> memref<8x768xf32, #tpu.memory_space<vmem>>
      %dma_wait3A_636 = arith.constant 56 : i32
      %dma_wait3A_637 = tpu.memref_slice %arg5[%add3A_553, %dma_wait3A_636] : memref<40x64xi32, #tpu.memory_space<vmem>> -> memref<1x8xi32, #tpu.memory_space<vmem>>
      %dma_wait3A_638 = tpu.memref_squeeze %dma_wait3A_637 : memref<1x8xi32, #tpu.memory_space<vmem>> -> memref<8xi32, #tpu.memory_space<vmem>>
      %dma_wait3A_639 = arith.constant 0 : i32
      %dma_wait3A_640 = arith.constant 0 : i32
      %dma_wait3A_641 = tpu.memref_slice %arg3[%dma_wait3A_639, %dma_wait3A_640] : memref<256001x768xf32, #tpu.memory_space<hbm>> -> memref<256001x768xf32, #tpu.memory_space<hbm>>
      tpu.wait_indirect_dma semaphore(%arg9 : memref<!tpu.dma_semaphore, #tpu.memory_space<semaphore_mem>>) src(%dma_wait3A_641 : memref<256001x768xf32, #tpu.memory_space<hbm>>) dst(%dma_wait3A_635 : memref<8x768xf32, #tpu.memory_space<vmem>>)
      %dma_start3A_642 = arith.constant 0 : i32
      %dma_start3A_643 = arith.constant 0 : i32
      %dma_start3A_644 = arith.constant 0 : i32
      %dma_start3A_645 = arith.constant 0 : i32
      %dma_start3A_646 = tpu.memref_slice %arg7[%dma_start3A_643, %dma_start3A_644, %dma_start3A_645] : memref<8x8x768xf32, #tpu.memory_space<vmem>> -> memref<8x8x128xf32, #tpu.memory_space<vmem>>
      %dma_start3A_647 = arith.constant 0 : i32
      %dma_start3A_648 = arith.constant 0 : i32
      %dma_start3A_649 = arith.constant 0 : i32
      %dma_start3A_650 = tpu.memref_slice %arg4[%add3A, %add3A_553, %dma_start3A_647, %dma_start3A_642, %dma_start3A_648, %dma_start3A_649] : memref<32x40x8x6x8x128xf32, #tpu.memory_space<hbm>> -> memref<1x1x8x1x8x128xf32, #tpu.memory_space<hbm>>
      %dma_start3A_651 = tpu.memref_squeeze %dma_start3A_650 : memref<1x1x8x1x8x128xf32, #tpu.memory_space<hbm>> -> memref<8x8x128xf32, #tpu.memory_space<hbm>>
      %dma_start3A_652 = arith.constant 0 : i32
      %dma_start3A_653 = arith.constant 0 : i32
      %dma_start3A_654 = arith.constant 0 : i32
      %dma_start3A_655 = tpu.memref_slice %arg4[%add3A, %add3A_553, %dma_start3A_652, %dma_start3A_642, %dma_start3A_653, %dma_start3A_654] : memref<32x40x8x6x8x128xf32, #tpu.memory_space<hbm>> -> memref<1x1x8x1x8x128xf32, #tpu.memory_space<hbm>>
      %dma_start3A_656 = tpu.memref_squeeze %dma_start3A_655 : memref<1x1x8x1x8x128xf32, #tpu.memory_space<hbm>> -> memref<8x8x128xf32, #tpu.memory_space<hbm>>
      %dma_start3A_657 = arith.constant 0 : i32
      %dma_start3A_658 = arith.constant 0 : i32
      %dma_start3A_659 = arith.constant 0 : i32
      %dma_start3A_660 = tpu.memref_slice %arg7[%dma_start3A_657, %dma_start3A_658, %dma_start3A_659] : memref<8x8x768xf32, #tpu.memory_space<vmem>> -> memref<8x8x128xf32, #tpu.memory_space<vmem>>
      tpu.enqueue_dma source(%dma_start3A_660 : memref<8x8x128xf32, #tpu.memory_space<vmem>>) target(%dma_start3A_656 : memref<8x8x128xf32, #tpu.memory_space<hbm>>) target_semaphore(%arg11 : memref<!tpu.dma_semaphore, #tpu.memory_space<semaphore_mem>>)
      %dma_start3A_661 = arith.constant 1 : i32
      %dma_start3A_662 = arith.constant 0 : i32
      %dma_start3A_663 = arith.constant 0 : i32
      %dma_start3A_664 = arith.constant 128 : i32
      %dma_start3A_665 = tpu.memref_slice %arg7[%dma_start3A_662, %dma_start3A_663, %dma_start3A_664] : memref<8x8x768xf32, #tpu.memory_space<vmem>> -> memref<8x8x128xf32, #tpu.memory_space<vmem>>
      %dma_start3A_666 = arith.constant 0 : i32
      %dma_start3A_667 = arith.constant 0 : i32
      %dma_start3A_668 = arith.constant 0 : i32
      %dma_start3A_669 = tpu.memref_slice %arg4[%add3A, %add3A_553, %dma_start3A_666, %dma_start3A_661, %dma_start3A_667, %dma_start3A_668] : memref<32x40x8x6x8x128xf32, #tpu.memory_space<hbm>> -> memref<1x1x8x1x8x128xf32, #tpu.memory_space<hbm>>
      %dma_start3A_670 = tpu.memref_squeeze %dma_start3A_669 : memref<1x1x8x1x8x128xf32, #tpu.memory_space<hbm>> -> memref<8x8x128xf32, #tpu.memory_space<hbm>>
      %dma_start3A_671 = arith.constant 0 : i32
      %dma_start3A_672 = arith.constant 0 : i32
      %dma_start3A_673 = arith.constant 0 : i32
      %dma_start3A_674 = tpu.memref_slice %arg4[%add3A, %add3A_553, %dma_start3A_671, %dma_start3A_661, %dma_start3A_672, %dma_start3A_673] : memref<32x40x8x6x8x128xf32, #tpu.memory_space<hbm>> -> memref<1x1x8x1x8x128xf32, #tpu.memory_space<hbm>>
      %dma_start3A_675 = tpu.memref_squeeze %dma_start3A_674 : memref<1x1x8x1x8x128xf32, #tpu.memory_space<hbm>> -> memref<8x8x128xf32, #tpu.memory_space<hbm>>
      %dma_start3A_676 = arith.constant 0 : i32
      %dma_start3A_677 = arith.constant 0 : i32
      %dma_start3A_678 = arith.constant 128 : i32
      %dma_start3A_679 = tpu.memref_slice %arg7[%dma_start3A_676, %dma_start3A_677, %dma_start3A_678] : memref<8x8x768xf32, #tpu.memory_space<vmem>> -> memref<8x8x128xf32, #tpu.memory_space<vmem>>
      tpu.enqueue_dma source(%dma_start3A_679 : memref<8x8x128xf32, #tpu.memory_space<vmem>>) target(%dma_start3A_675 : memref<8x8x128xf32, #tpu.memory_space<hbm>>) target_semaphore(%arg11 : memref<!tpu.dma_semaphore, #tpu.memory_space<semaphore_mem>>)
      %dma_start3A_680 = arith.constant 2 : i32
      %dma_start3A_681 = arith.constant 0 : i32
      %dma_start3A_682 = arith.constant 0 : i32
      %dma_start3A_683 = arith.constant 256 : i32
      %dma_start3A_684 = tpu.memref_slice %arg7[%dma_start3A_681, %dma_start3A_682, %dma_start3A_683] : memref<8x8x768xf32, #tpu.memory_space<vmem>> -> memref<8x8x128xf32, #tpu.memory_space<vmem>>
      %dma_start3A_685 = arith.constant 0 : i32
      %dma_start3A_686 = arith.constant 0 : i32
      %dma_start3A_687 = arith.constant 0 : i32
      %dma_start3A_688 = tpu.memref_slice %arg4[%add3A, %add3A_553, %dma_start3A_685, %dma_start3A_680, %dma_start3A_686, %dma_start3A_687] : memref<32x40x8x6x8x128xf32, #tpu.memory_space<hbm>> -> memref<1x1x8x1x8x128xf32, #tpu.memory_space<hbm>>
      %dma_start3A_689 = tpu.memref_squeeze %dma_start3A_688 : memref<1x1x8x1x8x128xf32, #tpu.memory_space<hbm>> -> memref<8x8x128xf32, #tpu.memory_space<hbm>>
      %dma_start3A_690 = arith.constant 0 : i32
      %dma_start3A_691 = arith.constant 0 : i32
      %dma_start3A_692 = arith.constant 0 : i32
      %dma_start3A_693 = tpu.memref_slice %arg4[%add3A, %add3A_553, %dma_start3A_690, %dma_start3A_680, %dma_start3A_691, %dma_start3A_692] : memref<32x40x8x6x8x128xf32, #tpu.memory_space<hbm>> -> memref<1x1x8x1x8x128xf32, #tpu.memory_space<hbm>>
      %dma_start3A_694 = tpu.memref_squeeze %dma_start3A_693 : memref<1x1x8x1x8x128xf32, #tpu.memory_space<hbm>> -> memref<8x8x128xf32, #tpu.memory_space<hbm>>
      %dma_start3A_695 = arith.constant 0 : i32
      %dma_start3A_696 = arith.constant 0 : i32
      %dma_start3A_697 = arith.constant 256 : i32
      %dma_start3A_698 = tpu.memref_slice %arg7[%dma_start3A_695, %dma_start3A_696, %dma_start3A_697] : memref<8x8x768xf32, #tpu.memory_space<vmem>> -> memref<8x8x128xf32, #tpu.memory_space<vmem>>
      tpu.enqueue_dma source(%dma_start3A_698 : memref<8x8x128xf32, #tpu.memory_space<vmem>>) target(%dma_start3A_694 : memref<8x8x128xf32, #tpu.memory_space<hbm>>) target_semaphore(%arg11 : memref<!tpu.dma_semaphore, #tpu.memory_space<semaphore_mem>>)
      %dma_start3A_699 = arith.constant 3 : i32
      %dma_start3A_700 = arith.constant 0 : i32
      %dma_start3A_701 = arith.constant 0 : i32
      %dma_start3A_702 = arith.constant 384 : i32
      %dma_start3A_703 = tpu.memref_slice %arg7[%dma_start3A_700, %dma_start3A_701, %dma_start3A_702] : memref<8x8x768xf32, #tpu.memory_space<vmem>> -> memref<8x8x128xf32, #tpu.memory_space<vmem>>
      %dma_start3A_704 = arith.constant 0 : i32
      %dma_start3A_705 = arith.constant 0 : i32
      %dma_start3A_706 = arith.constant 0 : i32
      %dma_start3A_707 = tpu.memref_slice %arg4[%add3A, %add3A_553, %dma_start3A_704, %dma_start3A_699, %dma_start3A_705, %dma_start3A_706] : memref<32x40x8x6x8x128xf32, #tpu.memory_space<hbm>> -> memref<1x1x8x1x8x128xf32, #tpu.memory_space<hbm>>
      %dma_start3A_708 = tpu.memref_squeeze %dma_start3A_707 : memref<1x1x8x1x8x128xf32, #tpu.memory_space<hbm>> -> memref<8x8x128xf32, #tpu.memory_space<hbm>>
      %dma_start3A_709 = arith.constant 0 : i32
      %dma_start3A_710 = arith.constant 0 : i32
      %dma_start3A_711 = arith.constant 0 : i32
      %dma_start3A_712 = tpu.memref_slice %arg4[%add3A, %add3A_553, %dma_start3A_709, %dma_start3A_699, %dma_start3A_710, %dma_start3A_711] : memref<32x40x8x6x8x128xf32, #tpu.memory_space<hbm>> -> memref<1x1x8x1x8x128xf32, #tpu.memory_space<hbm>>
      %dma_start3A_713 = tpu.memref_squeeze %dma_start3A_712 : memref<1x1x8x1x8x128xf32, #tpu.memory_space<hbm>> -> memref<8x8x128xf32, #tpu.memory_space<hbm>>
      %dma_start3A_714 = arith.constant 0 : i32
      %dma_start3A_715 = arith.constant 0 : i32
      %dma_start3A_716 = arith.constant 384 : i32
      %dma_start3A_717 = tpu.memref_slice %arg7[%dma_start3A_714, %dma_start3A_715, %dma_start3A_716] : memref<8x8x768xf32, #tpu.memory_space<vmem>> -> memref<8x8x128xf32, #tpu.memory_space<vmem>>
      tpu.enqueue_dma source(%dma_start3A_717 : memref<8x8x128xf32, #tpu.memory_space<vmem>>) target(%dma_start3A_713 : memref<8x8x128xf32, #tpu.memory_space<hbm>>) target_semaphore(%arg11 : memref<!tpu.dma_semaphore, #tpu.memory_space<semaphore_mem>>)
      %dma_start3A_718 = arith.constant 4 : i32
      %dma_start3A_719 = arith.constant 0 : i32
      %dma_start3A_720 = arith.constant 0 : i32
      %dma_start3A_721 = arith.constant 512 : i32
      %dma_start3A_722 = tpu.memref_slice %arg7[%dma_start3A_719, %dma_start3A_720, %dma_start3A_721] : memref<8x8x768xf32, #tpu.memory_space<vmem>> -> memref<8x8x128xf32, #tpu.memory_space<vmem>>
      %dma_start3A_723 = arith.constant 0 : i32
      %dma_start3A_724 = arith.constant 0 : i32
      %dma_start3A_725 = arith.constant 0 : i32
      %dma_start3A_726 = tpu.memref_slice %arg4[%add3A, %add3A_553, %dma_start3A_723, %dma_start3A_718, %dma_start3A_724, %dma_start3A_725] : memref<32x40x8x6x8x128xf32, #tpu.memory_space<hbm>> -> memref<1x1x8x1x8x128xf32, #tpu.memory_space<hbm>>
      %dma_start3A_727 = tpu.memref_squeeze %dma_start3A_726 : memref<1x1x8x1x8x128xf32, #tpu.memory_space<hbm>> -> memref<8x8x128xf32, #tpu.memory_space<hbm>>
      %dma_start3A_728 = arith.constant 0 : i32
      %dma_start3A_729 = arith.constant 0 : i32
      %dma_start3A_730 = arith.constant 0 : i32
      %dma_start3A_731 = tpu.memref_slice %arg4[%add3A, %add3A_553, %dma_start3A_728, %dma_start3A_718, %dma_start3A_729, %dma_start3A_730] : memref<32x40x8x6x8x128xf32, #tpu.memory_space<hbm>> -> memref<1x1x8x1x8x128xf32, #tpu.memory_space<hbm>>
      %dma_start3A_732 = tpu.memref_squeeze %dma_start3A_731 : memref<1x1x8x1x8x128xf32, #tpu.memory_space<hbm>> -> memref<8x8x128xf32, #tpu.memory_space<hbm>>
      %dma_start3A_733 = arith.constant 0 : i32
      %dma_start3A_734 = arith.constant 0 : i32
      %dma_start3A_735 = arith.constant 512 : i32
      %dma_start3A_736 = tpu.memref_slice %arg7[%dma_start3A_733, %dma_start3A_734, %dma_start3A_735] : memref<8x8x768xf32, #tpu.memory_space<vmem>> -> memref<8x8x128xf32, #tpu.memory_space<vmem>>
      tpu.enqueue_dma source(%dma_start3A_736 : memref<8x8x128xf32, #tpu.memory_space<vmem>>) target(%dma_start3A_732 : memref<8x8x128xf32, #tpu.memory_space<hbm>>) target_semaphore(%arg11 : memref<!tpu.dma_semaphore, #tpu.memory_space<semaphore_mem>>)
      %dma_start3A_737 = arith.constant 5 : i32
      %dma_start3A_738 = arith.constant 0 : i32
      %dma_start3A_739 = arith.constant 0 : i32
      %dma_start3A_740 = arith.constant 640 : i32
      %dma_start3A_741 = tpu.memref_slice %arg7[%dma_start3A_738, %dma_start3A_739, %dma_start3A_740] : memref<8x8x768xf32, #tpu.memory_space<vmem>> -> memref<8x8x128xf32, #tpu.memory_space<vmem>>
      %dma_start3A_742 = arith.constant 0 : i32
      %dma_start3A_743 = arith.constant 0 : i32
      %dma_start3A_744 = arith.constant 0 : i32
      %dma_start3A_745 = tpu.memref_slice %arg4[%add3A, %add3A_553, %dma_start3A_742, %dma_start3A_737, %dma_start3A_743, %dma_start3A_744] : memref<32x40x8x6x8x128xf32, #tpu.memory_space<hbm>> -> memref<1x1x8x1x8x128xf32, #tpu.memory_space<hbm>>
      %dma_start3A_746 = tpu.memref_squeeze %dma_start3A_745 : memref<1x1x8x1x8x128xf32, #tpu.memory_space<hbm>> -> memref<8x8x128xf32, #tpu.memory_space<hbm>>
      %dma_start3A_747 = arith.constant 0 : i32
      %dma_start3A_748 = arith.constant 0 : i32
      %dma_start3A_749 = arith.constant 0 : i32
      %dma_start3A_750 = tpu.memref_slice %arg4[%add3A, %add3A_553, %dma_start3A_747, %dma_start3A_737, %dma_start3A_748, %dma_start3A_749] : memref<32x40x8x6x8x128xf32, #tpu.memory_space<hbm>> -> memref<1x1x8x1x8x128xf32, #tpu.memory_space<hbm>>
      %dma_start3A_751 = tpu.memref_squeeze %dma_start3A_750 : memref<1x1x8x1x8x128xf32, #tpu.memory_space<hbm>> -> memref<8x8x128xf32, #tpu.memory_space<hbm>>
      %dma_start3A_752 = arith.constant 0 : i32
      %dma_start3A_753 = arith.constant 0 : i32
      %dma_start3A_754 = arith.constant 640 : i32
      %dma_start3A_755 = tpu.memref_slice %arg7[%dma_start3A_752, %dma_start3A_753, %dma_start3A_754] : memref<8x8x768xf32, #tpu.memory_space<vmem>> -> memref<8x8x128xf32, #tpu.memory_space<vmem>>
      tpu.enqueue_dma source(%dma_start3A_755 : memref<8x8x128xf32, #tpu.memory_space<vmem>>) target(%dma_start3A_751 : memref<8x8x128xf32, #tpu.memory_space<hbm>>) target_semaphore(%arg11 : memref<!tpu.dma_semaphore, #tpu.memory_space<semaphore_mem>>)
      %add3A_756 = arith.constant 1 : i32
      %add3A_757 = arith.addi %add3A_553, %add3A_756 : i32
      %lt3A_758 = arith.constant 40 : i32
      %lt3A_759 = arith.cmpi slt, %add3A_757, %lt3A_758 : i32
      %convert_element_type3A_760 = arith.extui %lt3A_759 : i1 to i32
      %cond3A_761 = arith.constant 0 : i32
      %cond3A_762 = arith.cmpi ne, %convert_element_type3A_760, %cond3A_761 : i32
      scf.if %cond3A_762 {
        %ge3A = arith.constant 1 : i32
        %ge3A_763 = arith.cmpi sge, %add3A_553, %ge3A : i32
        %convert_element_type3A_764 = arith.extui %ge3A_763 : i1 to i32
        %cond3A_765 = arith.constant 0 : i32
        %cond3A_766 = arith.cmpi ne, %convert_element_type3A_764, %cond3A_765 : i32
        scf.if %cond3A_766 {
          %sub3A = arith.constant 1 : i32
          %sub3A_857 = arith.subi %add3A_553, %sub3A : i32
          %dma_wait3A_858 = arith.constant 0 : i32
          %dma_wait3A_859 = arith.constant 0 : i32
          %dma_wait3A_860 = arith.constant 0 : i32
          %dma_wait3A_861 = arith.constant 0 : i32
          %dma_wait3A_862 = tpu.memref_slice %arg6[%dma_wait3A_859, %dma_wait3A_860, %dma_wait3A_861] : memref<8x8x768xf32, #tpu.memory_space<vmem>> -> memref<8x8x128xf32, #tpu.memory_space<vmem>>
          %dma_wait3A_863 = arith.constant 0 : i32
          %dma_wait3A_864 = arith.constant 0 : i32
          %dma_wait3A_865 = arith.constant 0 : i32
          %dma_wait3A_866 = tpu.memref_slice %arg4[%add3A, %sub3A_857, %dma_wait3A_863, %dma_wait3A_858, %dma_wait3A_864, %dma_wait3A_865] : memref<32x40x8x6x8x128xf32, #tpu.memory_space<hbm>> -> memref<1x1x8x1x8x128xf32, #tpu.memory_space<hbm>>
          %dma_wait3A_867 = tpu.memref_squeeze %dma_wait3A_866 : memref<1x1x8x1x8x128xf32, #tpu.memory_space<hbm>> -> memref<8x8x128xf32, #tpu.memory_space<hbm>>
          %dma_wait3A_868 = arith.constant 0 : i32
          %dma_wait3A_869 = arith.constant 0 : i32
          %dma_wait3A_870 = arith.constant 0 : i32
          %dma_wait3A_871 = tpu.memref_slice %arg4[%add3A, %sub3A_857, %dma_wait3A_868, %dma_wait3A_858, %dma_wait3A_869, %dma_wait3A_870] : memref<32x40x8x6x8x128xf32, #tpu.memory_space<hbm>> -> memref<1x1x8x1x8x128xf32, #tpu.memory_space<hbm>>
          %dma_wait3A_872 = tpu.memref_squeeze %dma_wait3A_871 : memref<1x1x8x1x8x128xf32, #tpu.memory_space<hbm>> -> memref<8x8x128xf32, #tpu.memory_space<hbm>>
          %dma_wait3A_873 = arith.constant 0 : i32
          %dma_wait3A_874 = arith.constant 0 : i32
          %dma_wait3A_875 = arith.constant 0 : i32
          %dma_wait3A_876 = tpu.memref_slice %arg6[%dma_wait3A_873, %dma_wait3A_874, %dma_wait3A_875] : memref<8x8x768xf32, #tpu.memory_space<vmem>> -> memref<8x8x128xf32, #tpu.memory_space<vmem>>
          tpu.wait_dma2 semaphore(%arg10 : memref<!tpu.dma_semaphore, #tpu.memory_space<semaphore_mem>>) src(%dma_wait3A_876 : memref<8x8x128xf32, #tpu.memory_space<vmem>>) dst(%dma_wait3A_872 : memref<8x8x128xf32, #tpu.memory_space<hbm>>)
          %dma_wait3A_877 = arith.constant 1 : i32
          %dma_wait3A_878 = arith.constant 0 : i32
          %dma_wait3A_879 = arith.constant 0 : i32
          %dma_wait3A_880 = arith.constant 128 : i32
          %dma_wait3A_881 = tpu.memref_slice %arg6[%dma_wait3A_878, %dma_wait3A_879, %dma_wait3A_880] : memref<8x8x768xf32, #tpu.memory_space<vmem>> -> memref<8x8x128xf32, #tpu.memory_space<vmem>>
          %dma_wait3A_882 = arith.constant 0 : i32
          %dma_wait3A_883 = arith.constant 0 : i32
          %dma_wait3A_884 = arith.constant 0 : i32
          %dma_wait3A_885 = tpu.memref_slice %arg4[%add3A, %sub3A_857, %dma_wait3A_882, %dma_wait3A_877, %dma_wait3A_883, %dma_wait3A_884] : memref<32x40x8x6x8x128xf32, #tpu.memory_space<hbm>> -> memref<1x1x8x1x8x128xf32, #tpu.memory_space<hbm>>
          %dma_wait3A_886 = tpu.memref_squeeze %dma_wait3A_885 : memref<1x1x8x1x8x128xf32, #tpu.memory_space<hbm>> -> memref<8x8x128xf32, #tpu.memory_space<hbm>>
          %dma_wait3A_887 = arith.constant 0 : i32
          %dma_wait3A_888 = arith.constant 0 : i32
          %dma_wait3A_889 = arith.constant 0 : i32
          %dma_wait3A_890 = tpu.memref_slice %arg4[%add3A, %sub3A_857, %dma_wait3A_887, %dma_wait3A_877, %dma_wait3A_888, %dma_wait3A_889] : memref<32x40x8x6x8x128xf32, #tpu.memory_space<hbm>> -> memref<1x1x8x1x8x128xf32, #tpu.memory_space<hbm>>
          %dma_wait3A_891 = tpu.memref_squeeze %dma_wait3A_890 : memref<1x1x8x1x8x128xf32, #tpu.memory_space<hbm>> -> memref<8x8x128xf32, #tpu.memory_space<hbm>>
          %dma_wait3A_892 = arith.constant 0 : i32
          %dma_wait3A_893 = arith.constant 0 : i32
          %dma_wait3A_894 = arith.constant 128 : i32
          %dma_wait3A_895 = tpu.memref_slice %arg6[%dma_wait3A_892, %dma_wait3A_893, %dma_wait3A_894] : memref<8x8x768xf32, #tpu.memory_space<vmem>> -> memref<8x8x128xf32, #tpu.memory_space<vmem>>
          tpu.wait_dma2 semaphore(%arg10 : memref<!tpu.dma_semaphore, #tpu.memory_space<semaphore_mem>>) src(%dma_wait3A_895 : memref<8x8x128xf32, #tpu.memory_space<vmem>>) dst(%dma_wait3A_891 : memref<8x8x128xf32, #tpu.memory_space<hbm>>)
          %dma_wait3A_896 = arith.constant 2 : i32
          %dma_wait3A_897 = arith.constant 0 : i32
          %dma_wait3A_898 = arith.constant 0 : i32
          %dma_wait3A_899 = arith.constant 256 : i32
          %dma_wait3A_900 = tpu.memref_slice %arg6[%dma_wait3A_897, %dma_wait3A_898, %dma_wait3A_899] : memref<8x8x768xf32, #tpu.memory_space<vmem>> -> memref<8x8x128xf32, #tpu.memory_space<vmem>>
          %dma_wait3A_901 = arith.constant 0 : i32
          %dma_wait3A_902 = arith.constant 0 : i32
          %dma_wait3A_903 = arith.constant 0 : i32
          %dma_wait3A_904 = tpu.memref_slice %arg4[%add3A, %sub3A_857, %dma_wait3A_901, %dma_wait3A_896, %dma_wait3A_902, %dma_wait3A_903] : memref<32x40x8x6x8x128xf32, #tpu.memory_space<hbm>> -> memref<1x1x8x1x8x128xf32, #tpu.memory_space<hbm>>
          %dma_wait3A_905 = tpu.memref_squeeze %dma_wait3A_904 : memref<1x1x8x1x8x128xf32, #tpu.memory_space<hbm>> -> memref<8x8x128xf32, #tpu.memory_space<hbm>>
          %dma_wait3A_906 = arith.constant 0 : i32
          %dma_wait3A_907 = arith.constant 0 : i32
          %dma_wait3A_908 = arith.constant 0 : i32
          %dma_wait3A_909 = tpu.memref_slice %arg4[%add3A, %sub3A_857, %dma_wait3A_906, %dma_wait3A_896, %dma_wait3A_907, %dma_wait3A_908] : memref<32x40x8x6x8x128xf32, #tpu.memory_space<hbm>> -> memref<1x1x8x1x8x128xf32, #tpu.memory_space<hbm>>
          %dma_wait3A_910 = tpu.memref_squeeze %dma_wait3A_909 : memref<1x1x8x1x8x128xf32, #tpu.memory_space<hbm>> -> memref<8x8x128xf32, #tpu.memory_space<hbm>>
          %dma_wait3A_911 = arith.constant 0 : i32
          %dma_wait3A_912 = arith.constant 0 : i32
          %dma_wait3A_913 = arith.constant 256 : i32
          %dma_wait3A_914 = tpu.memref_slice %arg6[%dma_wait3A_911, %dma_wait3A_912, %dma_wait3A_913] : memref<8x8x768xf32, #tpu.memory_space<vmem>> -> memref<8x8x128xf32, #tpu.memory_space<vmem>>
          tpu.wait_dma2 semaphore(%arg10 : memref<!tpu.dma_semaphore, #tpu.memory_space<semaphore_mem>>) src(%dma_wait3A_914 : memref<8x8x128xf32, #tpu.memory_space<vmem>>) dst(%dma_wait3A_910 : memref<8x8x128xf32, #tpu.memory_space<hbm>>)
          %dma_wait3A_915 = arith.constant 3 : i32
          %dma_wait3A_916 = arith.constant 0 : i32
          %dma_wait3A_917 = arith.constant 0 : i32
          %dma_wait3A_918 = arith.constant 384 : i32
          %dma_wait3A_919 = tpu.memref_slice %arg6[%dma_wait3A_916, %dma_wait3A_917, %dma_wait3A_918] : memref<8x8x768xf32, #tpu.memory_space<vmem>> -> memref<8x8x128xf32, #tpu.memory_space<vmem>>
          %dma_wait3A_920 = arith.constant 0 : i32
          %dma_wait3A_921 = arith.constant 0 : i32
          %dma_wait3A_922 = arith.constant 0 : i32
          %dma_wait3A_923 = tpu.memref_slice %arg4[%add3A, %sub3A_857, %dma_wait3A_920, %dma_wait3A_915, %dma_wait3A_921, %dma_wait3A_922] : memref<32x40x8x6x8x128xf32, #tpu.memory_space<hbm>> -> memref<1x1x8x1x8x128xf32, #tpu.memory_space<hbm>>
          %dma_wait3A_924 = tpu.memref_squeeze %dma_wait3A_923 : memref<1x1x8x1x8x128xf32, #tpu.memory_space<hbm>> -> memref<8x8x128xf32, #tpu.memory_space<hbm>>
          %dma_wait3A_925 = arith.constant 0 : i32
          %dma_wait3A_926 = arith.constant 0 : i32
          %dma_wait3A_927 = arith.constant 0 : i32
          %dma_wait3A_928 = tpu.memref_slice %arg4[%add3A, %sub3A_857, %dma_wait3A_925, %dma_wait3A_915, %dma_wait3A_926, %dma_wait3A_927] : memref<32x40x8x6x8x128xf32, #tpu.memory_space<hbm>> -> memref<1x1x8x1x8x128xf32, #tpu.memory_space<hbm>>
          %dma_wait3A_929 = tpu.memref_squeeze %dma_wait3A_928 : memref<1x1x8x1x8x128xf32, #tpu.memory_space<hbm>> -> memref<8x8x128xf32, #tpu.memory_space<hbm>>
          %dma_wait3A_930 = arith.constant 0 : i32
          %dma_wait3A_931 = arith.constant 0 : i32
          %dma_wait3A_932 = arith.constant 384 : i32
          %dma_wait3A_933 = tpu.memref_slice %arg6[%dma_wait3A_930, %dma_wait3A_931, %dma_wait3A_932] : memref<8x8x768xf32, #tpu.memory_space<vmem>> -> memref<8x8x128xf32, #tpu.memory_space<vmem>>
          tpu.wait_dma2 semaphore(%arg10 : memref<!tpu.dma_semaphore, #tpu.memory_space<semaphore_mem>>) src(%dma_wait3A_933 : memref<8x8x128xf32, #tpu.memory_space<vmem>>) dst(%dma_wait3A_929 : memref<8x8x128xf32, #tpu.memory_space<hbm>>)
          %dma_wait3A_934 = arith.constant 4 : i32
          %dma_wait3A_935 = arith.constant 0 : i32
          %dma_wait3A_936 = arith.constant 0 : i32
          %dma_wait3A_937 = arith.constant 512 : i32
          %dma_wait3A_938 = tpu.memref_slice %arg6[%dma_wait3A_935, %dma_wait3A_936, %dma_wait3A_937] : memref<8x8x768xf32, #tpu.memory_space<vmem>> -> memref<8x8x128xf32, #tpu.memory_space<vmem>>
          %dma_wait3A_939 = arith.constant 0 : i32
          %dma_wait3A_940 = arith.constant 0 : i32
          %dma_wait3A_941 = arith.constant 0 : i32
          %dma_wait3A_942 = tpu.memref_slice %arg4[%add3A, %sub3A_857, %dma_wait3A_939, %dma_wait3A_934, %dma_wait3A_940, %dma_wait3A_941] : memref<32x40x8x6x8x128xf32, #tpu.memory_space<hbm>> -> memref<1x1x8x1x8x128xf32, #tpu.memory_space<hbm>>
          %dma_wait3A_943 = tpu.memref_squeeze %dma_wait3A_942 : memref<1x1x8x1x8x128xf32, #tpu.memory_space<hbm>> -> memref<8x8x128xf32, #tpu.memory_space<hbm>>
          %dma_wait3A_944 = arith.constant 0 : i32
          %dma_wait3A_945 = arith.constant 0 : i32
          %dma_wait3A_946 = arith.constant 0 : i32
          %dma_wait3A_947 = tpu.memref_slice %arg4[%add3A, %sub3A_857, %dma_wait3A_944, %dma_wait3A_934, %dma_wait3A_945, %dma_wait3A_946] : memref<32x40x8x6x8x128xf32, #tpu.memory_space<hbm>> -> memref<1x1x8x1x8x128xf32, #tpu.memory_space<hbm>>
          %dma_wait3A_948 = tpu.memref_squeeze %dma_wait3A_947 : memref<1x1x8x1x8x128xf32, #tpu.memory_space<hbm>> -> memref<8x8x128xf32, #tpu.memory_space<hbm>>
          %dma_wait3A_949 = arith.constant 0 : i32
          %dma_wait3A_950 = arith.constant 0 : i32
          %dma_wait3A_951 = arith.constant 512 : i32
          %dma_wait3A_952 = tpu.memref_slice %arg6[%dma_wait3A_949, %dma_wait3A_950, %dma_wait3A_951] : memref<8x8x768xf32, #tpu.memory_space<vmem>> -> memref<8x8x128xf32, #tpu.memory_space<vmem>>
          tpu.wait_dma2 semaphore(%arg10 : memref<!tpu.dma_semaphore, #tpu.memory_space<semaphore_mem>>) src(%dma_wait3A_952 : memref<8x8x128xf32, #tpu.memory_space<vmem>>) dst(%dma_wait3A_948 : memref<8x8x128xf32, #tpu.memory_space<hbm>>)
          %dma_wait3A_953 = arith.constant 5 : i32
          %dma_wait3A_954 = arith.constant 0 : i32
          %dma_wait3A_955 = arith.constant 0 : i32
          %dma_wait3A_956 = arith.constant 640 : i32
          %dma_wait3A_957 = tpu.memref_slice %arg6[%dma_wait3A_954, %dma_wait3A_955, %dma_wait3A_956] : memref<8x8x768xf32, #tpu.memory_space<vmem>> -> memref<8x8x128xf32, #tpu.memory_space<vmem>>
          %dma_wait3A_958 = arith.constant 0 : i32
          %dma_wait3A_959 = arith.constant 0 : i32
          %dma_wait3A_960 = arith.constant 0 : i32
          %dma_wait3A_961 = tpu.memref_slice %arg4[%add3A, %sub3A_857, %dma_wait3A_958, %dma_wait3A_953, %dma_wait3A_959, %dma_wait3A_960] : memref<32x40x8x6x8x128xf32, #tpu.memory_space<hbm>> -> memref<1x1x8x1x8x128xf32, #tpu.memory_space<hbm>>
          %dma_wait3A_962 = tpu.memref_squeeze %dma_wait3A_961 : memref<1x1x8x1x8x128xf32, #tpu.memory_space<hbm>> -> memref<8x8x128xf32, #tpu.memory_space<hbm>>
          %dma_wait3A_963 = arith.constant 0 : i32
          %dma_wait3A_964 = arith.constant 0 : i32
          %dma_wait3A_965 = arith.constant 0 : i32
          %dma_wait3A_966 = tpu.memref_slice %arg4[%add3A, %sub3A_857, %dma_wait3A_963, %dma_wait3A_953, %dma_wait3A_964, %dma_wait3A_965] : memref<32x40x8x6x8x128xf32, #tpu.memory_space<hbm>> -> memref<1x1x8x1x8x128xf32, #tpu.memory_space<hbm>>
          %dma_wait3A_967 = tpu.memref_squeeze %dma_wait3A_966 : memref<1x1x8x1x8x128xf32, #tpu.memory_space<hbm>> -> memref<8x8x128xf32, #tpu.memory_space<hbm>>
          %dma_wait3A_968 = arith.constant 0 : i32
          %dma_wait3A_969 = arith.constant 0 : i32
          %dma_wait3A_970 = arith.constant 640 : i32
          %dma_wait3A_971 = tpu.memref_slice %arg6[%dma_wait3A_968, %dma_wait3A_969, %dma_wait3A_970] : memref<8x8x768xf32, #tpu.memory_space<vmem>> -> memref<8x8x128xf32, #tpu.memory_space<vmem>>
          tpu.wait_dma2 semaphore(%arg10 : memref<!tpu.dma_semaphore, #tpu.memory_space<semaphore_mem>>) src(%dma_wait3A_971 : memref<8x8x128xf32, #tpu.memory_space<vmem>>) dst(%dma_wait3A_967 : memref<8x8x128xf32, #tpu.memory_space<hbm>>)
        } else {
        }
        %add3A_767 = arith.constant 1 : i32
        %add3A_768 = arith.addi %add3A_553, %add3A_767 : i32
        %dma_start3A_769 = arith.constant 0 : i32
        %dma_start3A_770 = arith.constant 0 : i32
        %dma_start3A_771 = arith.constant 0 : i32
        %dma_start3A_772 = tpu.memref_slice %arg6[%dma_start3A_769, %dma_start3A_770, %dma_start3A_771] : memref<8x8x768xf32, #tpu.memory_space<vmem>> -> memref<1x8x768xf32, #tpu.memory_space<vmem>>
        %dma_start3A_773 = tpu.memref_squeeze %dma_start3A_772 : memref<1x8x768xf32, #tpu.memory_space<vmem>> -> memref<8x768xf32, #tpu.memory_space<vmem>>
        %dma_start3A_774 = arith.constant 0 : i32
        %dma_start3A_775 = tpu.memref_slice %arg5[%add3A_768, %dma_start3A_774] : memref<40x64xi32, #tpu.memory_space<vmem>> -> memref<1x8xi32, #tpu.memory_space<vmem>>
        %dma_start3A_776 = tpu.memref_squeeze %dma_start3A_775 : memref<1x8xi32, #tpu.memory_space<vmem>> -> memref<8xi32, #tpu.memory_space<vmem>>
        %dma_start3A_777 = arith.constant 0 : i32
        %dma_start3A_778 = arith.constant 0 : i32
        %dma_start3A_779 = tpu.memref_slice %arg3[%dma_start3A_777, %dma_start3A_778] : memref<256001x768xf32, #tpu.memory_space<hbm>> -> memref<256001x768xf32, #tpu.memory_space<hbm>>
        tpu.enqueue_indirect_dma source(%dma_start3A_779 : memref<256001x768xf32, #tpu.memory_space<hbm>>) target(%dma_start3A_773 : memref<8x768xf32, #tpu.memory_space<vmem>>) offsets(%dma_start3A_776 : memref<8xi32, #tpu.memory_space<vmem>>) semaphore(%arg8 : memref<!tpu.dma_semaphore, #tpu.memory_space<semaphore_mem>>)
        %dma_start3A_780 = arith.constant 1 : i32
        %dma_start3A_781 = arith.constant 0 : i32
        %dma_start3A_782 = arith.constant 0 : i32
        %dma_start3A_783 = tpu.memref_slice %arg6[%dma_start3A_780, %dma_start3A_781, %dma_start3A_782] : memref<8x8x768xf32, #tpu.memory_space<vmem>> -> memref<1x8x768xf32, #tpu.memory_space<vmem>>
        %dma_start3A_784 = tpu.memref_squeeze %dma_start3A_783 : memref<1x8x768xf32, #tpu.memory_space<vmem>> -> memref<8x768xf32, #tpu.memory_space<vmem>>
        %dma_start3A_785 = arith.constant 8 : i32
        %dma_start3A_786 = tpu.memref_slice %arg5[%add3A_768, %dma_start3A_785] : memref<40x64xi32, #tpu.memory_space<vmem>> -> memref<1x8xi32, #tpu.memory_space<vmem>>
        %dma_start3A_787 = tpu.memref_squeeze %dma_start3A_786 : memref<1x8xi32, #tpu.memory_space<vmem>> -> memref<8xi32, #tpu.memory_space<vmem>>
        %dma_start3A_788 = arith.constant 0 : i32
        %dma_start3A_789 = arith.constant 0 : i32
        %dma_start3A_790 = tpu.memref_slice %arg3[%dma_start3A_788, %dma_start3A_789] : memref<256001x768xf32, #tpu.memory_space<hbm>> -> memref<256001x768xf32, #tpu.memory_space<hbm>>
        tpu.enqueue_indirect_dma source(%dma_start3A_790 : memref<256001x768xf32, #tpu.memory_space<hbm>>) target(%dma_start3A_784 : memref<8x768xf32, #tpu.memory_space<vmem>>) offsets(%dma_start3A_787 : memref<8xi32, #tpu.memory_space<vmem>>) semaphore(%arg8 : memref<!tpu.dma_semaphore, #tpu.memory_space<semaphore_mem>>)
        %dma_start3A_791 = arith.constant 2 : i32
        %dma_start3A_792 = arith.constant 0 : i32
        %dma_start3A_793 = arith.constant 0 : i32
        %dma_start3A_794 = tpu.memref_slice %arg6[%dma_start3A_791, %dma_start3A_792, %dma_start3A_793] : memref<8x8x768xf32, #tpu.memory_space<vmem>> -> memref<1x8x768xf32, #tpu.memory_space<vmem>>
        %dma_start3A_795 = tpu.memref_squeeze %dma_start3A_794 : memref<1x8x768xf32, #tpu.memory_space<vmem>> -> memref<8x768xf32, #tpu.memory_space<vmem>>
        %dma_start3A_796 = arith.constant 16 : i32
        %dma_start3A_797 = tpu.memref_slice %arg5[%add3A_768, %dma_start3A_796] : memref<40x64xi32, #tpu.memory_space<vmem>> -> memref<1x8xi32, #tpu.memory_space<vmem>>
        %dma_start3A_798 = tpu.memref_squeeze %dma_start3A_797 : memref<1x8xi32, #tpu.memory_space<vmem>> -> memref<8xi32, #tpu.memory_space<vmem>>
        %dma_start3A_799 = arith.constant 0 : i32
        %dma_start3A_800 = arith.constant 0 : i32
        %dma_start3A_801 = tpu.memref_slice %arg3[%dma_start3A_799, %dma_start3A_800] : memref<256001x768xf32, #tpu.memory_space<hbm>> -> memref<256001x768xf32, #tpu.memory_space<hbm>>
        tpu.enqueue_indirect_dma source(%dma_start3A_801 : memref<256001x768xf32, #tpu.memory_space<hbm>>) target(%dma_start3A_795 : memref<8x768xf32, #tpu.memory_space<vmem>>) offsets(%dma_start3A_798 : memref<8xi32, #tpu.memory_space<vmem>>) semaphore(%arg8 : memref<!tpu.dma_semaphore, #tpu.memory_space<semaphore_mem>>)
        %dma_start3A_802 = arith.constant 3 : i32
        %dma_start3A_803 = arith.constant 0 : i32
        %dma_start3A_804 = arith.constant 0 : i32
        %dma_start3A_805 = tpu.memref_slice %arg6[%dma_start3A_802, %dma_start3A_803, %dma_start3A_804] : memref<8x8x768xf32, #tpu.memory_space<vmem>> -> memref<1x8x768xf32, #tpu.memory_space<vmem>>
        %dma_start3A_806 = tpu.memref_squeeze %dma_start3A_805 : memref<1x8x768xf32, #tpu.memory_space<vmem>> -> memref<8x768xf32, #tpu.memory_space<vmem>>
        %dma_start3A_807 = arith.constant 24 : i32
        %dma_start3A_808 = tpu.memref_slice %arg5[%add3A_768, %dma_start3A_807] : memref<40x64xi32, #tpu.memory_space<vmem>> -> memref<1x8xi32, #tpu.memory_space<vmem>>
        %dma_start3A_809 = tpu.memref_squeeze %dma_start3A_808 : memref<1x8xi32, #tpu.memory_space<vmem>> -> memref<8xi32, #tpu.memory_space<vmem>>
        %dma_start3A_810 = arith.constant 0 : i32
        %dma_start3A_811 = arith.constant 0 : i32
        %dma_start3A_812 = tpu.memref_slice %arg3[%dma_start3A_810, %dma_start3A_811] : memref<256001x768xf32, #tpu.memory_space<hbm>> -> memref<256001x768xf32, #tpu.memory_space<hbm>>
        tpu.enqueue_indirect_dma source(%dma_start3A_812 : memref<256001x768xf32, #tpu.memory_space<hbm>>) target(%dma_start3A_806 : memref<8x768xf32, #tpu.memory_space<vmem>>) offsets(%dma_start3A_809 : memref<8xi32, #tpu.memory_space<vmem>>) semaphore(%arg8 : memref<!tpu.dma_semaphore, #tpu.memory_space<semaphore_mem>>)
        %dma_start3A_813 = arith.constant 4 : i32
        %dma_start3A_814 = arith.constant 0 : i32
        %dma_start3A_815 = arith.constant 0 : i32
        %dma_start3A_816 = tpu.memref_slice %arg6[%dma_start3A_813, %dma_start3A_814, %dma_start3A_815] : memref<8x8x768xf32, #tpu.memory_space<vmem>> -> memref<1x8x768xf32, #tpu.memory_space<vmem>>
        %dma_start3A_817 = tpu.memref_squeeze %dma_start3A_816 : memref<1x8x768xf32, #tpu.memory_space<vmem>> -> memref<8x768xf32, #tpu.memory_space<vmem>>
        %dma_start3A_818 = arith.constant 32 : i32
        %dma_start3A_819 = tpu.memref_slice %arg5[%add3A_768, %dma_start3A_818] : memref<40x64xi32, #tpu.memory_space<vmem>> -> memref<1x8xi32, #tpu.memory_space<vmem>>
        %dma_start3A_820 = tpu.memref_squeeze %dma_start3A_819 : memref<1x8xi32, #tpu.memory_space<vmem>> -> memref<8xi32, #tpu.memory_space<vmem>>
        %dma_start3A_821 = arith.constant 0 : i32
        %dma_start3A_822 = arith.constant 0 : i32
        %dma_start3A_823 = tpu.memref_slice %arg3[%dma_start3A_821, %dma_start3A_822] : memref<256001x768xf32, #tpu.memory_space<hbm>> -> memref<256001x768xf32, #tpu.memory_space<hbm>>
        tpu.enqueue_indirect_dma source(%dma_start3A_823 : memref<256001x768xf32, #tpu.memory_space<hbm>>) target(%dma_start3A_817 : memref<8x768xf32, #tpu.memory_space<vmem>>) offsets(%dma_start3A_820 : memref<8xi32, #tpu.memory_space<vmem>>) semaphore(%arg8 : memref<!tpu.dma_semaphore, #tpu.memory_space<semaphore_mem>>)
        %dma_start3A_824 = arith.constant 5 : i32
        %dma_start3A_825 = arith.constant 0 : i32
        %dma_start3A_826 = arith.constant 0 : i32
        %dma_start3A_827 = tpu.memref_slice %arg6[%dma_start3A_824, %dma_start3A_825, %dma_start3A_826] : memref<8x8x768xf32, #tpu.memory_space<vmem>> -> memref<1x8x768xf32, #tpu.memory_space<vmem>>
        %dma_start3A_828 = tpu.memref_squeeze %dma_start3A_827 : memref<1x8x768xf32, #tpu.memory_space<vmem>> -> memref<8x768xf32, #tpu.memory_space<vmem>>
        %dma_start3A_829 = arith.constant 40 : i32
        %dma_start3A_830 = tpu.memref_slice %arg5[%add3A_768, %dma_start3A_829] : memref<40x64xi32, #tpu.memory_space<vmem>> -> memref<1x8xi32, #tpu.memory_space<vmem>>
        %dma_start3A_831 = tpu.memref_squeeze %dma_start3A_830 : memref<1x8xi32, #tpu.memory_space<vmem>> -> memref<8xi32, #tpu.memory_space<vmem>>
        %dma_start3A_832 = arith.constant 0 : i32
        %dma_start3A_833 = arith.constant 0 : i32
        %dma_start3A_834 = tpu.memref_slice %arg3[%dma_start3A_832, %dma_start3A_833] : memref<256001x768xf32, #tpu.memory_space<hbm>> -> memref<256001x768xf32, #tpu.memory_space<hbm>>
        tpu.enqueue_indirect_dma source(%dma_start3A_834 : memref<256001x768xf32, #tpu.memory_space<hbm>>) target(%dma_start3A_828 : memref<8x768xf32, #tpu.memory_space<vmem>>) offsets(%dma_start3A_831 : memref<8xi32, #tpu.memory_space<vmem>>) semaphore(%arg8 : memref<!tpu.dma_semaphore, #tpu.memory_space<semaphore_mem>>)
        %dma_start3A_835 = arith.constant 6 : i32
        %dma_start3A_836 = arith.constant 0 : i32
        %dma_start3A_837 = arith.constant 0 : i32
        %dma_start3A_838 = tpu.memref_slice %arg6[%dma_start3A_835, %dma_start3A_836, %dma_start3A_837] : memref<8x8x768xf32, #tpu.memory_space<vmem>> -> memref<1x8x768xf32, #tpu.memory_space<vmem>>
        %dma_start3A_839 = tpu.memref_squeeze %dma_start3A_838 : memref<1x8x768xf32, #tpu.memory_space<vmem>> -> memref<8x768xf32, #tpu.memory_space<vmem>>
        %dma_start3A_840 = arith.constant 48 : i32
        %dma_start3A_841 = tpu.memref_slice %arg5[%add3A_768, %dma_start3A_840] : memref<40x64xi32, #tpu.memory_space<vmem>> -> memref<1x8xi32, #tpu.memory_space<vmem>>
        %dma_start3A_842 = tpu.memref_squeeze %dma_start3A_841 : memref<1x8xi32, #tpu.memory_space<vmem>> -> memref<8xi32, #tpu.memory_space<vmem>>
        %dma_start3A_843 = arith.constant 0 : i32
        %dma_start3A_844 = arith.constant 0 : i32
        %dma_start3A_845 = tpu.memref_slice %arg3[%dma_start3A_843, %dma_start3A_844] : memref<256001x768xf32, #tpu.memory_space<hbm>> -> memref<256001x768xf32, #tpu.memory_space<hbm>>
        tpu.enqueue_indirect_dma source(%dma_start3A_845 : memref<256001x768xf32, #tpu.memory_space<hbm>>) target(%dma_start3A_839 : memref<8x768xf32, #tpu.memory_space<vmem>>) offsets(%dma_start3A_842 : memref<8xi32, #tpu.memory_space<vmem>>) semaphore(%arg8 : memref<!tpu.dma_semaphore, #tpu.memory_space<semaphore_mem>>)
        %dma_start3A_846 = arith.constant 7 : i32
        %dma_start3A_847 = arith.constant 0 : i32
        %dma_start3A_848 = arith.constant 0 : i32
        %dma_start3A_849 = tpu.memref_slice %arg6[%dma_start3A_846, %dma_start3A_847, %dma_start3A_848] : memref<8x8x768xf32, #tpu.memory_space<vmem>> -> memref<1x8x768xf32, #tpu.memory_space<vmem>>
        %dma_start3A_850 = tpu.memref_squeeze %dma_start3A_849 : memref<1x8x768xf32, #tpu.memory_space<vmem>> -> memref<8x768xf32, #tpu.memory_space<vmem>>
        %dma_start3A_851 = arith.constant 56 : i32
        %dma_start3A_852 = tpu.memref_slice %arg5[%add3A_768, %dma_start3A_851] : memref<40x64xi32, #tpu.memory_space<vmem>> -> memref<1x8xi32, #tpu.memory_space<vmem>>
        %dma_start3A_853 = tpu.memref_squeeze %dma_start3A_852 : memref<1x8xi32, #tpu.memory_space<vmem>> -> memref<8xi32, #tpu.memory_space<vmem>>
        %dma_start3A_854 = arith.constant 0 : i32
        %dma_start3A_855 = arith.constant 0 : i32
        %dma_start3A_856 = tpu.memref_slice %arg3[%dma_start3A_854, %dma_start3A_855] : memref<256001x768xf32, #tpu.memory_space<hbm>> -> memref<256001x768xf32, #tpu.memory_space<hbm>>
        tpu.enqueue_indirect_dma source(%dma_start3A_856 : memref<256001x768xf32, #tpu.memory_space<hbm>>) target(%dma_start3A_850 : memref<8x768xf32, #tpu.memory_space<vmem>>) offsets(%dma_start3A_853 : memref<8xi32, #tpu.memory_space<vmem>>) semaphore(%arg8 : memref<!tpu.dma_semaphore, #tpu.memory_space<semaphore_mem>>)
      } else {
      }
    }
    %scan3A_99 = arith.constant 20 : i32
    %dma_wait3A = arith.constant 38 : i32
    %dma_wait3A_100 = arith.constant 0 : i32
    %dma_wait3A_101 = arith.constant 0 : i32
    %dma_wait3A_102 = arith.constant 0 : i32
    %dma_wait3A_103 = arith.constant 0 : i32
    %dma_wait3A_104 = tpu.memref_slice %arg6[%dma_wait3A_101, %dma_wait3A_102, %dma_wait3A_103] : memref<8x8x768xf32, #tpu.memory_space<vmem>> -> memref<8x8x128xf32, #tpu.memory_space<vmem>>
    %dma_wait3A_105 = arith.constant 0 : i32
    %dma_wait3A_106 = arith.constant 0 : i32
    %dma_wait3A_107 = arith.constant 0 : i32
    %dma_wait3A_108 = tpu.memref_slice %arg4[%add3A, %dma_wait3A, %dma_wait3A_105, %dma_wait3A_100, %dma_wait3A_106, %dma_wait3A_107] : memref<32x40x8x6x8x128xf32, #tpu.memory_space<hbm>> -> memref<1x1x8x1x8x128xf32, #tpu.memory_space<hbm>>
    %dma_wait3A_109 = tpu.memref_squeeze %dma_wait3A_108 : memref<1x1x8x1x8x128xf32, #tpu.memory_space<hbm>> -> memref<8x8x128xf32, #tpu.memory_space<hbm>>
    %dma_wait3A_110 = arith.constant 0 : i32
    %dma_wait3A_111 = arith.constant 0 : i32
    %dma_wait3A_112 = arith.constant 0 : i32
    %dma_wait3A_113 = tpu.memref_slice %arg4[%add3A, %dma_wait3A, %dma_wait3A_110, %dma_wait3A_100, %dma_wait3A_111, %dma_wait3A_112] : memref<32x40x8x6x8x128xf32, #tpu.memory_space<hbm>> -> memref<1x1x8x1x8x128xf32, #tpu.memory_space<hbm>>
    %dma_wait3A_114 = tpu.memref_squeeze %dma_wait3A_113 : memref<1x1x8x1x8x128xf32, #tpu.memory_space<hbm>> -> memref<8x8x128xf32, #tpu.memory_space<hbm>>
    %dma_wait3A_115 = arith.constant 0 : i32
    %dma_wait3A_116 = arith.constant 0 : i32
    %dma_wait3A_117 = arith.constant 0 : i32
    %dma_wait3A_118 = tpu.memref_slice %arg6[%dma_wait3A_115, %dma_wait3A_116, %dma_wait3A_117] : memref<8x8x768xf32, #tpu.memory_space<vmem>> -> memref<8x8x128xf32, #tpu.memory_space<vmem>>
    tpu.wait_dma2 semaphore(%arg10 : memref<!tpu.dma_semaphore, #tpu.memory_space<semaphore_mem>>) src(%dma_wait3A_118 : memref<8x8x128xf32, #tpu.memory_space<vmem>>) dst(%dma_wait3A_114 : memref<8x8x128xf32, #tpu.memory_space<hbm>>)
    %dma_wait3A_119 = arith.constant 38 : i32
    %dma_wait3A_120 = arith.constant 1 : i32
    %dma_wait3A_121 = arith.constant 0 : i32
    %dma_wait3A_122 = arith.constant 0 : i32
    %dma_wait3A_123 = arith.constant 128 : i32
    %dma_wait3A_124 = tpu.memref_slice %arg6[%dma_wait3A_121, %dma_wait3A_122, %dma_wait3A_123] : memref<8x8x768xf32, #tpu.memory_space<vmem>> -> memref<8x8x128xf32, #tpu.memory_space<vmem>>
    %dma_wait3A_125 = arith.constant 0 : i32
    %dma_wait3A_126 = arith.constant 0 : i32
    %dma_wait3A_127 = arith.constant 0 : i32
    %dma_wait3A_128 = tpu.memref_slice %arg4[%add3A, %dma_wait3A_119, %dma_wait3A_125, %dma_wait3A_120, %dma_wait3A_126, %dma_wait3A_127] : memref<32x40x8x6x8x128xf32, #tpu.memory_space<hbm>> -> memref<1x1x8x1x8x128xf32, #tpu.memory_space<hbm>>
    %dma_wait3A_129 = tpu.memref_squeeze %dma_wait3A_128 : memref<1x1x8x1x8x128xf32, #tpu.memory_space<hbm>> -> memref<8x8x128xf32, #tpu.memory_space<hbm>>
    %dma_wait3A_130 = arith.constant 0 : i32
    %dma_wait3A_131 = arith.constant 0 : i32
    %dma_wait3A_132 = arith.constant 0 : i32
    %dma_wait3A_133 = tpu.memref_slice %arg4[%add3A, %dma_wait3A_119, %dma_wait3A_130, %dma_wait3A_120, %dma_wait3A_131, %dma_wait3A_132] : memref<32x40x8x6x8x128xf32, #tpu.memory_space<hbm>> -> memref<1x1x8x1x8x128xf32, #tpu.memory_space<hbm>>
    %dma_wait3A_134 = tpu.memref_squeeze %dma_wait3A_133 : memref<1x1x8x1x8x128xf32, #tpu.memory_space<hbm>> -> memref<8x8x128xf32, #tpu.memory_space<hbm>>
    %dma_wait3A_135 = arith.constant 0 : i32
    %dma_wait3A_136 = arith.constant 0 : i32
    %dma_wait3A_137 = arith.constant 128 : i32
    %dma_wait3A_138 = tpu.memref_slice %arg6[%dma_wait3A_135, %dma_wait3A_136, %dma_wait3A_137] : memref<8x8x768xf32, #tpu.memory_space<vmem>> -> memref<8x8x128xf32, #tpu.memory_space<vmem>>
    tpu.wait_dma2 semaphore(%arg10 : memref<!tpu.dma_semaphore, #tpu.memory_space<semaphore_mem>>) src(%dma_wait3A_138 : memref<8x8x128xf32, #tpu.memory_space<vmem>>) dst(%dma_wait3A_134 : memref<8x8x128xf32, #tpu.memory_space<hbm>>)
    %dma_wait3A_139 = arith.constant 38 : i32
    %dma_wait3A_140 = arith.constant 2 : i32
    %dma_wait3A_141 = arith.constant 0 : i32
    %dma_wait3A_142 = arith.constant 0 : i32
    %dma_wait3A_143 = arith.constant 256 : i32
    %dma_wait3A_144 = tpu.memref_slice %arg6[%dma_wait3A_141, %dma_wait3A_142, %dma_wait3A_143] : memref<8x8x768xf32, #tpu.memory_space<vmem>> -> memref<8x8x128xf32, #tpu.memory_space<vmem>>
    %dma_wait3A_145 = arith.constant 0 : i32
    %dma_wait3A_146 = arith.constant 0 : i32
    %dma_wait3A_147 = arith.constant 0 : i32
    %dma_wait3A_148 = tpu.memref_slice %arg4[%add3A, %dma_wait3A_139, %dma_wait3A_145, %dma_wait3A_140, %dma_wait3A_146, %dma_wait3A_147] : memref<32x40x8x6x8x128xf32, #tpu.memory_space<hbm>> -> memref<1x1x8x1x8x128xf32, #tpu.memory_space<hbm>>
    %dma_wait3A_149 = tpu.memref_squeeze %dma_wait3A_148 : memref<1x1x8x1x8x128xf32, #tpu.memory_space<hbm>> -> memref<8x8x128xf32, #tpu.memory_space<hbm>>
    %dma_wait3A_150 = arith.constant 0 : i32
    %dma_wait3A_151 = arith.constant 0 : i32
    %dma_wait3A_152 = arith.constant 0 : i32
    %dma_wait3A_153 = tpu.memref_slice %arg4[%add3A, %dma_wait3A_139, %dma_wait3A_150, %dma_wait3A_140, %dma_wait3A_151, %dma_wait3A_152] : memref<32x40x8x6x8x128xf32, #tpu.memory_space<hbm>> -> memref<1x1x8x1x8x128xf32, #tpu.memory_space<hbm>>
    %dma_wait3A_154 = tpu.memref_squeeze %dma_wait3A_153 : memref<1x1x8x1x8x128xf32, #tpu.memory_space<hbm>> -> memref<8x8x128xf32, #tpu.memory_space<hbm>>
    %dma_wait3A_155 = arith.constant 0 : i32
    %dma_wait3A_156 = arith.constant 0 : i32
    %dma_wait3A_157 = arith.constant 256 : i32
    %dma_wait3A_158 = tpu.memref_slice %arg6[%dma_wait3A_155, %dma_wait3A_156, %dma_wait3A_157] : memref<8x8x768xf32, #tpu.memory_space<vmem>> -> memref<8x8x128xf32, #tpu.memory_space<vmem>>
    tpu.wait_dma2 semaphore(%arg10 : memref<!tpu.dma_semaphore, #tpu.memory_space<semaphore_mem>>) src(%dma_wait3A_158 : memref<8x8x128xf32, #tpu.memory_space<vmem>>) dst(%dma_wait3A_154 : memref<8x8x128xf32, #tpu.memory_space<hbm>>)
    %dma_wait3A_159 = arith.constant 38 : i32
    %dma_wait3A_160 = arith.constant 3 : i32
    %dma_wait3A_161 = arith.constant 0 : i32
    %dma_wait3A_162 = arith.constant 0 : i32
    %dma_wait3A_163 = arith.constant 384 : i32
    %dma_wait3A_164 = tpu.memref_slice %arg6[%dma_wait3A_161, %dma_wait3A_162, %dma_wait3A_163] : memref<8x8x768xf32, #tpu.memory_space<vmem>> -> memref<8x8x128xf32, #tpu.memory_space<vmem>>
    %dma_wait3A_165 = arith.constant 0 : i32
    %dma_wait3A_166 = arith.constant 0 : i32
    %dma_wait3A_167 = arith.constant 0 : i32
    %dma_wait3A_168 = tpu.memref_slice %arg4[%add3A, %dma_wait3A_159, %dma_wait3A_165, %dma_wait3A_160, %dma_wait3A_166, %dma_wait3A_167] : memref<32x40x8x6x8x128xf32, #tpu.memory_space<hbm>> -> memref<1x1x8x1x8x128xf32, #tpu.memory_space<hbm>>
    %dma_wait3A_169 = tpu.memref_squeeze %dma_wait3A_168 : memref<1x1x8x1x8x128xf32, #tpu.memory_space<hbm>> -> memref<8x8x128xf32, #tpu.memory_space<hbm>>
    %dma_wait3A_170 = arith.constant 0 : i32
    %dma_wait3A_171 = arith.constant 0 : i32
    %dma_wait3A_172 = arith.constant 0 : i32
    %dma_wait3A_173 = tpu.memref_slice %arg4[%add3A, %dma_wait3A_159, %dma_wait3A_170, %dma_wait3A_160, %dma_wait3A_171, %dma_wait3A_172] : memref<32x40x8x6x8x128xf32, #tpu.memory_space<hbm>> -> memref<1x1x8x1x8x128xf32, #tpu.memory_space<hbm>>
    %dma_wait3A_174 = tpu.memref_squeeze %dma_wait3A_173 : memref<1x1x8x1x8x128xf32, #tpu.memory_space<hbm>> -> memref<8x8x128xf32, #tpu.memory_space<hbm>>
    %dma_wait3A_175 = arith.constant 0 : i32
    %dma_wait3A_176 = arith.constant 0 : i32
    %dma_wait3A_177 = arith.constant 384 : i32
    %dma_wait3A_178 = tpu.memref_slice %arg6[%dma_wait3A_175, %dma_wait3A_176, %dma_wait3A_177] : memref<8x8x768xf32, #tpu.memory_space<vmem>> -> memref<8x8x128xf32, #tpu.memory_space<vmem>>
    tpu.wait_dma2 semaphore(%arg10 : memref<!tpu.dma_semaphore, #tpu.memory_space<semaphore_mem>>) src(%dma_wait3A_178 : memref<8x8x128xf32, #tpu.memory_space<vmem>>) dst(%dma_wait3A_174 : memref<8x8x128xf32, #tpu.memory_space<hbm>>)
    %dma_wait3A_179 = arith.constant 38 : i32
    %dma_wait3A_180 = arith.constant 4 : i32
    %dma_wait3A_181 = arith.constant 0 : i32
    %dma_wait3A_182 = arith.constant 0 : i32
    %dma_wait3A_183 = arith.constant 512 : i32
    %dma_wait3A_184 = tpu.memref_slice %arg6[%dma_wait3A_181, %dma_wait3A_182, %dma_wait3A_183] : memref<8x8x768xf32, #tpu.memory_space<vmem>> -> memref<8x8x128xf32, #tpu.memory_space<vmem>>
    %dma_wait3A_185 = arith.constant 0 : i32
    %dma_wait3A_186 = arith.constant 0 : i32
    %dma_wait3A_187 = arith.constant 0 : i32
    %dma_wait3A_188 = tpu.memref_slice %arg4[%add3A, %dma_wait3A_179, %dma_wait3A_185, %dma_wait3A_180, %dma_wait3A_186, %dma_wait3A_187] : memref<32x40x8x6x8x128xf32, #tpu.memory_space<hbm>> -> memref<1x1x8x1x8x128xf32, #tpu.memory_space<hbm>>
    %dma_wait3A_189 = tpu.memref_squeeze %dma_wait3A_188 : memref<1x1x8x1x8x128xf32, #tpu.memory_space<hbm>> -> memref<8x8x128xf32, #tpu.memory_space<hbm>>
    %dma_wait3A_190 = arith.constant 0 : i32
    %dma_wait3A_191 = arith.constant 0 : i32
    %dma_wait3A_192 = arith.constant 0 : i32
    %dma_wait3A_193 = tpu.memref_slice %arg4[%add3A, %dma_wait3A_179, %dma_wait3A_190, %dma_wait3A_180, %dma_wait3A_191, %dma_wait3A_192] : memref<32x40x8x6x8x128xf32, #tpu.memory_space<hbm>> -> memref<1x1x8x1x8x128xf32, #tpu.memory_space<hbm>>
    %dma_wait3A_194 = tpu.memref_squeeze %dma_wait3A_193 : memref<1x1x8x1x8x128xf32, #tpu.memory_space<hbm>> -> memref<8x8x128xf32, #tpu.memory_space<hbm>>
    %dma_wait3A_195 = arith.constant 0 : i32
    %dma_wait3A_196 = arith.constant 0 : i32
    %dma_wait3A_197 = arith.constant 512 : i32
    %dma_wait3A_198 = tpu.memref_slice %arg6[%dma_wait3A_195, %dma_wait3A_196, %dma_wait3A_197] : memref<8x8x768xf32, #tpu.memory_space<vmem>> -> memref<8x8x128xf32, #tpu.memory_space<vmem>>
    tpu.wait_dma2 semaphore(%arg10 : memref<!tpu.dma_semaphore, #tpu.memory_space<semaphore_mem>>) src(%dma_wait3A_198 : memref<8x8x128xf32, #tpu.memory_space<vmem>>) dst(%dma_wait3A_194 : memref<8x8x128xf32, #tpu.memory_space<hbm>>)
    %dma_wait3A_199 = arith.constant 38 : i32
    %dma_wait3A_200 = arith.constant 5 : i32
    %dma_wait3A_201 = arith.constant 0 : i32
    %dma_wait3A_202 = arith.constant 0 : i32
    %dma_wait3A_203 = arith.constant 640 : i32
    %dma_wait3A_204 = tpu.memref_slice %arg6[%dma_wait3A_201, %dma_wait3A_202, %dma_wait3A_203] : memref<8x8x768xf32, #tpu.memory_space<vmem>> -> memref<8x8x128xf32, #tpu.memory_space<vmem>>
    %dma_wait3A_205 = arith.constant 0 : i32
    %dma_wait3A_206 = arith.constant 0 : i32
    %dma_wait3A_207 = arith.constant 0 : i32
    %dma_wait3A_208 = tpu.memref_slice %arg4[%add3A, %dma_wait3A_199, %dma_wait3A_205, %dma_wait3A_200, %dma_wait3A_206, %dma_wait3A_207] : memref<32x40x8x6x8x128xf32, #tpu.memory_space<hbm>> -> memref<1x1x8x1x8x128xf32, #tpu.memory_space<hbm>>
    %dma_wait3A_209 = tpu.memref_squeeze %dma_wait3A_208 : memref<1x1x8x1x8x128xf32, #tpu.memory_space<hbm>> -> memref<8x8x128xf32, #tpu.memory_space<hbm>>
    %dma_wait3A_210 = arith.constant 0 : i32
    %dma_wait3A_211 = arith.constant 0 : i32
    %dma_wait3A_212 = arith.constant 0 : i32
    %dma_wait3A_213 = tpu.memref_slice %arg4[%add3A, %dma_wait3A_199, %dma_wait3A_210, %dma_wait3A_200, %dma_wait3A_211, %dma_wait3A_212] : memref<32x40x8x6x8x128xf32, #tpu.memory_space<hbm>> -> memref<1x1x8x1x8x128xf32, #tpu.memory_space<hbm>>
    %dma_wait3A_214 = tpu.memref_squeeze %dma_wait3A_213 : memref<1x1x8x1x8x128xf32, #tpu.memory_space<hbm>> -> memref<8x8x128xf32, #tpu.memory_space<hbm>>
    %dma_wait3A_215 = arith.constant 0 : i32
    %dma_wait3A_216 = arith.constant 0 : i32
    %dma_wait3A_217 = arith.constant 640 : i32
    %dma_wait3A_218 = tpu.memref_slice %arg6[%dma_wait3A_215, %dma_wait3A_216, %dma_wait3A_217] : memref<8x8x768xf32, #tpu.memory_space<vmem>> -> memref<8x8x128xf32, #tpu.memory_space<vmem>>
    tpu.wait_dma2 semaphore(%arg10 : memref<!tpu.dma_semaphore, #tpu.memory_space<semaphore_mem>>) src(%dma_wait3A_218 : memref<8x8x128xf32, #tpu.memory_space<vmem>>) dst(%dma_wait3A_214 : memref<8x8x128xf32, #tpu.memory_space<hbm>>)
    %dma_wait3A_219 = arith.constant 39 : i32
    %dma_wait3A_220 = arith.constant 0 : i32
    %dma_wait3A_221 = arith.constant 0 : i32
    %dma_wait3A_222 = arith.constant 0 : i32
    %dma_wait3A_223 = arith.constant 0 : i32
    %dma_wait3A_224 = tpu.memref_slice %arg7[%dma_wait3A_221, %dma_wait3A_222, %dma_wait3A_223] : memref<8x8x768xf32, #tpu.memory_space<vmem>> -> memref<8x8x128xf32, #tpu.memory_space<vmem>>
    %dma_wait3A_225 = arith.constant 0 : i32
    %dma_wait3A_226 = arith.constant 0 : i32
    %dma_wait3A_227 = arith.constant 0 : i32
    %dma_wait3A_228 = tpu.memref_slice %arg4[%add3A, %dma_wait3A_219, %dma_wait3A_225, %dma_wait3A_220, %dma_wait3A_226, %dma_wait3A_227] : memref<32x40x8x6x8x128xf32, #tpu.memory_space<hbm>> -> memref<1x1x8x1x8x128xf32, #tpu.memory_space<hbm>>
    %dma_wait3A_229 = tpu.memref_squeeze %dma_wait3A_228 : memref<1x1x8x1x8x128xf32, #tpu.memory_space<hbm>> -> memref<8x8x128xf32, #tpu.memory_space<hbm>>
    %dma_wait3A_230 = arith.constant 0 : i32
    %dma_wait3A_231 = arith.constant 0 : i32
    %dma_wait3A_232 = arith.constant 0 : i32
    %dma_wait3A_233 = tpu.memref_slice %arg4[%add3A, %dma_wait3A_219, %dma_wait3A_230, %dma_wait3A_220, %dma_wait3A_231, %dma_wait3A_232] : memref<32x40x8x6x8x128xf32, #tpu.memory_space<hbm>> -> memref<1x1x8x1x8x128xf32, #tpu.memory_space<hbm>>
    %dma_wait3A_234 = tpu.memref_squeeze %dma_wait3A_233 : memref<1x1x8x1x8x128xf32, #tpu.memory_space<hbm>> -> memref<8x8x128xf32, #tpu.memory_space<hbm>>
    %dma_wait3A_235 = arith.constant 0 : i32
    %dma_wait3A_236 = arith.constant 0 : i32
    %dma_wait3A_237 = arith.constant 0 : i32
    %dma_wait3A_238 = tpu.memref_slice %arg7[%dma_wait3A_235, %dma_wait3A_236, %dma_wait3A_237] : memref<8x8x768xf32, #tpu.memory_space<vmem>> -> memref<8x8x128xf32, #tpu.memory_space<vmem>>
    tpu.wait_dma2 semaphore(%arg11 : memref<!tpu.dma_semaphore, #tpu.memory_space<semaphore_mem>>) src(%dma_wait3A_238 : memref<8x8x128xf32, #tpu.memory_space<vmem>>) dst(%dma_wait3A_234 : memref<8x8x128xf32, #tpu.memory_space<hbm>>)
    %dma_wait3A_239 = arith.constant 39 : i32
    %dma_wait3A_240 = arith.constant 1 : i32
    %dma_wait3A_241 = arith.constant 0 : i32
    %dma_wait3A_242 = arith.constant 0 : i32
    %dma_wait3A_243 = arith.constant 128 : i32
    %dma_wait3A_244 = tpu.memref_slice %arg7[%dma_wait3A_241, %dma_wait3A_242, %dma_wait3A_243] : memref<8x8x768xf32, #tpu.memory_space<vmem>> -> memref<8x8x128xf32, #tpu.memory_space<vmem>>
    %dma_wait3A_245 = arith.constant 0 : i32
    %dma_wait3A_246 = arith.constant 0 : i32
    %dma_wait3A_247 = arith.constant 0 : i32
    %dma_wait3A_248 = tpu.memref_slice %arg4[%add3A, %dma_wait3A_239, %dma_wait3A_245, %dma_wait3A_240, %dma_wait3A_246, %dma_wait3A_247] : memref<32x40x8x6x8x128xf32, #tpu.memory_space<hbm>> -> memref<1x1x8x1x8x128xf32, #tpu.memory_space<hbm>>
    %dma_wait3A_249 = tpu.memref_squeeze %dma_wait3A_248 : memref<1x1x8x1x8x128xf32, #tpu.memory_space<hbm>> -> memref<8x8x128xf32, #tpu.memory_space<hbm>>
    %dma_wait3A_250 = arith.constant 0 : i32
    %dma_wait3A_251 = arith.constant 0 : i32
    %dma_wait3A_252 = arith.constant 0 : i32
    %dma_wait3A_253 = tpu.memref_slice %arg4[%add3A, %dma_wait3A_239, %dma_wait3A_250, %dma_wait3A_240, %dma_wait3A_251, %dma_wait3A_252] : memref<32x40x8x6x8x128xf32, #tpu.memory_space<hbm>> -> memref<1x1x8x1x8x128xf32, #tpu.memory_space<hbm>>
    %dma_wait3A_254 = tpu.memref_squeeze %dma_wait3A_253 : memref<1x1x8x1x8x128xf32, #tpu.memory_space<hbm>> -> memref<8x8x128xf32, #tpu.memory_space<hbm>>
    %dma_wait3A_255 = arith.constant 0 : i32
    %dma_wait3A_256 = arith.constant 0 : i32
    %dma_wait3A_257 = arith.constant 128 : i32
    %dma_wait3A_258 = tpu.memref_slice %arg7[%dma_wait3A_255, %dma_wait3A_256, %dma_wait3A_257] : memref<8x8x768xf32, #tpu.memory_space<vmem>> -> memref<8x8x128xf32, #tpu.memory_space<vmem>>
    tpu.wait_dma2 semaphore(%arg11 : memref<!tpu.dma_semaphore, #tpu.memory_space<semaphore_mem>>) src(%dma_wait3A_258 : memref<8x8x128xf32, #tpu.memory_space<vmem>>) dst(%dma_wait3A_254 : memref<8x8x128xf32, #tpu.memory_space<hbm>>)
    %dma_wait3A_259 = arith.constant 39 : i32
    %dma_wait3A_260 = arith.constant 2 : i32
    %dma_wait3A_261 = arith.constant 0 : i32
    %dma_wait3A_262 = arith.constant 0 : i32
    %dma_wait3A_263 = arith.constant 256 : i32
    %dma_wait3A_264 = tpu.memref_slice %arg7[%dma_wait3A_261, %dma_wait3A_262, %dma_wait3A_263] : memref<8x8x768xf32, #tpu.memory_space<vmem>> -> memref<8x8x128xf32, #tpu.memory_space<vmem>>
    %dma_wait3A_265 = arith.constant 0 : i32
    %dma_wait3A_266 = arith.constant 0 : i32
    %dma_wait3A_267 = arith.constant 0 : i32
    %dma_wait3A_268 = tpu.memref_slice %arg4[%add3A, %dma_wait3A_259, %dma_wait3A_265, %dma_wait3A_260, %dma_wait3A_266, %dma_wait3A_267] : memref<32x40x8x6x8x128xf32, #tpu.memory_space<hbm>> -> memref<1x1x8x1x8x128xf32, #tpu.memory_space<hbm>>
    %dma_wait3A_269 = tpu.memref_squeeze %dma_wait3A_268 : memref<1x1x8x1x8x128xf32, #tpu.memory_space<hbm>> -> memref<8x8x128xf32, #tpu.memory_space<hbm>>
    %dma_wait3A_270 = arith.constant 0 : i32
    %dma_wait3A_271 = arith.constant 0 : i32
    %dma_wait3A_272 = arith.constant 0 : i32
    %dma_wait3A_273 = tpu.memref_slice %arg4[%add3A, %dma_wait3A_259, %dma_wait3A_270, %dma_wait3A_260, %dma_wait3A_271, %dma_wait3A_272] : memref<32x40x8x6x8x128xf32, #tpu.memory_space<hbm>> -> memref<1x1x8x1x8x128xf32, #tpu.memory_space<hbm>>
    %dma_wait3A_274 = tpu.memref_squeeze %dma_wait3A_273 : memref<1x1x8x1x8x128xf32, #tpu.memory_space<hbm>> -> memref<8x8x128xf32, #tpu.memory_space<hbm>>
    %dma_wait3A_275 = arith.constant 0 : i32
    %dma_wait3A_276 = arith.constant 0 : i32
    %dma_wait3A_277 = arith.constant 256 : i32
    %dma_wait3A_278 = tpu.memref_slice %arg7[%dma_wait3A_275, %dma_wait3A_276, %dma_wait3A_277] : memref<8x8x768xf32, #tpu.memory_space<vmem>> -> memref<8x8x128xf32, #tpu.memory_space<vmem>>
    tpu.wait_dma2 semaphore(%arg11 : memref<!tpu.dma_semaphore, #tpu.memory_space<semaphore_mem>>) src(%dma_wait3A_278 : memref<8x8x128xf32, #tpu.memory_space<vmem>>) dst(%dma_wait3A_274 : memref<8x8x128xf32, #tpu.memory_space<hbm>>)
    %dma_wait3A_279 = arith.constant 39 : i32
    %dma_wait3A_280 = arith.constant 3 : i32
    %dma_wait3A_281 = arith.constant 0 : i32
    %dma_wait3A_282 = arith.constant 0 : i32
    %dma_wait3A_283 = arith.constant 384 : i32
    %dma_wait3A_284 = tpu.memref_slice %arg7[%dma_wait3A_281, %dma_wait3A_282, %dma_wait3A_283] : memref<8x8x768xf32, #tpu.memory_space<vmem>> -> memref<8x8x128xf32, #tpu.memory_space<vmem>>
    %dma_wait3A_285 = arith.constant 0 : i32
    %dma_wait3A_286 = arith.constant 0 : i32
    %dma_wait3A_287 = arith.constant 0 : i32
    %dma_wait3A_288 = tpu.memref_slice %arg4[%add3A, %dma_wait3A_279, %dma_wait3A_285, %dma_wait3A_280, %dma_wait3A_286, %dma_wait3A_287] : memref<32x40x8x6x8x128xf32, #tpu.memory_space<hbm>> -> memref<1x1x8x1x8x128xf32, #tpu.memory_space<hbm>>
    %dma_wait3A_289 = tpu.memref_squeeze %dma_wait3A_288 : memref<1x1x8x1x8x128xf32, #tpu.memory_space<hbm>> -> memref<8x8x128xf32, #tpu.memory_space<hbm>>
    %dma_wait3A_290 = arith.constant 0 : i32
    %dma_wait3A_291 = arith.constant 0 : i32
    %dma_wait3A_292 = arith.constant 0 : i32
    %dma_wait3A_293 = tpu.memref_slice %arg4[%add3A, %dma_wait3A_279, %dma_wait3A_290, %dma_wait3A_280, %dma_wait3A_291, %dma_wait3A_292] : memref<32x40x8x6x8x128xf32, #tpu.memory_space<hbm>> -> memref<1x1x8x1x8x128xf32, #tpu.memory_space<hbm>>
    %dma_wait3A_294 = tpu.memref_squeeze %dma_wait3A_293 : memref<1x1x8x1x8x128xf32, #tpu.memory_space<hbm>> -> memref<8x8x128xf32, #tpu.memory_space<hbm>>
    %dma_wait3A_295 = arith.constant 0 : i32
    %dma_wait3A_296 = arith.constant 0 : i32
    %dma_wait3A_297 = arith.constant 384 : i32
    %dma_wait3A_298 = tpu.memref_slice %arg7[%dma_wait3A_295, %dma_wait3A_296, %dma_wait3A_297] : memref<8x8x768xf32, #tpu.memory_space<vmem>> -> memref<8x8x128xf32, #tpu.memory_space<vmem>>
    tpu.wait_dma2 semaphore(%arg11 : memref<!tpu.dma_semaphore, #tpu.memory_space<semaphore_mem>>) src(%dma_wait3A_298 : memref<8x8x128xf32, #tpu.memory_space<vmem>>) dst(%dma_wait3A_294 : memref<8x8x128xf32, #tpu.memory_space<hbm>>)
    %dma_wait3A_299 = arith.constant 39 : i32
    %dma_wait3A_300 = arith.constant 4 : i32
    %dma_wait3A_301 = arith.constant 0 : i32
    %dma_wait3A_302 = arith.constant 0 : i32
    %dma_wait3A_303 = arith.constant 512 : i32
    %dma_wait3A_304 = tpu.memref_slice %arg7[%dma_wait3A_301, %dma_wait3A_302, %dma_wait3A_303] : memref<8x8x768xf32, #tpu.memory_space<vmem>> -> memref<8x8x128xf32, #tpu.memory_space<vmem>>
    %dma_wait3A_305 = arith.constant 0 : i32
    %dma_wait3A_306 = arith.constant 0 : i32
    %dma_wait3A_307 = arith.constant 0 : i32
    %dma_wait3A_308 = tpu.memref_slice %arg4[%add3A, %dma_wait3A_299, %dma_wait3A_305, %dma_wait3A_300, %dma_wait3A_306, %dma_wait3A_307] : memref<32x40x8x6x8x128xf32, #tpu.memory_space<hbm>> -> memref<1x1x8x1x8x128xf32, #tpu.memory_space<hbm>>
    %dma_wait3A_309 = tpu.memref_squeeze %dma_wait3A_308 : memref<1x1x8x1x8x128xf32, #tpu.memory_space<hbm>> -> memref<8x8x128xf32, #tpu.memory_space<hbm>>
    %dma_wait3A_310 = arith.constant 0 : i32
    %dma_wait3A_311 = arith.constant 0 : i32
    %dma_wait3A_312 = arith.constant 0 : i32
    %dma_wait3A_313 = tpu.memref_slice %arg4[%add3A, %dma_wait3A_299, %dma_wait3A_310, %dma_wait3A_300, %dma_wait3A_311, %dma_wait3A_312] : memref<32x40x8x6x8x128xf32, #tpu.memory_space<hbm>> -> memref<1x1x8x1x8x128xf32, #tpu.memory_space<hbm>>
    %dma_wait3A_314 = tpu.memref_squeeze %dma_wait3A_313 : memref<1x1x8x1x8x128xf32, #tpu.memory_space<hbm>> -> memref<8x8x128xf32, #tpu.memory_space<hbm>>
    %dma_wait3A_315 = arith.constant 0 : i32
    %dma_wait3A_316 = arith.constant 0 : i32
    %dma_wait3A_317 = arith.constant 512 : i32
    %dma_wait3A_318 = tpu.memref_slice %arg7[%dma_wait3A_315, %dma_wait3A_316, %dma_wait3A_317] : memref<8x8x768xf32, #tpu.memory_space<vmem>> -> memref<8x8x128xf32, #tpu.memory_space<vmem>>
    tpu.wait_dma2 semaphore(%arg11 : memref<!tpu.dma_semaphore, #tpu.memory_space<semaphore_mem>>) src(%dma_wait3A_318 : memref<8x8x128xf32, #tpu.memory_space<vmem>>) dst(%dma_wait3A_314 : memref<8x8x128xf32, #tpu.memory_space<hbm>>)
    %dma_wait3A_319 = arith.constant 39 : i32
    %dma_wait3A_320 = arith.constant 5 : i32
    %dma_wait3A_321 = arith.constant 0 : i32
    %dma_wait3A_322 = arith.constant 0 : i32
    %dma_wait3A_323 = arith.constant 640 : i32
    %dma_wait3A_324 = tpu.memref_slice %arg7[%dma_wait3A_321, %dma_wait3A_322, %dma_wait3A_323] : memref<8x8x768xf32, #tpu.memory_space<vmem>> -> memref<8x8x128xf32, #tpu.memory_space<vmem>>
    %dma_wait3A_325 = arith.constant 0 : i32
    %dma_wait3A_326 = arith.constant 0 : i32
    %dma_wait3A_327 = arith.constant 0 : i32
    %dma_wait3A_328 = tpu.memref_slice %arg4[%add3A, %dma_wait3A_319, %dma_wait3A_325, %dma_wait3A_320, %dma_wait3A_326, %dma_wait3A_327] : memref<32x40x8x6x8x128xf32, #tpu.memory_space<hbm>> -> memref<1x1x8x1x8x128xf32, #tpu.memory_space<hbm>>
    %dma_wait3A_329 = tpu.memref_squeeze %dma_wait3A_328 : memref<1x1x8x1x8x128xf32, #tpu.memory_space<hbm>> -> memref<8x8x128xf32, #tpu.memory_space<hbm>>
    %dma_wait3A_330 = arith.constant 0 : i32
    %dma_wait3A_331 = arith.constant 0 : i32
    %dma_wait3A_332 = arith.constant 0 : i32
    %dma_wait3A_333 = tpu.memref_slice %arg4[%add3A, %dma_wait3A_319, %dma_wait3A_330, %dma_wait3A_320, %dma_wait3A_331, %dma_wait3A_332] : memref<32x40x8x6x8x128xf32, #tpu.memory_space<hbm>> -> memref<1x1x8x1x8x128xf32, #tpu.memory_space<hbm>>
    %dma_wait3A_334 = tpu.memref_squeeze %dma_wait3A_333 : memref<1x1x8x1x8x128xf32, #tpu.memory_space<hbm>> -> memref<8x8x128xf32, #tpu.memory_space<hbm>>
    %dma_wait3A_335 = arith.constant 0 : i32
    %dma_wait3A_336 = arith.constant 0 : i32
    %dma_wait3A_337 = arith.constant 640 : i32
    %dma_wait3A_338 = tpu.memref_slice %arg7[%dma_wait3A_335, %dma_wait3A_336, %dma_wait3A_337] : memref<8x8x768xf32, #tpu.memory_space<vmem>> -> memref<8x8x128xf32, #tpu.memory_space<vmem>>
    tpu.wait_dma2 semaphore(%arg11 : memref<!tpu.dma_semaphore, #tpu.memory_space<semaphore_mem>>) src(%dma_wait3A_338 : memref<8x8x128xf32, #tpu.memory_space<vmem>>) dst(%dma_wait3A_334 : memref<8x8x128xf32, #tpu.memory_space<hbm>>)
    return
  }
}

</mosaic_0001>

<sc_bundles>
// kernel: _emb.3.cloned.1.call-start
scs
__scs_entry_jumppad:
0x0: {  	(pc) =	sbr.rel $0x88, $3  }
0x1: {  	(tag) =	ssettag $0x0;
	lr =	simm.s32 $0x1  }
0x2: {  	[smem:$0x3F9F] =	sst lr;
	_ =	strace $0xD0000000  }
0x3: {  	_ = 	snop  }
0x4: {  	_ = 	snop  }
0x5: {  	_ = 	snop  }
0x6: {  	_ = 	snop  }
0x7: {  	_ = 	snop  }
__scs_overlays_trampoline_lowered:
0x8: {  	[smem:$0x3FAE] =	sst s0  }
0x9: {  	[smem:$0x3FAF] =	sst s1  }
0xa: {  	[smem:$0x3FB0] =	sst s2  }
0xb: {  	[smem:$0x3FB1] =	sst s3  }
0xc: {  	[smem:$0x3FB2] =	sst s4  }
0xd: {  	[smem:$0x3FB3] =	sst s5  }
0xe: {  	[smem:$0x3FB4] =	sst s6  }
0xf: {  	[smem:$0x3FB5] =	sst s7  }
0x10: {  	[smem:$0x3FB6] =	sst s8  }
0x11: {  	[smem:$0x3FB7] =	sst s9;
	s0 =	simm.s32 @!p0 $0x0  }
0x12: {  	s1 =	sld [smem:$0x3F9D];
	s0 =	simm.s32 @p0 $0x1  }
0x13: {  	[smem:$0x3FB8] =	sst s0;
	s0 =	simm.s32 @!p1 $0x0  }
0x14: {  	s2 =	sld [smem:$0x3F9C];
	s0 =	simm.s32 @p1 $0x1  }
0x15: {  	[smem:$0x3FB9] =	sst s0;
	s0 =	simm.s32 @!p2 $0x0  }
0x16: {  	s3 =	sld [smem:$0x3FDB];
	s0 =	simm.s32 @p2 $0x1  }
0x17: {  	s4 =	simm.s32 $0x1BF5;
	[smem:$0x3FBB] =	sst s0  }
0x18: {  	s0 =	sld [smem:$0x3F9E];
	_ =	swait.ge [sflag:s4], $0x0  }
0x19: {  	s7 =	sld [smem:$0x3F9F]  }
0x1a: {  	s8 =	sadd.s32 $0xFFFFE003, lr  }
0x1b: {  	s9 =	sadd.s32 $0xFFFFFEF7, lr;
	s5 =	simm.s32 $0xFFFFFFFF;
	p2 =	slt.u32 s8, $0xFFFFF086  }
0x1c: {  	p1 =	slt.u32 s9, $0xF7A;
	s5 =	simm.s32 @!p2 $0x0  }
0x1d: {  	s5 =	simm.s32 @p1 $0x1;
	p0 =	seq.s32 s7, s2  }
0x1e: {  	s7 =	smul.u32 @!p0 $0xF7A, s2;
	p2 =	seq.s32 @!p0 s5, $0x0  }
0x1f: {  	s9 =	smul.u32 $0xF7A, s1;
	s8 =	simm.s32 @!p0 $0x1BF5;
	p2 =	por !p2, p0  }
0x20: {  	[sflag:s8] =	ssyncset.s32 @!p0 $0xFFFFF086;
	s6 =	sadd.s32 @!p0 s3, s7;
	s7 =	simm.s32 @!p0 $0x108  }
0x21: {  	s3 =	sadd.s32 s3, s9;
	s6 =	sadd.s32 @!p0 $0x88, s6;
	s7 =	simm.s32 @p2 $0x1082  }
0x22: {  	[simem:s7], [sflag:s8] =	dma.local @!p0 [hbm:s6], $0xF7A  }
0x23: {  	s9 =	sor.u32 $0xD0000000, s2;
	s6 =	simm.s32 $0x108;
	_ =	swait.ge @!p0 [sflag:s8], $0x0  }
0x24: {  	s3 =	sadd.s32 $0x88, s3;
	s6 =	simm.s32 @!p1 $0x1082;
	[sflag:s4] =	ssyncset.s32 $0xFFFFF086  }
0x25: {  	[simem:s6], [sflag:s4] =	dma.local [hbm:s3], $0xF7A  }
0x26: {  	[smem:$0x3F9F] =	sst s1;
	(tag) =	ssettag s2;
	_ =	strace s9  }
0x27: {  	s1 =	sld [smem:$0x3FAF]  }
0x28: {  	s2 =	sld [smem:$0x3FB0]  }
0x29: {  	s4 =	sld [smem:$0x3FB2]  }
0x2a: {  	p0 =	seq.s32 s5, $0x0;
	s5 =	sld [smem:$0x3FB3]  }
0x2b: {  	s6 =	sld [smem:$0x3FB4]  }
0x2c: {  	s7 =	sld [smem:$0x3FB5]  }
0x2d: {  	s3 =	simm.s32 $0x108;
	s8 =	sld [smem:$0x3FB6]  }
0x2e: {  	s3 =	simm.s32 @!p0 $0x1082;
	s9 =	sld [smem:$0x3FB7]  }
0x2f: {  	lr =	sadd.s32 s0, s3;
	s0 =	sld [smem:$0x3FAE]  }
0x30: {  	s3 =	sld [smem:$0x3FB1]  }
0x31: {  	[smem:$0x3FBA] =	sst s10  }
0x32: {  	s10 =	sld [smem:$0x3FB8];
	_ =	sdelay $0x3  }
0x33: {  	p0 =	seq.s32 s10, $0x1;
	s10 =	sld [smem:$0x3FBA];
	_ =	sdelay $0x3  }
0x34: {  	[smem:$0x3FBA] =	sst s10  }
0x35: {  	s10 =	sld [smem:$0x3FB9];
	_ =	sdelay $0x3  }
0x36: {  	p1 =	seq.s32 s10, $0x1;
	s10 =	sld [smem:$0x3FBA];
	_ =	sdelay $0x3  }
0x37: {  	[smem:$0x3FBA] =	sst s10  }
0x38: {  	s10 =	sld [smem:$0x3FBB]  }
0x39: {  	_ = 	snop;
	(pc) =	sbr.ind lr, $3  }
0x3a: {  	_ = 	snop  }
0x3b: {  	_ = 	snop  }
0x3c: {  	p2 =	seq.s32 s10, $0x1;
	s10 =	sld [smem:$0x3FBA]  }
0x3d: {  	_ =	shalt  }
0x3e: {  	_ =	shalt  }
0x3f: {  	_ =	shalt  }
0x40: {  	_ =	shalt  }
0x41: {  	_ =	shalt  }
0x42: {  	_ =	shalt  }
0x43: {  	_ =	shalt  }
0x44: {  	_ =	shalt  }
0x45: {  	_ =	shalt  }
0x46: {  	_ =	shalt  }
0x47: {  	_ =	shalt  }
0x48: {  	_ =	shalt  }
0x49: {  	_ =	shalt  }
0x4a: {  	_ =	shalt  }
0x4b: {  	_ =	shalt  }
0x4c: {  	_ =	shalt  }
0x4d: {  	_ =	shalt  }
0x4e: {  	_ =	shalt  }
0x4f: {  	_ =	shalt  }
0x50: {  	_ =	shalt  }
0x51: {  	_ =	shalt  }
0x52: {  	_ =	shalt  }
0x53: {  	_ =	shalt  }
0x54: {  	_ =	shalt  }
0x55: {  	_ =	shalt  }
0x56: {  	_ =	shalt  }
0x57: {  	_ =	shalt  }
0x58: {  	_ =	shalt  }
0x59: {  	_ =	shalt  }
0x5a: {  	_ =	shalt  }
0x5b: {  	_ =	shalt  }
0x5c: {  	_ =	shalt  }
0x5d: {  	_ =	shalt  }
0x5e: {  	_ =	shalt  }
0x5f: {  	_ =	shalt  }
0x60: {  	_ =	shalt  }
0x61: {  	_ =	shalt  }
0x62: {  	_ =	shalt  }
0x63: {  	_ =	shalt  }
0x64: {  	_ =	shalt  }
0x65: {  	_ =	shalt  }
0x66: {  	_ =	shalt  }
0x67: {  	_ =	shalt  }
0x68: {  	_ =	shalt  }
0x69: {  	_ =	shalt  }
0x6a: {  	_ =	shalt  }
0x6b: {  	_ =	shalt  }
0x6c: {  	_ =	shalt  }
0x6d: {  	_ =	shalt  }
0x6e: {  	_ =	shalt  }
0x6f: {  	_ =	shalt  }
0x70: {  	_ =	shalt  }
0x71: {  	_ =	shalt  }
0x72: {  	_ =	shalt  }
0x73: {  	_ =	shalt  }
0x74: {  	_ =	shalt  }
0x75: {  	_ =	shalt  }
0x76: {  	_ =	shalt  }
0x77: {  	_ =	shalt  }
0x78: {  	_ =	shalt  }
0x79: {  	_ =	shalt  }
0x7a: {  	_ =	shalt  }
0x7b: {  	_ =	shalt  }
0x7c: {  	_ =	shalt  }
0x7d: {  	_ =	shalt  }
0x7e: {  	_ =	shalt  }
0x7f: {  	_ =	shalt  }
0x80: {  	_ =	shalt  }
0x81: {  	_ =	shalt  }
0x82: {  	_ =	shalt  }
0x83: {  	_ =	shalt  }
0x84: {  	_ =	shalt  }
0x85: {  	_ =	shalt  }
0x86: {  	_ =	shalt  }
0x87: {  	_ =	shalt  }
.Lfunc_end0:
.L_simem_size_0:
called_computation_lowered:
.L_overlay_start_0:
0x88: {  	s2 =	sld [smem:$0x3FD9]  }
0x89: {  	s3 =	sld [smem:$0x3FFE];
	_ =	sdelay $0x1  }
0x8a: {  	s1 =	srdreg.scid  }
0x8b: {  	s0 =	sand.u32 $0x1, s1  }
0x8c: {  	s18 =	sshll.u32 s0, $0xA;
	s2 =	sadd.s32 s3, s2  }
0x8d: {  	s2 =	sadd.s32 s2, s18  }
0x8e: {  	[smem:$0x3FC6] =	sst s2  }
0x8f: {  	_ = 	snop  }
0x90: {  	s2 =	sld [smem:$0x3FC9]  }
0x91: {  	s19 =	sld [smem:$0x3FC8]  }
0x92: {  	s4 =	sld [smem:$0x3FD0];
	(tm) =	ssettm $0x1  }
0x93: {  	s5 =	sld [smem:$0x3FFB];
	_ =	sdelay $0x3  }
0x94: {  	_ =	strace s5  }
0x95: {  	s5 =	sld [smem:$0x3FFC];
	_ =	sdelay $0x3  }
0x96: {  	_ =	strace s5  }
0x97: {  	s5 =	sld [smem:$0x3FFD];
	_ =	sdelay $0x3  }
0x98: {  	_ =	strace s5  }
0x99: {  	_ =	strace $0x8FFFFFFF  }
0x9a: {  	s20 =	sld [smem:$0x3FDB];
	_ =	sdelay $0x1  }
0x9b: {  	s6 =	simm.s32 $_scs_section_size  }
0x9c: {  	s7 =	simm.s32 $_size__tile_overlayer_lowered;
	s8 =	simm.s32 $_tile_overlayer_lowered  }
0x9d: {  	s23 =	simm.s32 $0x1BFF;
	s22 =	sshll.u32 s8, $0x1;
	s5 =	sadd.s32 s6, s20  }
0x9e: {  	s9 =	simm.s32 $0x0;
	s21 =	sshll.u32 s7, $0x1;
	s7 =	sadd.s32 s22, s5  }
0x9f: {  	[timem:s9], [sflag:s23] =	dma.local [hbm:s7], s21  }
0xa0: {  	_ =	swait.ge [sflag:s23], s21  }
0xa1: {  	s6 =	ssub.s32 $0x0, s21;
	[sflag:s23] =	ssyncset.done $0x0  }
0xa2: {  	[sflag:s23] =	ssyncadd.s32 s6;
	_ =	sdelay $0x1  }
0xa3: {  	s24 =	simm.s32 $0x1B8B  }
0xa4: {  	_ =	swait.ge [sflag:s24], $0x1  }
0xa5: {  	[sflag:s24] =	ssyncset.done $0x0  }
0xa6: {  	s25 =	simm.s32 $0x1B8E;
	[sflag:s24] =	ssyncadd.s32 $0xFFFFFFFF  }
0xa7: {  	s26 =	simm.s32 $execute0_lowered;
	[smem:$0x3FD2] =	sst s25  }
0xa8: {  	s6 =	sshll.u32 s26, $0x1;
	_ =	strace $0x80000046;
	[dreg:$0x1] =	wrdreg $0xFFFFFFFF  }
0xa9: {  	s28 =	simm.s32 $_size_execute0_lowered;
	s5 =	sadd.s32 s5, s6;
	[dreg:$0x0] =	wrdreg $0x0  }
0xaa: {  	s6 =	sshll.u32 s28, $0x1;
	[dreg:$0x2] =	wrdreg s5  }
0xab: {  	[dreg:$0x3] =	wrdreg s6  }
0xac: {  	[dreg:$0x4] =	wrdreg $0xC0  }
0xad: {  	_ =	task [dreg:s9], $0x5FFFF  }
0xae: {  	[dreg:$0x1] =	wrdreg $0xFFFFFFFF  }
0xaf: {  	[dreg:$0x0] =	wrdreg $0x60  }
0xb0: {  	[dreg:$0x2] =	wrdreg s2  }
0xb1: {  	[dreg:$0x3] =	wrdreg s19  }
0xb2: {  	[dreg:$0x4] =	wrdreg s4  }
0xb3: {  	[dreg:$0x5] =	wrdreg $0x9  }
0xb4: {  	_ =	task.clear_ibuf [dreg:s9], $0x6FFFF;
	_ =	strace $0x90000046  }
0xb5: {  	s29 =	simm.s32 $0x9;
	_ =	strace $0x80000048  }
0xb6: {  	_ =	swait.ge [sflag:s29], $0x1  }
0xb7: {  	[sflag:s29] =	ssyncadd.s32 $0xFFFFFFFF  }
0xb8: {  	_ =	strace $0x90000048  }
0xb9: {  	_ =	sfence  }
0xba: {  	s30 =	sld [smem:$0x0];
	_ =	sdelay $0x2  }
0xbb: {  	s31 =	sshll.u32 s1, $0xD;
	s1 =	sshrl.u32 s1, $0x2  }
0xbc: {  	s3 =	sand.u32 $0x4000, s31;
	s1 =	sadd.s32 s1, s30  }
0xbd: {  	s0 =	sor.u32 s3, s0;
	s1 =	sshll.u32 s1, $0x11  }
0xbe: {  	s0 =	sor.u32 s1, s0  }
0xbf: {  	s0 =	sadd.s32 $0x8F2B, s0  }
0xc0: {  	[sflag:s0] =	ssyncadd.remote.s32 $0x1  }
0xc1: {  	_ =	sfence.sel $0xFFFF  }
0xc2: {  	[dreg:$0x0] =	wrdreg $0xFFFFFFFF;
	(pc) =	sbr.abs _section_cstart, $3  }
0xc3: {  	[dreg:$0x1] =	wrdreg $0xFFFFFFFF  }
0xc4: {  	_ =	task.clear_ibuf [dreg:s9], $0x2FFFF;
	_ =	strace $0x9FFFFFFF  }
0xc5: {  	(tm) =	ssettm $0x7FFFFFFF  }
tec
execute0_lowered:
.L_overlay_start_1:
0x0: {  	(tag) =	ssettag $0x1  }
0x1: {  	s0 =	rddreg [dreg:$0x0]  }
0x2: {  	s23 =	rddreg [dreg:$0x1]  }
0x3: {  	s2 =	rddreg [dreg:$0x2];
	s3 =	simm.s32 $0x0;
	s4 =	srdreg.scid  }
0x4: {  	s6 =	stileid.u32;
	s12 =	simm.s32 $0x1400;
	s9 =	simm.s32 $0x1C00  }
0x5: {  	s11 =	simm.s32 $0x2400;
	s13 =	simm.s32 $0x2C00;
	s14 =	simm.s32 $0x3400  }
0x6: {  	s15 =	simm.s32 $0x3C00;
	s16 =	simm.s32 $0x4400;
	s17 =	simm.s32 $0x4C00  }
0x7: {  	s18 =	simm.s32 $0x5400;
	s19 =	simm.s32 $0x5C00;
	s20 =	simm.s32 $0x6400  }
0x8: {  	s21 =	simm.s32 $0x6C00;
	s22 =	simm.s32 $0x7400;
	s24 =	simm.s32 $0x8400  }
0x9: {  	s25 =	simm.s32 $0x8C00;
	s26 =	simm.s32 $0x9400;
	s28 =	simm.s32 $0x9C00  }
0xa: {  	s29 =	simm.s32 $0xB400;
	s30 =	simm.s32 $0xBC00;
	s31 =	simm.s32 $0xC400  }
0xb: {  	s4 =	sand.u32 $0x1, s4;
	s5 =	sshll.u32 s6, $0x1;
	s6 =	smul.u32 $0x3C0000, s6  }
0xc: {  	s7 =	ssub.s32 $0x2, s4;
	s5 =	sor.u32 s4, s5;
	s4 =	smul.u32 $0x1E0000, s4  }
0xd: {  	[smem:$0x7FF] =	sst s3;
	s8 =	sshrl.u32 s7, $0x1;
	s5 =	smul.u32 $0x280, s5  }
0xe: {  	s10 =	simm.s32 $0x1;
	_ =	strace $0x80000047;
	s7 =	ssub.s32 s7, s8  }
0xf: {  	s4 =	sadd.s32 s4, s6;
	s6 =	sadd.s32 $0x200, s23;
	s0 =	sadd.s32 s0, s5  }
0x10: {  	s5 =	sadd.s32 $0x100, s23;
	s1 =	sor.u32 $0xC000, s4;
	s4 =	sshrl.u32 s4, $0x3  }
.Ltmp0:
0x11: {  	s7 =	smax.u32 s7, $0x1;
	[dreg:$0x4] =	wrdreg s0;
	(pc) =	sbr.rel .LBB2_1-.Ltmp0, $4  }
0x12: {  	s0 =	sshrl.u32 s1, $0x3;
	[dreg:$0x5] =	wrdreg s7;
	s4 =	sadd.s32 s4, s2  }
0x13: {  	v0 =	vlaneseq.u32;
	s1 =	simm.s32 $0x7C00;
	s7 =	simm.s32 $0x0;
	[dreg:$0x7] =	wrdreg s4  }
0x14: {  	v1 =	vshrl.u32 v0, $0x3;
	s0 =	sadd.s32 s0, s2;
	s2 =	simm.s32 $0xAC00;
	[dreg:$0x8] =	wrdreg s7  }
0x15: {  	vm0 =	vmmov $0xffff;
	v0 =	vand.u32 $0x7, v0;
	v1 =	vmul.u32 $0x8, v1;
	s4 =	simm.s32 $0x2;
	[dreg:$0x6] =	wrdreg s0;
	s0 =	simm.s32 $0xA400  }
.LBB2_4:
0x16: {  	s0 =	simm.s32 $0x4  }
0x17: {  	_ =	swait.ge [sflag:s0], $0x2000  }
0x18: {  	[sflag:s0] =	ssyncset.done $0x0  }
0x19: {  	[sflag:s0] =	ssyncadd.s32 $0xFFFFE000  }
0x1a: {  	_ =	swait.ge [sflag:s0], $0x2000  }
0x1b: {  	[sflag:s0] =	ssyncset.done $0x0  }
0x1c: {  	[sflag:s0] =	ssyncadd.s32 $0xFFFFE000  }
0x1d: {  	_ =	swait.ge [sflag:s0], $0x2000  }
0x1e: {  	[sflag:s0] =	ssyncset.done $0x0  }
0x1f: {  	[sflag:s0] =	ssyncadd.s32 $0xFFFFE000  }
0x20: {  	_ =	swait.ge [sflag:s0], $0x2000  }
0x21: {  	[sflag:s0] =	ssyncset.done $0x0  }
0x22: {  	[sflag:s0] =	ssyncadd.s32 $0xFFFFE000  }
0x23: {  	s12 =	simm.s32 $0x1400;
	_ =	swait.ge [sflag:s0], $0x2000  }
0x24: {  	s9 =	simm.s32 $0x1C00;
	s11 =	simm.s32 $0x2400;
	[sflag:s0] =	ssyncset.done $0x0  }
0x25: {  	s13 =	simm.s32 $0x2C00;
	s14 =	simm.s32 $0x3400;
	[sflag:s0] =	ssyncadd.s32 $0xFFFFE000  }
0x26: {  	s15 =	simm.s32 $0x3C00;
	s16 =	simm.s32 $0x4400;
	_ =	swait.ge [sflag:s0], $0x2000  }
0x27: {  	s17 =	simm.s32 $0x4C00;
	s18 =	simm.s32 $0x5400;
	s1 =	rddreg [dreg:$0x8]  }
0x28: {  	s19 =	simm.s32 $0x5C00;
	s8 =	rddreg [dreg:$0x5];
	s1 =	sadd.s32 $0x1, s1  }
0x29: {  	s20 =	simm.s32 $0x6400;
	s21 =	simm.s32 $0x6C00;
	p0 =	sne.s32 s1, s8  }
.Ltmp1:
0x2a: {  	s22 =	simm.s32 $0x7400;
	s24 =	simm.s32 $0x8400;
	(pc) =	sbr.rel @!p0 .LBB2_5-.Ltmp1, $4  }
0x2b: {  	s25 =	simm.s32 $0x8C00;
	s26 =	simm.s32 $0x9400;
	s28 =	simm.s32 $0x9C00  }
0x2c: {  	s2 =	simm.s32 $0xAC00;
	s29 =	simm.s32 $0xB400;
	[sflag:s0] =	ssyncset.done $0x0  }
0x2d: {  	s30 =	simm.s32 $0xBC00;
	s31 =	simm.s32 $0xC400;
	[sflag:s0] =	ssyncadd.s32 $0xFFFFE000  }
0x2e: {  	s0 =	simm.s32 $0xA400;
	[dreg:$0x8] =	wrdreg s1;
	s1 =	simm.s32 $0x7C00  }
.LBB2_1:
0x2f: {  	s8 =	rddreg [dreg:$0x4];
	s7 =	simm.s32 $0x5  }
0x30: {  	[tilespmem:s3], [sflag:$0x5] =	stream.linear.gather [hbm4b:s8+s3], $0x1400, $0x38;
	[tilespmem:$0x19400] =	vst v63  }
0x31: {  	_ =	swait.ge [sflag:s7], $0x1400  }
0x32: {  	[sflag:s7] =	ssyncset.done $0x0  }
0x33: {  	[sflag:s7] =	ssyncadd.s32 $0xFFFFEC00  }
0x34: {  	v2 =	vld.msk [tilespmem:$0x0], $0xff;
	_ =	sdelay $0x4  }
0x35: {  	v3 =	vshrl.u32 v2, $0x3  }
0x36: {  	v3 =	vmul.u32 $0x30, v3  }
0x37: {  	v2 =	vand.u32 $0x7, v2  }
0x38: {  	v2 =	vor.u32 v2, v3  }
0x39: {  	v2 =	vperm.xlane v2, v0;
	_ =	sdelay $0x1  }
0x3a: {  	v2 =	vadd.s32 v1, v2;
	_ =	sdelay $0x4  }
0x3b: {  	[tilespmem:s12], [sflag:$0x1] =	stream.indirect_vreg.gather [hbm4b:s23+s3], $0x80, v2, vm0, $0xb8;
	[tilespmem:$0x19400] =	vst v63  }
0x3c: {  	_ = 	snop  }
0x3d: {  	[tilespmem:s9], [sflag:$0x1] =	stream.indirect_vreg.gather [hbm4b:s5+s3], $0x80, v2, vm0, $0xb8;
	[tilespmem:$0x19400] =	vst v63  }
0x3e: {  	_ = 	snop  }
0x3f: {  	[tilespmem:s11], [sflag:$0x1] =	stream.indirect_vreg.gather [hbm4b:s6+s3], $0x80, v2, vm0, $0xb8;
	[tilespmem:$0x19400] =	vst v63  }
0x40: {  	v2 =	vld.msk [tilespmem:$0x8], $0xff;
	_ =	sdelay $0x4  }
0x41: {  	v3 =	vshrl.u32 v2, $0x3  }
0x42: {  	v3 =	vmul.u32 $0x30, v3  }
0x43: {  	v2 =	vand.u32 $0x7, v2  }
0x44: {  	v2 =	vor.u32 v2, v3  }
0x45: {  	v2 =	vperm.xlane v2, v0;
	_ =	sdelay $0x1  }
0x46: {  	v2 =	vadd.s32 v1, v2;
	_ =	sdelay $0x4  }
0x47: {  	[tilespmem:s13], [sflag:$0x1] =	stream.indirect_vreg.gather [hbm4b:s23+s3], $0x80, v2, vm0, $0xb8;
	[tilespmem:$0x19400] =	vst v63  }
0x48: {  	_ = 	snop  }
0x49: {  	[tilespmem:s14], [sflag:$0x1] =	stream.indirect_vreg.gather [hbm4b:s5+s3], $0x80, v2, vm0, $0xb8;
	[tilespmem:$0x19400] =	vst v63  }
0x4a: {  	_ = 	snop  }
0x4b: {  	[tilespmem:s15], [sflag:$0x1] =	stream.indirect_vreg.gather [hbm4b:s6+s3], $0x80, v2, vm0, $0xb8;
	[tilespmem:$0x19400] =	vst v63  }
0x4c: {  	v2 =	vld.msk [tilespmem:$0x10], $0xff;
	_ =	sdelay $0x4  }
0x4d: {  	v3 =	vshrl.u32 v2, $0x3  }
0x4e: {  	v3 =	vmul.u32 $0x30, v3  }
0x4f: {  	v2 =	vand.u32 $0x7, v2  }
0x50: {  	v2 =	vor.u32 v2, v3  }
0x51: {  	v2 =	vperm.xlane v2, v0;
	_ =	sdelay $0x1  }
0x52: {  	v2 =	vadd.s32 v1, v2;
	_ =	sdelay $0x4  }
0x53: {  	[tilespmem:s16], [sflag:$0x1] =	stream.indirect_vreg.gather [hbm4b:s23+s3], $0x80, v2, vm0, $0xb8;
	[tilespmem:$0x19400] =	vst v63  }
0x54: {  	_ = 	snop  }
0x55: {  	[tilespmem:s17], [sflag:$0x1] =	stream.indirect_vreg.gather [hbm4b:s5+s3], $0x80, v2, vm0, $0xb8;
	[tilespmem:$0x19400] =	vst v63  }
0x56: {  	_ = 	snop  }
0x57: {  	[tilespmem:s18], [sflag:$0x1] =	stream.indirect_vreg.gather [hbm4b:s6+s3], $0x80, v2, vm0, $0xb8;
	[tilespmem:$0x19400] =	vst v63  }
0x58: {  	v2 =	vld.msk [tilespmem:$0x18], $0xff;
	_ =	sdelay $0x4  }
0x59: {  	v3 =	vshrl.u32 v2, $0x3  }
0x5a: {  	v3 =	vmul.u32 $0x30, v3  }
0x5b: {  	v2 =	vand.u32 $0x7, v2  }
0x5c: {  	v2 =	vor.u32 v2, v3  }
0x5d: {  	v2 =	vperm.xlane v2, v0;
	_ =	sdelay $0x1  }
0x5e: {  	v2 =	vadd.s32 v1, v2;
	_ =	sdelay $0x4  }
0x5f: {  	[tilespmem:s19], [sflag:$0x1] =	stream.indirect_vreg.gather [hbm4b:s23+s3], $0x80, v2, vm0, $0xb8;
	[tilespmem:$0x19400] =	vst v63  }
0x60: {  	_ = 	snop  }
0x61: {  	[tilespmem:s20], [sflag:$0x1] =	stream.indirect_vreg.gather [hbm4b:s5+s3], $0x80, v2, vm0, $0xb8;
	[tilespmem:$0x19400] =	vst v63  }
0x62: {  	_ = 	snop  }
0x63: {  	[tilespmem:s21], [sflag:$0x1] =	stream.indirect_vreg.gather [hbm4b:s6+s3], $0x80, v2, vm0, $0xb8;
	[tilespmem:$0x19400] =	vst v63  }
0x64: {  	v2 =	vld.msk [tilespmem:$0x20], $0xff;
	_ =	sdelay $0x4  }
0x65: {  	v3 =	vshrl.u32 v2, $0x3  }
0x66: {  	v3 =	vmul.u32 $0x30, v3  }
0x67: {  	v2 =	vand.u32 $0x7, v2  }
0x68: {  	v2 =	vor.u32 v2, v3  }
0x69: {  	v2 =	vperm.xlane v2, v0;
	_ =	sdelay $0x1  }
0x6a: {  	v2 =	vadd.s32 v1, v2;
	_ =	sdelay $0x4  }
0x6b: {  	[tilespmem:s22], [sflag:$0x1] =	stream.indirect_vreg.gather [hbm4b:s23+s3], $0x80, v2, vm0, $0xb8;
	[tilespmem:$0x19400] =	vst v63  }
0x6c: {  	_ = 	snop  }
0x6d: {  	[tilespmem:s1], [sflag:$0x1] =	stream.indirect_vreg.gather [hbm4b:s5+s3], $0x80, v2, vm0, $0xb8;
	[tilespmem:$0x19400] =	vst v63  }
0x6e: {  	_ = 	snop  }
0x6f: {  	[tilespmem:s24], [sflag:$0x1] =	stream.indirect_vreg.gather [hbm4b:s6+s3], $0x80, v2, vm0, $0xb8;
	[tilespmem:$0x19400] =	vst v63  }
0x70: {  	v2 =	vld.msk [tilespmem:$0x28], $0xff;
	_ =	sdelay $0x4  }
0x71: {  	v3 =	vshrl.u32 v2, $0x3  }
0x72: {  	v3 =	vmul.u32 $0x30, v3  }
0x73: {  	v2 =	vand.u32 $0x7, v2  }
0x74: {  	v2 =	vor.u32 v2, v3  }
0x75: {  	v2 =	vperm.xlane v2, v0;
	_ =	sdelay $0x1  }
0x76: {  	v2 =	vadd.s32 v1, v2;
	_ =	sdelay $0x4  }
0x77: {  	[tilespmem:s25], [sflag:$0x1] =	stream.indirect_vreg.gather [hbm4b:s23+s3], $0x80, v2, vm0, $0xb8;
	[tilespmem:$0x19400] =	vst v63  }
0x78: {  	_ = 	snop  }
0x79: {  	[tilespmem:s26], [sflag:$0x1] =	stream.indirect_vreg.gather [hbm4b:s5+s3], $0x80, v2, vm0, $0xb8;
	[tilespmem:$0x19400] =	vst v63  }
0x7a: {  	_ = 	snop  }
0x7b: {  	[tilespmem:s28], [sflag:$0x1] =	stream.indirect_vreg.gather [hbm4b:s6+s3], $0x80, v2, vm0, $0xb8;
	[tilespmem:$0x19400] =	vst v63  }
0x7c: {  	v2 =	vld.msk [tilespmem:$0x30], $0xff;
	_ =	sdelay $0x4  }
0x7d: {  	v3 =	vshrl.u32 v2, $0x3  }
0x7e: {  	v3 =	vmul.u32 $0x30, v3  }
0x7f: {  	v2 =	vand.u32 $0x7, v2  }
0x80: {  	v2 =	vor.u32 v2, v3  }
0x81: {  	v2 =	vperm.xlane v2, v0;
	_ =	sdelay $0x1  }
0x82: {  	v2 =	vadd.s32 v1, v2;
	_ =	sdelay $0x4  }
0x83: {  	[tilespmem:s0], [sflag:$0x1] =	stream.indirect_vreg.gather [hbm4b:s23+s3], $0x80, v2, vm0, $0xb8;
	[tilespmem:$0x19400] =	vst v63  }
0x84: {  	_ = 	snop  }
0x85: {  	[tilespmem:s2], [sflag:$0x1] =	stream.indirect_vreg.gather [hbm4b:s5+s3], $0x80, v2, vm0, $0xb8;
	[tilespmem:$0x19400] =	vst v63  }
0x86: {  	_ = 	snop  }
0x87: {  	[tilespmem:s29], [sflag:$0x1] =	stream.indirect_vreg.gather [hbm4b:s6+s3], $0x80, v2, vm0, $0xb8;
	[tilespmem:$0x19400] =	vst v63  }
0x88: {  	v2 =	vld.msk [tilespmem:$0x38], $0xff;
	_ =	sdelay $0x4  }
0x89: {  	v3 =	vshrl.u32 v2, $0x3  }
0x8a: {  	v3 =	vmul.u32 $0x30, v3  }
0x8b: {  	v2 =	vand.u32 $0x7, v2  }
0x8c: {  	v2 =	vor.u32 v2, v3  }
0x8d: {  	v2 =	vperm.xlane v2, v0  }
0x8e: {  	s8 =	simm.s32 $0xA0;
	s9 =	smov.u32 s23;
	s13 =	simm.s32 $0x7C00  }
0x8f: {  	s14 =	simm.s32 $0x3400;
	s15 =	simm.s32 $0x6400;
	s16 =	simm.s32 $0x4C00;
	v2 =	vadd.s32 v1, v2  }
0x90: {  	s17 =	simm.s32 $0x1C00;
	s18 =	simm.s32 $0xC400;
	s19 =	simm.s32 $0x9C00  }
0x91: {  	s20 =	simm.s32 $0xA400;
	s21 =	simm.s32 $0x8400;
	s22 =	simm.s32 $0x6C00  }
0x92: {  	s1 =	simm.s32 $0xBC00;
	s24 =	simm.s32 $0x5400;
	s26 =	simm.s32 $0x0  }
0x93: {  	s25 =	simm.s32 $0x3C00;
	[dreg:$0x9] =	wrdreg s26;
	s26 =	simm.s32 $0x2400  }
0x94: {  	[tilespmem:s30], [sflag:$0x1] =	stream.indirect_vreg.gather [hbm4b:s23+s3], $0x80, v2, vm0, $0xb8;
	[tilespmem:$0x19400] =	vst v63  }
0x95: {  	s28 =	simm.s32 $0xAC00;
	s0 =	simm.s32 $0xCC00;
	s2 =	simm.s32 $0x9400  }
0x96: {  	[tilespmem:s31], [sflag:$0x1] =	stream.indirect_vreg.gather [hbm4b:s5+s3], $0x80, v2, vm0, $0xb8;
	[tilespmem:$0x19400] =	vst v63  }
0x97: {  	s29 =	simm.s32 $0xB400;
	s30 =	simm.s32 $0x8C00;
	s31 =	simm.s32 $0x7400  }
0x98: {  	[tilespmem:s0], [sflag:$0x1] =	stream.indirect_vreg.gather [hbm4b:s6+s3], $0x80, v2, vm0, $0xb8;
	[tilespmem:$0x19400] =	vst v63  }
.LBB2_2:
0x99: {  	_ =	swait.ge [sflag:s10], $0x1800  }
0x9a: {  	[sflag:s10] =	ssyncset.done $0x0  }
0x9b: {  	[sflag:s10] =	ssyncadd.s32 $0xFFFFE800  }
0x9c: {  	_ =	swait.ge [sflag:s10], $0x1800  }
0x9d: {  	[sflag:s10] =	ssyncset.done $0x0  }
0x9e: {  	[sflag:s10] =	ssyncadd.s32 $0xFFFFE800  }
0x9f: {  	_ =	swait.ge [sflag:s10], $0x1800  }
0xa0: {  	[sflag:s10] =	ssyncset.done $0x0  }
0xa1: {  	[sflag:s10] =	ssyncadd.s32 $0xFFFFE800  }
0xa2: {  	_ =	swait.ge [sflag:s10], $0x1800  }
0xa3: {  	[sflag:s10] =	ssyncset.done $0x0  }
0xa4: {  	[sflag:s10] =	ssyncadd.s32 $0xFFFFE800  }
0xa5: {  	_ =	swait.ge [sflag:s10], $0x1800  }
0xa6: {  	[sflag:s10] =	ssyncset.done $0x0  }
0xa7: {  	[sflag:s10] =	ssyncadd.s32 $0xFFFFE800  }
0xa8: {  	_ =	swait.ge [sflag:s10], $0x1800  }
0xa9: {  	[sflag:s10] =	ssyncset.done $0x0  }
0xaa: {  	[sflag:s10] =	ssyncadd.s32 $0xFFFFE800  }
0xab: {  	_ =	swait.ge [sflag:s10], $0x1800  }
0xac: {  	[sflag:s10] =	ssyncset.done $0x0  }
0xad: {  	[sflag:s10] =	ssyncadd.s32 $0xFFFFE800  }
0xae: {  	_ =	swait.ge [sflag:s10], $0x1800  }
0xaf: {  	s11 =	rddreg [dreg:$0x7]  }
0xb0: {  	[sflag:s10] =	ssyncset.done $0x0;
	s7 =	rddreg [dreg:$0x9]  }
0xb1: {  	[sflag:s10] =	ssyncadd.s32 $0xFFFFE800;
	s11 =	sadd.s32 s7, s11  }
0xb2: {  	[hbm4b:s11+s3] =	stream.linear.scatter [tilespmem:s12], [sflag:$0x3], $0x400, $0x38;
	[tilespmem:$0x19400] =	vst v63  }
0xb3: {  	s23 =	simm.s32 $0x2C00;
	s12 =	sadd.s32 $0x300, s11  }
0xb4: {  	[hbm4b:s12+s3] =	stream.linear.scatter [tilespmem:s23], [sflag:$0x3], $0x400, $0x38;
	[tilespmem:$0x19400] =	vst v63  }
0xb5: {  	s12 =	sadd.s32 $0x600, s11;
	s23 =	simm.s32 $0x4400  }
0xb6: {  	[hbm4b:s12+s3] =	stream.linear.scatter [tilespmem:s23], [sflag:$0x3], $0x400, $0x38;
	[tilespmem:$0x19400] =	vst v63  }
0xb7: {  	s12 =	sadd.s32 $0x900, s11;
	s23 =	simm.s32 $0x5C00  }
0xb8: {  	[hbm4b:s12+s3] =	stream.linear.scatter [tilespmem:s23], [sflag:$0x3], $0x400, $0x38;
	[tilespmem:$0x19400] =	vst v63  }
0xb9: {  	s23 =	sadd.s32 $0xC00, s11  }
0xba: {  	[hbm4b:s23+s3] =	stream.linear.scatter [tilespmem:s31], [sflag:$0x3], $0x400, $0x38;
	[tilespmem:$0x19400] =	vst v63  }
0xbb: {  	s23 =	sadd.s32 $0xF00, s11  }
0xbc: {  	[hbm4b:s23+s3] =	stream.linear.scatter [tilespmem:s30], [sflag:$0x3], $0x400, $0x38;
	[tilespmem:$0x19400] =	vst v63  }
0xbd: {  	s31 =	sadd.s32 $0x1200, s11  }
0xbe: {  	[hbm4b:s31+s3] =	stream.linear.scatter [tilespmem:s20], [sflag:$0x3], $0x400, $0x38;
	[tilespmem:$0x19400] =	vst v63  }
0xbf: {  	s20 =	sadd.s32 $0x1500, s11  }
0xc0: {  	[hbm4b:s20+s3] =	stream.linear.scatter [tilespmem:s1], [sflag:$0x3], $0x400, $0x38;
	[tilespmem:$0x19400] =	vst v63  }
0xc1: {  	s23 =	sadd.s32 $0x80, s11;
	s30 =	simm.s32 $0x1800  }
0xc2: {  	[hbm4b:s23+s3] =	stream.linear.scatter [tilespmem:s30], [sflag:$0x3], $0x400, $0x38;
	[tilespmem:$0x19400] =	vst v63  }
0xc3: {  	s31 =	sadd.s32 $0x380, s11;
	s1 =	simm.s32 $0x3000  }
0xc4: {  	[hbm4b:s31+s3] =	stream.linear.scatter [tilespmem:s1], [sflag:$0x3], $0x400, $0x38;
	[tilespmem:$0x19400] =	vst v63  }
0xc5: {  	s23 =	sadd.s32 $0x680, s11;
	s30 =	simm.s32 $0x4800  }
0xc6: {  	[hbm4b:s23+s3] =	stream.linear.scatter [tilespmem:s30], [sflag:$0x3], $0x400, $0x38;
	[tilespmem:$0x19400] =	vst v63  }
0xc7: {  	s31 =	sadd.s32 $0x980, s11;
	s1 =	simm.s32 $0x6000  }
0xc8: {  	[hbm4b:s31+s3] =	stream.linear.scatter [tilespmem:s1], [sflag:$0x3], $0x400, $0x38;
	[tilespmem:$0x19400] =	vst v63  }
0xc9: {  	s23 =	sadd.s32 $0xC80, s11;
	s30 =	simm.s32 $0x7800  }
0xca: {  	[hbm4b:s23+s3] =	stream.linear.scatter [tilespmem:s30], [sflag:$0x3], $0x400, $0x38;
	[tilespmem:$0x19400] =	vst v63  }
0xcb: {  	s31 =	sadd.s32 $0xF80, s11;
	s1 =	simm.s32 $0x9000  }
0xcc: {  	[hbm4b:s31+s3] =	stream.linear.scatter [tilespmem:s1], [sflag:$0x3], $0x400, $0x38;
	[tilespmem:$0x19400] =	vst v63  }
0xcd: {  	s20 =	sadd.s32 $0x1280, s11;
	s23 =	simm.s32 $0xA800  }
0xce: {  	[hbm4b:s20+s3] =	stream.linear.scatter [tilespmem:s23], [sflag:$0x3], $0x400, $0x38;
	[tilespmem:$0x19400] =	vst v63  }
0xcf: {  	s30 =	sadd.s32 $0x1580, s11;
	s31 =	simm.s32 $0xC000  }
0xd0: {  	[hbm4b:s30+s3] =	stream.linear.scatter [tilespmem:s31], [sflag:$0x3], $0x400, $0x38;
	[tilespmem:$0x19400] =	vst v63  }
0xd1: {  	s1 =	sadd.s32 $0x100, s11  }
0xd2: {  	[hbm4b:s1+s3] =	stream.linear.scatter [tilespmem:s17], [sflag:$0x3], $0x400, $0x38;
	[tilespmem:$0x19400] =	vst v63  }
0xd3: {  	s20 =	sadd.s32 $0x400, s11  }
0xd4: {  	[hbm4b:s20+s3] =	stream.linear.scatter [tilespmem:s14], [sflag:$0x3], $0x400, $0x38;
	[tilespmem:$0x19400] =	vst v63  }
0xd5: {  	s23 =	sadd.s32 $0x700, s11  }
0xd6: {  	[hbm4b:s23+s3] =	stream.linear.scatter [tilespmem:s16], [sflag:$0x3], $0x400, $0x38;
	[tilespmem:$0x19400] =	vst v63  }
0xd7: {  	s30 =	sadd.s32 $0xA00, s11  }
0xd8: {  	[hbm4b:s30+s3] =	stream.linear.scatter [tilespmem:s15], [sflag:$0x3], $0x400, $0x38;
	[tilespmem:$0x19400] =	vst v63  }
0xd9: {  	s31 =	sadd.s32 $0xD00, s11  }
0xda: {  	[hbm4b:s31+s3] =	stream.linear.scatter [tilespmem:s13], [sflag:$0x3], $0x400, $0x38;
	[tilespmem:$0x19400] =	vst v63  }
0xdb: {  	s1 =	sadd.s32 $0x1000, s11  }
0xdc: {  	[hbm4b:s1+s3] =	stream.linear.scatter [tilespmem:s2], [sflag:$0x3], $0x400, $0x38;
	[tilespmem:$0x19400] =	vst v63  }
0xdd: {  	s13 =	sadd.s32 $0x1300, s11  }
0xde: {  	[hbm4b:s13+s3] =	stream.linear.scatter [tilespmem:s28], [sflag:$0x3], $0x400, $0x38;
	[tilespmem:$0x19400] =	vst v63  }
0xdf: {  	s14 =	sadd.s32 $0x1600, s11  }
0xe0: {  	[hbm4b:s14+s3] =	stream.linear.scatter [tilespmem:s18], [sflag:$0x3], $0x400, $0x38;
	[tilespmem:$0x19400] =	vst v63  }
0xe1: {  	s16 =	simm.s32 $0x2000;
	s15 =	sadd.s32 $0x180, s11  }
0xe2: {  	[hbm4b:s15+s3] =	stream.linear.scatter [tilespmem:s16], [sflag:$0x3], $0x400, $0x38;
	[tilespmem:$0x19400] =	vst v63  }
0xe3: {  	s17 =	sadd.s32 $0x480, s11;
	s18 =	simm.s32 $0x3800  }
0xe4: {  	[hbm4b:s17+s3] =	stream.linear.scatter [tilespmem:s18], [sflag:$0x3], $0x400, $0x38;
	[tilespmem:$0x19400] =	vst v63  }
0xe5: {  	s20 =	sadd.s32 $0x780, s11;
	s23 =	simm.s32 $0x5000  }
0xe6: {  	[hbm4b:s20+s3] =	stream.linear.scatter [tilespmem:s23], [sflag:$0x3], $0x400, $0x38;
	[tilespmem:$0x19400] =	vst v63  }
0xe7: {  	s30 =	simm.s32 $0x6800;
	s28 =	sadd.s32 $0xA80, s11  }
0xe8: {  	[hbm4b:s28+s3] =	stream.linear.scatter [tilespmem:s30], [sflag:$0x3], $0x400, $0x38;
	[tilespmem:$0x19400] =	vst v63  }
0xe9: {  	s31 =	sadd.s32 $0xD80, s11;
	s1 =	simm.s32 $0x8000  }
0xea: {  	[hbm4b:s31+s3] =	stream.linear.scatter [tilespmem:s1], [sflag:$0x3], $0x400, $0x38;
	[tilespmem:$0x19400] =	vst v63  }
0xeb: {  	s2 =	sadd.s32 $0x1080, s11;
	s13 =	simm.s32 $0x9800  }
0xec: {  	[hbm4b:s2+s3] =	stream.linear.scatter [tilespmem:s13], [sflag:$0x3], $0x400, $0x38;
	[tilespmem:$0x19400] =	vst v63  }
0xed: {  	s14 =	sadd.s32 $0x1380, s11;
	s15 =	simm.s32 $0xB000  }
0xee: {  	[hbm4b:s14+s3] =	stream.linear.scatter [tilespmem:s15], [sflag:$0x3], $0x400, $0x38;
	[tilespmem:$0x19400] =	vst v63  }
0xef: {  	s16 =	sadd.s32 $0x1680, s11;
	s17 =	simm.s32 $0xC800  }
0xf0: {  	[hbm4b:s16+s3] =	stream.linear.scatter [tilespmem:s17], [sflag:$0x3], $0x400, $0x38;
	[tilespmem:$0x19400] =	vst v63  }
0xf1: {  	s18 =	sadd.s32 $0x200, s11  }
0xf2: {  	[hbm4b:s18+s3] =	stream.linear.scatter [tilespmem:s26], [sflag:$0x3], $0x400, $0x38;
	[tilespmem:$0x19400] =	vst v63  }
0xf3: {  	s20 =	sadd.s32 $0x500, s11  }
0xf4: {  	[hbm4b:s20+s3] =	stream.linear.scatter [tilespmem:s25], [sflag:$0x3], $0x400, $0x38;
	[tilespmem:$0x19400] =	vst v63  }
0xf5: {  	s23 =	sadd.s32 $0x800, s11  }
0xf6: {  	[hbm4b:s23+s3] =	stream.linear.scatter [tilespmem:s24], [sflag:$0x3], $0x400, $0x38;
	[tilespmem:$0x19400] =	vst v63  }
0xf7: {  	s24 =	sadd.s32 $0xB00, s11  }
0xf8: {  	[hbm4b:s24+s3] =	stream.linear.scatter [tilespmem:s22], [sflag:$0x3], $0x400, $0x38;
	[tilespmem:$0x19400] =	vst v63  }
0xf9: {  	s25 =	sadd.s32 $0xE00, s11  }
0xfa: {  	[hbm4b:s25+s3] =	stream.linear.scatter [tilespmem:s21], [sflag:$0x3], $0x400, $0x38;
	[tilespmem:$0x19400] =	vst v63  }
0xfb: {  	s26 =	sadd.s32 $0x1100, s11  }
0xfc: {  	[hbm4b:s26+s3] =	stream.linear.scatter [tilespmem:s19], [sflag:$0x3], $0x400, $0x38;
	[tilespmem:$0x19400] =	vst v63  }
0xfd: {  	s28 =	sadd.s32 $0x1400, s11  }
0xfe: {  	[hbm4b:s28+s3] =	stream.linear.scatter [tilespmem:s29], [sflag:$0x3], $0x400, $0x38;
	[tilespmem:$0x19400] =	vst v63  }
0xff: {  	s29 =	sadd.s32 $0x1700, s11  }
0x100: {  	[hbm4b:s29+s3] =	stream.linear.scatter [tilespmem:s0], [sflag:$0x3], $0x400, $0x38;
	[tilespmem:$0x19400] =	vst v63  }
0x101: {  	s30 =	sadd.s32 $0x280, s11;
	s31 =	simm.s32 $0x2800  }
0x102: {  	[hbm4b:s30+s3] =	stream.linear.scatter [tilespmem:s31], [sflag:$0x3], $0x400, $0x38;
	[tilespmem:$0x19400] =	vst v63  }
0x103: {  	s1 =	simm.s32 $0x4000;
	s0 =	sadd.s32 $0x580, s11  }
0x104: {  	[hbm4b:s0+s3] =	stream.linear.scatter [tilespmem:s1], [sflag:$0x3], $0x400, $0x38;
	[tilespmem:$0x19400] =	vst v63  }
0x105: {  	s2 =	sadd.s32 $0x880, s11;
	s13 =	simm.s32 $0x5800  }
0x106: {  	[hbm4b:s2+s3] =	stream.linear.scatter [tilespmem:s13], [sflag:$0x3], $0x400, $0x38;
	[tilespmem:$0x19400] =	vst v63  }
0x107: {  	s14 =	sadd.s32 $0xB80, s11;
	s15 =	simm.s32 $0x7000  }
0x108: {  	[hbm4b:s14+s3] =	stream.linear.scatter [tilespmem:s15], [sflag:$0x3], $0x400, $0x38;
	[tilespmem:$0x19400] =	vst v63  }
0x109: {  	s16 =	sadd.s32 $0xE80, s11;
	s17 =	simm.s32 $0x8800  }
0x10a: {  	[hbm4b:s16+s3] =	stream.linear.scatter [tilespmem:s17], [sflag:$0x3], $0x400, $0x38;
	[tilespmem:$0x19400] =	vst v63  }
0x10b: {  	s18 =	sadd.s32 $0x1180, s11;
	s19 =	simm.s32 $0xA000  }
0x10c: {  	[hbm4b:s18+s3] =	stream.linear.scatter [tilespmem:s19], [sflag:$0x3], $0x400, $0x38;
	[tilespmem:$0x19400] =	vst v63  }
0x10d: {  	s22 =	simm.s32 $0xB800;
	s21 =	sadd.s32 $0x1480, s11  }
0x10e: {  	[hbm4b:s21+s3] =	stream.linear.scatter [tilespmem:s22], [sflag:$0x3], $0x400, $0x38;
	[tilespmem:$0x19400] =	vst v63  }
0x10f: {  	p0 =	seq.s32 s7, $0x0;
	s23 =	simm.s32 $0xD000;
	s11 =	sadd.s32 $0x1780, s11  }
0x110: {  	[hbm4b:s11+s3] =	stream.linear.scatter [tilespmem:s23], [sflag:$0x3], $0x400, $0x38;
	[tilespmem:$0x19400] =	vst v63  }
0x111: {  	s11 =	simm.s32 @!p0 $0x4  }
0x112: {  	_ =	swait.ge @!p0 [sflag:s11], $0x2000  }
0x113: {  	[sflag:s11] =	ssyncset.done @!p0 $0x0  }
0x114: {  	[sflag:s11] =	ssyncadd.s32 @!p0 $0xFFFFE000  }
0x115: {  	_ =	swait.ge @!p0 [sflag:s11], $0x2000  }
0x116: {  	[sflag:s11] =	ssyncset.done @!p0 $0x0  }
0x117: {  	[sflag:s11] =	ssyncadd.s32 @!p0 $0xFFFFE000  }
0x118: {  	_ =	swait.ge @!p0 [sflag:s11], $0x2000  }
0x119: {  	[sflag:s11] =	ssyncset.done @!p0 $0x0  }
0x11a: {  	[sflag:s11] =	ssyncadd.s32 @!p0 $0xFFFFE000  }
0x11b: {  	_ =	swait.ge @!p0 [sflag:s11], $0x2000  }
0x11c: {  	[sflag:s11] =	ssyncset.done @!p0 $0x0  }
0x11d: {  	[sflag:s11] =	ssyncadd.s32 @!p0 $0xFFFFE000  }
0x11e: {  	_ =	swait.ge @!p0 [sflag:s11], $0x2000  }
0x11f: {  	[sflag:s11] =	ssyncset.done @!p0 $0x0  }
0x120: {  	[sflag:s11] =	ssyncadd.s32 @!p0 $0xFFFFE000  }
0x121: {  	_ =	swait.ge @!p0 [sflag:s11], $0x2000  }
0x122: {  	[sflag:s11] =	ssyncset.done @!p0 $0x0  }
0x123: {  	[sflag:s11] =	ssyncadd.s32 @!p0 $0xFFFFE000  }
0x124: {  	v2 =	vld.msk [tilespmem:s8+$0xFFFFFFE0], $0xff;
	_ =	sdelay $0x4  }
0x125: {  	v3 =	vshrl.u32 v2, $0x3  }
0x126: {  	v3 =	vmul.u32 $0x30, v3  }
0x127: {  	v2 =	vand.u32 $0x7, v2  }
0x128: {  	v2 =	vor.u32 v2, v3  }
0x129: {  	v2 =	vperm.xlane v2, v0;
	_ =	sdelay $0x1  }
0x12a: {  	v2 =	vadd.s32 v1, v2;
	_ =	sdelay $0x3  }
0x12b: {  	s12 =	simm.s32 $0xD400  }
0x12c: {  	[tilespmem:s12], [sflag:$0x2] =	stream.indirect_vreg.gather [hbm4b:s9+s3], $0x80, v2, vm0, $0xb8;
	[tilespmem:$0x19400] =	vst v63  }
0x12d: {  	s21 =	simm.s32 $0xDC00  }
0x12e: {  	[tilespmem:s21], [sflag:$0x2] =	stream.indirect_vreg.gather [hbm4b:s5+s3], $0x80, v2, vm0, $0xb8;
	[tilespmem:$0x19400] =	vst v63  }
0x12f: {  	s23 =	simm.s32 $0xE400  }
0x130: {  	[tilespmem:s23], [sflag:$0x2] =	stream.indirect_vreg.gather [hbm4b:s6+s3], $0x80, v2, vm0, $0xb8;
	[tilespmem:$0x19400] =	vst v63  }
0x131: {  	v2 =	vld.msk [tilespmem:s8+$0xFFFFFFE8], $0xff;
	_ =	sdelay $0x4  }
0x132: {  	v3 =	vshrl.u32 v2, $0x3  }
0x133: {  	v3 =	vmul.u32 $0x30, v3  }
0x134: {  	v2 =	vand.u32 $0x7, v2  }
0x135: {  	v2 =	vor.u32 v2, v3  }
0x136: {  	v2 =	vperm.xlane v2, v0;
	_ =	sdelay $0x1  }
0x137: {  	v2 =	vadd.s32 v1, v2;
	_ =	sdelay $0x3  }
0x138: {  	s26 =	simm.s32 $0xEC00  }
0x139: {  	[tilespmem:s26], [sflag:$0x2] =	stream.indirect_vreg.gather [hbm4b:s9+s3], $0x80, v2, vm0, $0xb8;
	[tilespmem:$0x19400] =	vst v63  }
0x13a: {  	s20 =	simm.s32 $0xF400  }
0x13b: {  	[tilespmem:s20], [sflag:$0x2] =	stream.indirect_vreg.gather [hbm4b:s5+s3], $0x80, v2, vm0, $0xb8;
	[tilespmem:$0x19400] =	vst v63  }
0x13c: {  	s24 =	simm.s32 $0xFC00  }
0x13d: {  	[tilespmem:s24], [sflag:$0x2] =	stream.indirect_vreg.gather [hbm4b:s6+s3], $0x80, v2, vm0, $0xb8;
	[tilespmem:$0x19400] =	vst v63  }
0x13e: {  	v2 =	vld.msk [tilespmem:s8+$0xFFFFFFF0], $0xff;
	_ =	sdelay $0x4  }
0x13f: {  	v3 =	vshrl.u32 v2, $0x3  }
0x140: {  	v3 =	vmul.u32 $0x30, v3  }
0x141: {  	v2 =	vand.u32 $0x7, v2  }
0x142: {  	v2 =	vor.u32 v2, v3  }
0x143: {  	v2 =	vperm.xlane v2, v0;
	_ =	sdelay $0x1  }
0x144: {  	v2 =	vadd.s32 v1, v2;
	_ =	sdelay $0x3  }
0x145: {  	s16 =	simm.s32 $0x10400  }
0x146: {  	[tilespmem:s16], [sflag:$0x2] =	stream.indirect_vreg.gather [hbm4b:s9+s3], $0x80, v2, vm0, $0xb8;
	[tilespmem:$0x19400] =	vst v63  }
0x147: {  	s19 =	simm.s32 $0x10C00  }
0x148: {  	[tilespmem:s19], [sflag:$0x2] =	stream.indirect_vreg.gather [hbm4b:s5+s3], $0x80, v2, vm0, $0xb8;
	[tilespmem:$0x19400] =	vst v63  }
0x149: {  	s25 =	simm.s32 $0x11400  }
0x14a: {  	[tilespmem:s25], [sflag:$0x2] =	stream.indirect_vreg.gather [hbm4b:s6+s3], $0x80, v2, vm0, $0xb8;
	[tilespmem:$0x19400] =	vst v63  }
0x14b: {  	v2 =	vld.msk [tilespmem:s8+$0xFFFFFFF8], $0xff;
	_ =	sdelay $0x4  }
0x14c: {  	v3 =	vshrl.u32 v2, $0x3  }
0x14d: {  	v3 =	vmul.u32 $0x30, v3  }
0x14e: {  	v2 =	vand.u32 $0x7, v2  }
0x14f: {  	v2 =	vor.u32 v2, v3  }
0x150: {  	v2 =	vperm.xlane v2, v0;
	_ =	sdelay $0x1  }
0x151: {  	v2 =	vadd.s32 v1, v2;
	_ =	sdelay $0x3  }
0x152: {  	s24 =	simm.s32 $0x11C00  }
0x153: {  	[tilespmem:s24], [sflag:$0x2] =	stream.indirect_vreg.gather [hbm4b:s9+s3], $0x80, v2, vm0, $0xb8;
	[tilespmem:$0x19400] =	vst v63  }
0x154: {  	s22 =	simm.s32 $0x12400  }
0x155: {  	[tilespmem:s22], [sflag:$0x2] =	stream.indirect_vreg.gather [hbm4b:s5+s3], $0x80, v2, vm0, $0xb8;
	[tilespmem:$0x19400] =	vst v63  }
0x156: {  	s28 =	simm.s32 $0x12C00  }
0x157: {  	[tilespmem:s28], [sflag:$0x2] =	stream.indirect_vreg.gather [hbm4b:s6+s3], $0x80, v2, vm0, $0xb8;
	[tilespmem:$0x19400] =	vst v63  }
0x158: {  	v2 =	vld.msk [tilespmem:s8+$0x0], $0xff;
	_ =	sdelay $0x4  }
0x159: {  	v3 =	vshrl.u32 v2, $0x3  }
0x15a: {  	v3 =	vmul.u32 $0x30, v3  }
0x15b: {  	v2 =	vand.u32 $0x7, v2  }
0x15c: {  	v2 =	vor.u32 v2, v3  }
0x15d: {  	v2 =	vperm.xlane v2, v0;
	_ =	sdelay $0x1  }
0x15e: {  	v2 =	vadd.s32 v1, v2;
	_ =	sdelay $0x3  }
0x15f: {  	s31 =	simm.s32 $0x13400  }
0x160: {  	[tilespmem:s31], [sflag:$0x2] =	stream.indirect_vreg.gather [hbm4b:s9+s3], $0x80, v2, vm0, $0xb8;
	[tilespmem:$0x19400] =	vst v63  }
0x161: {  	s25 =	simm.s32 $0x13C00  }
0x162: {  	[tilespmem:s25], [sflag:$0x2] =	stream.indirect_vreg.gather [hbm4b:s5+s3], $0x80, v2, vm0, $0xb8;
	[tilespmem:$0x19400] =	vst v63  }
0x163: {  	s30 =	simm.s32 $0x14400  }
0x164: {  	[tilespmem:s30], [sflag:$0x2] =	stream.indirect_vreg.gather [hbm4b:s6+s3], $0x80, v2, vm0, $0xb8;
	[tilespmem:$0x19400] =	vst v63  }
0x165: {  	v2 =	vld.msk [tilespmem:s8+$0x8], $0xff;
	_ =	sdelay $0x4  }
0x166: {  	v3 =	vshrl.u32 v2, $0x3  }
0x167: {  	v3 =	vmul.u32 $0x30, v3  }
0x168: {  	v2 =	vand.u32 $0x7, v2  }
0x169: {  	v2 =	vor.u32 v2, v3  }
0x16a: {  	v2 =	vperm.xlane v2, v0;
	_ =	sdelay $0x1  }
0x16b: {  	v2 =	vadd.s32 v1, v2;
	_ =	sdelay $0x3  }
0x16c: {  	s29 =	simm.s32 $0x14C00  }
0x16d: {  	[tilespmem:s29], [sflag:$0x2] =	stream.indirect_vreg.gather [hbm4b:s9+s3], $0x80, v2, vm0, $0xb8;
	[tilespmem:$0x19400] =	vst v63  }
0x16e: {  	s14 =	simm.s32 $0x15400  }
0x16f: {  	[tilespmem:s14], [sflag:$0x2] =	stream.indirect_vreg.gather [hbm4b:s5+s3], $0x80, v2, vm0, $0xb8;
	[tilespmem:$0x19400] =	vst v63  }
0x170: {  	s18 =	simm.s32 $0x15C00  }
0x171: {  	[tilespmem:s18], [sflag:$0x2] =	stream.indirect_vreg.gather [hbm4b:s6+s3], $0x80, v2, vm0, $0xb8;
	[tilespmem:$0x19400] =	vst v63  }
0x172: {  	v2 =	vld.msk [tilespmem:s8+$0x10], $0xff;
	_ =	sdelay $0x4  }
0x173: {  	v3 =	vshrl.u32 v2, $0x3  }
0x174: {  	v3 =	vmul.u32 $0x30, v3  }
0x175: {  	v2 =	vand.u32 $0x7, v2  }
0x176: {  	v2 =	vor.u32 v2, v3  }
0x177: {  	v2 =	vperm.xlane v2, v0;
	_ =	sdelay $0x1  }
0x178: {  	v2 =	vadd.s32 v1, v2;
	_ =	sdelay $0x3  }
0x179: {  	s2 =	simm.s32 $0x16400  }
0x17a: {  	[tilespmem:s2], [sflag:$0x2] =	stream.indirect_vreg.gather [hbm4b:s9+s3], $0x80, v2, vm0, $0xb8;
	[tilespmem:$0x19400] =	vst v63  }
0x17b: {  	s17 =	simm.s32 $0x16C00  }
0x17c: {  	[tilespmem:s17], [sflag:$0x2] =	stream.indirect_vreg.gather [hbm4b:s5+s3], $0x80, v2, vm0, $0xb8;
	[tilespmem:$0x19400] =	vst v63  }
0x17d: {  	s15 =	simm.s32 $0x17400  }
0x17e: {  	[tilespmem:s15], [sflag:$0x2] =	stream.indirect_vreg.gather [hbm4b:s6+s3], $0x80, v2, vm0, $0xb8;
	[tilespmem:$0x19400] =	vst v63  }
0x17f: {  	v2 =	vld.msk [tilespmem:s8+$0x18], $0xff;
	_ =	sdelay $0x4  }
0x180: {  	v3 =	vshrl.u32 v2, $0x3  }
0x181: {  	v3 =	vmul.u32 $0x30, v3  }
0x182: {  	v2 =	vand.u32 $0x7, v2  }
0x183: {  	v2 =	vor.u32 v2, v3  }
0x184: {  	v2 =	vperm.xlane v2, v0;
	_ =	sdelay $0x1  }
0x185: {  	v2 =	vadd.s32 v1, v2;
	_ =	sdelay $0x3  }
0x186: {  	s0 =	simm.s32 $0x17C00  }
0x187: {  	[tilespmem:s0], [sflag:$0x2] =	stream.indirect_vreg.gather [hbm4b:s9+s3], $0x80, v2, vm0, $0xb8;
	[tilespmem:$0x19400] =	vst v63  }
0x188: {  	s1 =	simm.s32 $0x18400  }
0x189: {  	[tilespmem:s1], [sflag:$0x2] =	stream.indirect_vreg.gather [hbm4b:s5+s3], $0x80, v2, vm0, $0xb8;
	[tilespmem:$0x19400] =	vst v63  }
0x18a: {  	s13 =	simm.s32 $0x18C00  }
0x18b: {  	[tilespmem:s13], [sflag:$0x2] =	stream.indirect_vreg.gather [hbm4b:s6+s3], $0x80, v2, vm0, $0xb8;
	[tilespmem:$0x19400] =	vst v63  }
0x18c: {  	_ =	swait.ge [sflag:s4], $0x1800  }
0x18d: {  	[sflag:s4] =	ssyncset.done $0x0  }
0x18e: {  	[sflag:s4] =	ssyncadd.s32 $0xFFFFE800  }
0x18f: {  	_ =	swait.ge [sflag:s4], $0x1800  }
0x190: {  	[sflag:s4] =	ssyncset.done $0x0  }
0x191: {  	[sflag:s4] =	ssyncadd.s32 $0xFFFFE800  }
0x192: {  	_ =	swait.ge [sflag:s4], $0x1800  }
0x193: {  	[sflag:s4] =	ssyncset.done $0x0  }
0x194: {  	[sflag:s4] =	ssyncadd.s32 $0xFFFFE800  }
0x195: {  	_ =	swait.ge [sflag:s4], $0x1800  }
0x196: {  	[sflag:s4] =	ssyncset.done $0x0  }
0x197: {  	[sflag:s4] =	ssyncadd.s32 $0xFFFFE800  }
0x198: {  	_ =	swait.ge [sflag:s4], $0x1800  }
0x199: {  	[sflag:s4] =	ssyncset.done $0x0  }
0x19a: {  	[sflag:s4] =	ssyncadd.s32 $0xFFFFE800  }
0x19b: {  	_ =	swait.ge [sflag:s4], $0x1800  }
0x19c: {  	[sflag:s4] =	ssyncset.done $0x0  }
0x19d: {  	[sflag:s4] =	ssyncadd.s32 $0xFFFFE800  }
0x19e: {  	_ =	swait.ge [sflag:s4], $0x1800  }
0x19f: {  	[sflag:s4] =	ssyncset.done $0x0  }
0x1a0: {  	[sflag:s4] =	ssyncadd.s32 $0xFFFFE800  }
0x1a1: {  	_ =	swait.ge [sflag:s4], $0x1800  }
0x1a2: {  	[sflag:s4] =	ssyncset.done $0x0;
	s11 =	rddreg [dreg:$0x6]  }
0x1a3: {  	[sflag:s4] =	ssyncadd.s32 $0xFFFFE800;
	s11 =	sadd.s32 s7, s11  }
0x1a4: {  	[hbm4b:s11+s3] =	stream.linear.scatter [tilespmem:s12], [sflag:$0x4], $0x400, $0x38;
	[tilespmem:$0x19400] =	vst v63  }
0x1a5: {  	s12 =	sadd.s32 $0x300, s11  }
0x1a6: {  	[hbm4b:s12+s3] =	stream.linear.scatter [tilespmem:s26], [sflag:$0x4], $0x400, $0x38;
	[tilespmem:$0x19400] =	vst v63  }
0x1a7: {  	s26 =	sadd.s32 $0x600, s11  }
0x1a8: {  	[hbm4b:s26+s3] =	stream.linear.scatter [tilespmem:s16], [sflag:$0x4], $0x400, $0x38;
	[tilespmem:$0x19400] =	vst v63  }
0x1a9: {  	s16 =	sadd.s32 $0x900, s11  }
0x1aa: {  	[hbm4b:s16+s3] =	stream.linear.scatter [tilespmem:s24], [sflag:$0x4], $0x400, $0x38;
	[tilespmem:$0x19400] =	vst v63  }
0x1ab: {  	s26 =	sadd.s32 $0xC00, s11  }
0x1ac: {  	[hbm4b:s26+s3] =	stream.linear.scatter [tilespmem:s31], [sflag:$0x4], $0x400, $0x38;
	[tilespmem:$0x19400] =	vst v63  }
0x1ad: {  	s16 =	sadd.s32 $0xF00, s11  }
0x1ae: {  	[hbm4b:s16+s3] =	stream.linear.scatter [tilespmem:s29], [sflag:$0x4], $0x400, $0x38;
	[tilespmem:$0x19400] =	vst v63  }
0x1af: {  	s24 =	sadd.s32 $0x1200, s11  }
0x1b0: {  	[hbm4b:s24+s3] =	stream.linear.scatter [tilespmem:s2], [sflag:$0x4], $0x400, $0x38;
	[tilespmem:$0x19400] =	vst v63  }
0x1b1: {  	s26 =	sadd.s32 $0x1500, s11  }
0x1b2: {  	[hbm4b:s26+s3] =	stream.linear.scatter [tilespmem:s0], [sflag:$0x4], $0x400, $0x38;
	[tilespmem:$0x19400] =	vst v63  }
0x1b3: {  	s31 =	simm.s32 $0xD800;
	s29 =	sadd.s32 $0x80, s11  }
0x1b4: {  	[hbm4b:s29+s3] =	stream.linear.scatter [tilespmem:s31], [sflag:$0x4], $0x400, $0x38;
	[tilespmem:$0x19400] =	vst v63  }
0x1b5: {  	s16 =	simm.s32 $0xF000;
	s2 =	sadd.s32 $0x380, s11  }
0x1b6: {  	[hbm4b:s2+s3] =	stream.linear.scatter [tilespmem:s16], [sflag:$0x4], $0x400, $0x38;
	[tilespmem:$0x19400] =	vst v63  }
0x1b7: {  	s24 =	sadd.s32 $0x680, s11;
	s26 =	simm.s32 $0x10800  }
0x1b8: {  	[hbm4b:s24+s3] =	stream.linear.scatter [tilespmem:s26], [sflag:$0x4], $0x400, $0x38;
	[tilespmem:$0x19400] =	vst v63  }
0x1b9: {  	s29 =	sadd.s32 $0x980, s11;
	s31 =	simm.s32 $0x12000  }
0x1ba: {  	[hbm4b:s29+s3] =	stream.linear.scatter [tilespmem:s31], [sflag:$0x4], $0x400, $0x38;
	[tilespmem:$0x19400] =	vst v63  }
0x1bb: {  	s2 =	sadd.s32 $0xC80, s11;
	s16 =	simm.s32 $0x13800  }
0x1bc: {  	[hbm4b:s2+s3] =	stream.linear.scatter [tilespmem:s16], [sflag:$0x4], $0x400, $0x38;
	[tilespmem:$0x19400] =	vst v63  }
0x1bd: {  	s24 =	sadd.s32 $0xF80, s11;
	s26 =	simm.s32 $0x15000  }
0x1be: {  	[hbm4b:s24+s3] =	stream.linear.scatter [tilespmem:s26], [sflag:$0x4], $0x400, $0x38;
	[tilespmem:$0x19400] =	vst v63  }
0x1bf: {  	s29 =	sadd.s32 $0x1280, s11;
	s31 =	simm.s32 $0x16800  }
0x1c0: {  	[hbm4b:s29+s3] =	stream.linear.scatter [tilespmem:s31], [sflag:$0x4], $0x400, $0x38;
	[tilespmem:$0x19400] =	vst v63  }
0x1c1: {  	s2 =	sadd.s32 $0x1580, s11;
	s16 =	simm.s32 $0x18000  }
0x1c2: {  	[hbm4b:s2+s3] =	stream.linear.scatter [tilespmem:s16], [sflag:$0x4], $0x400, $0x38;
	[tilespmem:$0x19400] =	vst v63  }
0x1c3: {  	s24 =	sadd.s32 $0x100, s11  }
0x1c4: {  	[hbm4b:s24+s3] =	stream.linear.scatter [tilespmem:s21], [sflag:$0x4], $0x400, $0x38;
	[tilespmem:$0x19400] =	vst v63  }
0x1c5: {  	s26 =	sadd.s32 $0x400, s11  }
0x1c6: {  	[hbm4b:s26+s3] =	stream.linear.scatter [tilespmem:s20], [sflag:$0x4], $0x400, $0x38;
	[tilespmem:$0x19400] =	vst v63  }
0x1c7: {  	s29 =	sadd.s32 $0x700, s11  }
0x1c8: {  	[hbm4b:s29+s3] =	stream.linear.scatter [tilespmem:s19], [sflag:$0x4], $0x400, $0x38;
	[tilespmem:$0x19400] =	vst v63  }
0x1c9: {  	s31 =	sadd.s32 $0xA00, s11  }
0x1ca: {  	[hbm4b:s31+s3] =	stream.linear.scatter [tilespmem:s22], [sflag:$0x4], $0x400, $0x38;
	[tilespmem:$0x19400] =	vst v63  }
0x1cb: {  	s0 =	sadd.s32 $0xD00, s11  }
0x1cc: {  	[hbm4b:s0+s3] =	stream.linear.scatter [tilespmem:s25], [sflag:$0x4], $0x400, $0x38;
	[tilespmem:$0x19400] =	vst v63  }
0x1cd: {  	s2 =	sadd.s32 $0x1000, s11  }
0x1ce: {  	[hbm4b:s2+s3] =	stream.linear.scatter [tilespmem:s14], [sflag:$0x4], $0x400, $0x38;
	[tilespmem:$0x19400] =	vst v63  }
0x1cf: {  	s16 =	sadd.s32 $0x1300, s11  }
0x1d0: {  	[hbm4b:s16+s3] =	stream.linear.scatter [tilespmem:s17], [sflag:$0x4], $0x400, $0x38;
	[tilespmem:$0x19400] =	vst v63  }
0x1d1: {  	s19 =	sadd.s32 $0x1600, s11  }
0x1d2: {  	[hbm4b:s19+s3] =	stream.linear.scatter [tilespmem:s1], [sflag:$0x4], $0x400, $0x38;
	[tilespmem:$0x19400] =	vst v63  }
0x1d3: {  	s21 =	simm.s32 $0xE000;
	s20 =	sadd.s32 $0x180, s11  }
0x1d4: {  	[hbm4b:s20+s3] =	stream.linear.scatter [tilespmem:s21], [sflag:$0x4], $0x400, $0x38;
	[tilespmem:$0x19400] =	vst v63  }
0x1d5: {  	s24 =	simm.s32 $0xF800;
	s22 =	sadd.s32 $0x480, s11  }
0x1d6: {  	[hbm4b:s22+s3] =	stream.linear.scatter [tilespmem:s24], [sflag:$0x4], $0x400, $0x38;
	[tilespmem:$0x19400] =	vst v63  }
0x1d7: {  	s26 =	simm.s32 $0x11000;
	s25 =	sadd.s32 $0x780, s11  }
0x1d8: {  	[hbm4b:s25+s3] =	stream.linear.scatter [tilespmem:s26], [sflag:$0x4], $0x400, $0x38;
	[tilespmem:$0x19400] =	vst v63  }
0x1d9: {  	s29 =	sadd.s32 $0xA80, s11;
	s31 =	simm.s32 $0x12800  }
0x1da: {  	[hbm4b:s29+s3] =	stream.linear.scatter [tilespmem:s31], [sflag:$0x4], $0x400, $0x38;
	[tilespmem:$0x19400] =	vst v63  }
0x1db: {  	s2 =	simm.s32 $0x14000;
	s1 =	sadd.s32 $0xD80, s11  }
0x1dc: {  	[hbm4b:s1+s3] =	stream.linear.scatter [tilespmem:s2], [sflag:$0x4], $0x400, $0x38;
	[tilespmem:$0x19400] =	vst v63  }
0x1dd: {  	s14 =	sadd.s32 $0x1080, s11;
	s16 =	simm.s32 $0x15800  }
0x1de: {  	[hbm4b:s14+s3] =	stream.linear.scatter [tilespmem:s16], [sflag:$0x4], $0x400, $0x38;
	[tilespmem:$0x19400] =	vst v63  }
0x1df: {  	s17 =	sadd.s32 $0x1380, s11;
	s19 =	simm.s32 $0x17000  }
0x1e0: {  	[hbm4b:s17+s3] =	stream.linear.scatter [tilespmem:s19], [sflag:$0x4], $0x400, $0x38;
	[tilespmem:$0x19400] =	vst v63  }
0x1e1: {  	s20 =	sadd.s32 $0x1680, s11;
	s21 =	simm.s32 $0x18800  }
0x1e2: {  	[hbm4b:s20+s3] =	stream.linear.scatter [tilespmem:s21], [sflag:$0x4], $0x400, $0x38;
	[tilespmem:$0x19400] =	vst v63  }
0x1e3: {  	s22 =	sadd.s32 $0x200, s11  }
0x1e4: {  	[hbm4b:s22+s3] =	stream.linear.scatter [tilespmem:s23], [sflag:$0x4], $0x400, $0x38;
	[tilespmem:$0x19400] =	vst v63  }
0x1e5: {  	s24 =	sadd.s32 $0x500, s11;
	s25 =	simm.s32 $0xFC00  }
0x1e6: {  	[hbm4b:s24+s3] =	stream.linear.scatter [tilespmem:s25], [sflag:$0x4], $0x400, $0x38;
	[tilespmem:$0x19400] =	vst v63  }
0x1e7: {  	s26 =	sadd.s32 $0x800, s11;
	s29 =	simm.s32 $0x11400  }
0x1e8: {  	[hbm4b:s26+s3] =	stream.linear.scatter [tilespmem:s29], [sflag:$0x4], $0x400, $0x38;
	[tilespmem:$0x19400] =	vst v63  }
0x1e9: {  	s31 =	sadd.s32 $0xB00, s11  }
0x1ea: {  	[hbm4b:s31+s3] =	stream.linear.scatter [tilespmem:s28], [sflag:$0x4], $0x400, $0x38;
	[tilespmem:$0x19400] =	vst v63  }
0x1eb: {  	s0 =	sadd.s32 $0xE00, s11  }
0x1ec: {  	[hbm4b:s0+s3] =	stream.linear.scatter [tilespmem:s30], [sflag:$0x4], $0x400, $0x38;
	[tilespmem:$0x19400] =	vst v63  }
0x1ed: {  	s1 =	sadd.s32 $0x1100, s11  }
0x1ee: {  	[hbm4b:s1+s3] =	stream.linear.scatter [tilespmem:s18], [sflag:$0x4], $0x400, $0x38;
	[tilespmem:$0x19400] =	vst v63  }
0x1ef: {  	s2 =	sadd.s32 $0x1400, s11  }
0x1f0: {  	[hbm4b:s2+s3] =	stream.linear.scatter [tilespmem:s15], [sflag:$0x4], $0x400, $0x38;
	[tilespmem:$0x19400] =	vst v63  }
0x1f1: {  	s14 =	sadd.s32 $0x1700, s11  }
0x1f2: {  	[hbm4b:s14+s3] =	stream.linear.scatter [tilespmem:s13], [sflag:$0x4], $0x400, $0x38;
	[tilespmem:$0x19400] =	vst v63  }
0x1f3: {  	s16 =	simm.s32 $0xE800;
	s15 =	sadd.s32 $0x280, s11  }
0x1f4: {  	[hbm4b:s15+s3] =	stream.linear.scatter [tilespmem:s16], [sflag:$0x4], $0x400, $0x38;
	[tilespmem:$0x19400] =	vst v63  }
0x1f5: {  	s17 =	sadd.s32 $0x580, s11;
	s18 =	simm.s32 $0x10000  }
0x1f6: {  	[hbm4b:s17+s3] =	stream.linear.scatter [tilespmem:s18], [sflag:$0x4], $0x400, $0x38;
	[tilespmem:$0x19400] =	vst v63  }
0x1f7: {  	s19 =	sadd.s32 $0x880, s11;
	s20 =	simm.s32 $0x11800  }
0x1f8: {  	[hbm4b:s19+s3] =	stream.linear.scatter [tilespmem:s20], [sflag:$0x4], $0x400, $0x38;
	[tilespmem:$0x19400] =	vst v63  }
0x1f9: {  	s21 =	sadd.s32 $0xB80, s11;
	s22 =	simm.s32 $0x13000  }
0x1fa: {  	[hbm4b:s21+s3] =	stream.linear.scatter [tilespmem:s22], [sflag:$0x4], $0x400, $0x38;
	[tilespmem:$0x19400] =	vst v63  }
0x1fb: {  	s23 =	sadd.s32 $0xE80, s11;
	s24 =	simm.s32 $0x14800  }
0x1fc: {  	[hbm4b:s23+s3] =	stream.linear.scatter [tilespmem:s24], [sflag:$0x4], $0x400, $0x38;
	[tilespmem:$0x19400] =	vst v63  }
0x1fd: {  	s25 =	sadd.s32 $0x1180, s11;
	s26 =	simm.s32 $0x16000  }
0x1fe: {  	[hbm4b:s25+s3] =	stream.linear.scatter [tilespmem:s26], [sflag:$0x4], $0x400, $0x38;
	[tilespmem:$0x19400] =	vst v63  }
0x1ff: {  	s29 =	simm.s32 $0x17800;
	s28 =	sadd.s32 $0x1480, s11  }
0x200: {  	[hbm4b:s28+s3] =	stream.linear.scatter [tilespmem:s29], [sflag:$0x4], $0x400, $0x38;
	[tilespmem:$0x19400] =	vst v63  }
0x201: {  	s31 =	simm.s32 $0x3;
	s30 =	simm.s32 $0x19000;
	s11 =	sadd.s32 $0x1780, s11  }
0x202: {  	[hbm4b:s11+s3] =	stream.linear.scatter [tilespmem:s30], [sflag:$0x4], $0x400, $0x38;
	[tilespmem:$0x19400] =	vst v63  }
0x203: {  	_ =	swait.ge [sflag:s31], $0x2000  }
0x204: {  	[sflag:s31] =	ssyncset.done $0x0  }
0x205: {  	[sflag:s31] =	ssyncadd.s32 $0xFFFFE000  }
0x206: {  	_ =	swait.ge [sflag:s31], $0x2000  }
0x207: {  	[sflag:s31] =	ssyncset.done $0x0  }
0x208: {  	[sflag:s31] =	ssyncadd.s32 $0xFFFFE000  }
0x209: {  	_ =	swait.ge [sflag:s31], $0x2000  }
0x20a: {  	[sflag:s31] =	ssyncset.done $0x0  }
0x20b: {  	[sflag:s31] =	ssyncadd.s32 $0xFFFFE000  }
0x20c: {  	_ =	swait.ge [sflag:s31], $0x2000  }
0x20d: {  	[sflag:s31] =	ssyncset.done $0x0  }
0x20e: {  	[sflag:s31] =	ssyncadd.s32 $0xFFFFE000  }
0x20f: {  	p0 =	seq.s32 s7, $0x39000;
	_ =	swait.ge [sflag:s31], $0x2000  }
.Ltmp2:
0x210: {  	[sflag:s31] =	ssyncset.done $0x0;
	(pc) =	sbr.rel @p0 .LBB2_4-.Ltmp2, $4  }
0x211: {  	[sflag:s31] =	ssyncadd.s32 $0xFFFFE000  }
0x212: {  	_ =	swait.ge [sflag:s31], $0x2000  }
0x213: {  	[sflag:s31] =	ssyncset.done $0x0  }
0x214: {  	s23 =	smov.u32 s9;
	[sflag:s31] =	ssyncadd.s32 $0xFFFFE000  }
0x215: {  	v2 =	vld.msk [tilespmem:s8+$0x60], $0xff;
	_ =	sdelay $0x4  }
0x216: {  	v3 =	vshrl.u32 v2, $0x3  }
0x217: {  	v3 =	vmul.u32 $0x30, v3  }
0x218: {  	v2 =	vand.u32 $0x7, v2  }
0x219: {  	v2 =	vor.u32 v2, v3  }
0x21a: {  	v2 =	vperm.xlane v2, v0;
	_ =	sdelay $0x1  }
0x21b: {  	v2 =	vadd.s32 v1, v2;
	_ =	sdelay $0x3  }
0x21c: {  	s0 =	simm.s32 $0x1400  }
0x21d: {  	[tilespmem:s0], [sflag:$0x1] =	stream.indirect_vreg.gather [hbm4b:s23+s3], $0x80, v2, vm0, $0xb8;
	[tilespmem:$0x19400] =	vst v63  }
0x21e: {  	s17 =	simm.s32 $0x1C00  }
0x21f: {  	[tilespmem:s17], [sflag:$0x1] =	stream.indirect_vreg.gather [hbm4b:s5+s3], $0x80, v2, vm0, $0xb8;
	[tilespmem:$0x19400] =	vst v63  }
0x220: {  	s26 =	simm.s32 $0x2400  }
0x221: {  	[tilespmem:s26], [sflag:$0x1] =	stream.indirect_vreg.gather [hbm4b:s6+s3], $0x80, v2, vm0, $0xb8;
	[tilespmem:$0x19400] =	vst v63  }
0x222: {  	v2 =	vld.msk [tilespmem:s8+$0x68], $0xff;
	_ =	sdelay $0x4  }
0x223: {  	v3 =	vshrl.u32 v2, $0x3  }
0x224: {  	v3 =	vmul.u32 $0x30, v3  }
0x225: {  	v2 =	vand.u32 $0x7, v2  }
0x226: {  	v2 =	vor.u32 v2, v3  }
0x227: {  	v2 =	vperm.xlane v2, v0;
	_ =	sdelay $0x1  }
0x228: {  	v2 =	vadd.s32 v1, v2;
	_ =	sdelay $0x3  }
0x229: {  	s20 =	simm.s32 $0x2C00  }
0x22a: {  	[tilespmem:s20], [sflag:$0x1] =	stream.indirect_vreg.gather [hbm4b:s23+s3], $0x80, v2, vm0, $0xb8;
	[tilespmem:$0x19400] =	vst v63  }
0x22b: {  	s14 =	simm.s32 $0x3400  }
0x22c: {  	[tilespmem:s14], [sflag:$0x1] =	stream.indirect_vreg.gather [hbm4b:s5+s3], $0x80, v2, vm0, $0xb8;
	[tilespmem:$0x19400] =	vst v63  }
0x22d: {  	s25 =	simm.s32 $0x3C00  }
0x22e: {  	[tilespmem:s25], [sflag:$0x1] =	stream.indirect_vreg.gather [hbm4b:s6+s3], $0x80, v2, vm0, $0xb8;
	[tilespmem:$0x19400] =	vst v63  }
0x22f: {  	v2 =	vld.msk [tilespmem:s8+$0x70], $0xff;
	_ =	sdelay $0x4  }
0x230: {  	v3 =	vshrl.u32 v2, $0x3  }
0x231: {  	v3 =	vmul.u32 $0x30, v3  }
0x232: {  	v2 =	vand.u32 $0x7, v2  }
0x233: {  	v2 =	vor.u32 v2, v3  }
0x234: {  	v2 =	vperm.xlane v2, v0;
	_ =	sdelay $0x1  }
0x235: {  	v2 =	vadd.s32 v1, v2;
	_ =	sdelay $0x3  }
0x236: {  	s21 =	simm.s32 $0x4400  }
0x237: {  	[tilespmem:s21], [sflag:$0x1] =	stream.indirect_vreg.gather [hbm4b:s23+s3], $0x80, v2, vm0, $0xb8;
	[tilespmem:$0x19400] =	vst v63  }
0x238: {  	s16 =	simm.s32 $0x4C00  }
0x239: {  	[tilespmem:s16], [sflag:$0x1] =	stream.indirect_vreg.gather [hbm4b:s5+s3], $0x80, v2, vm0, $0xb8;
	[tilespmem:$0x19400] =	vst v63  }
0x23a: {  	s24 =	simm.s32 $0x5400  }
0x23b: {  	[tilespmem:s24], [sflag:$0x1] =	stream.indirect_vreg.gather [hbm4b:s6+s3], $0x80, v2, vm0, $0xb8;
	[tilespmem:$0x19400] =	vst v63  }
0x23c: {  	v2 =	vld.msk [tilespmem:s8+$0x78], $0xff;
	_ =	sdelay $0x4  }
0x23d: {  	v3 =	vshrl.u32 v2, $0x3  }
0x23e: {  	v3 =	vmul.u32 $0x30, v3  }
0x23f: {  	v2 =	vand.u32 $0x7, v2  }
0x240: {  	v2 =	vor.u32 v2, v3  }
0x241: {  	v2 =	vperm.xlane v2, v0;
	_ =	sdelay $0x1  }
0x242: {  	v2 =	vadd.s32 v1, v2;
	_ =	sdelay $0x3  }
0x243: {  	s22 =	simm.s32 $0x5C00  }
0x244: {  	[tilespmem:s22], [sflag:$0x1] =	stream.indirect_vreg.gather [hbm4b:s23+s3], $0x80, v2, vm0, $0xb8;
	[tilespmem:$0x19400] =	vst v63  }
0x245: {  	s15 =	simm.s32 $0x6400  }
0x246: {  	[tilespmem:s15], [sflag:$0x1] =	stream.indirect_vreg.gather [hbm4b:s5+s3], $0x80, v2, vm0, $0xb8;
	[tilespmem:$0x19400] =	vst v63  }
0x247: {  	s22 =	simm.s32 $0x6C00  }
0x248: {  	[tilespmem:s22], [sflag:$0x1] =	stream.indirect_vreg.gather [hbm4b:s6+s3], $0x80, v2, vm0, $0xb8;
	[tilespmem:$0x19400] =	vst v63  }
0x249: {  	v2 =	vld.msk [tilespmem:s8+$0x80], $0xff;
	_ =	sdelay $0x4  }
0x24a: {  	v3 =	vshrl.u32 v2, $0x3  }
0x24b: {  	v3 =	vmul.u32 $0x30, v3  }
0x24c: {  	v2 =	vand.u32 $0x7, v2  }
0x24d: {  	v2 =	vor.u32 v2, v3  }
0x24e: {  	v2 =	vperm.xlane v2, v0;
	_ =	sdelay $0x1  }
0x24f: {  	v2 =	vadd.s32 v1, v2;
	_ =	sdelay $0x3  }
0x250: {  	s31 =	simm.s32 $0x7400  }
0x251: {  	[tilespmem:s31], [sflag:$0x1] =	stream.indirect_vreg.gather [hbm4b:s23+s3], $0x80, v2, vm0, $0xb8;
	[tilespmem:$0x19400] =	vst v63  }
0x252: {  	s13 =	simm.s32 $0x7C00  }
0x253: {  	[tilespmem:s13], [sflag:$0x1] =	stream.indirect_vreg.gather [hbm4b:s5+s3], $0x80, v2, vm0, $0xb8;
	[tilespmem:$0x19400] =	vst v63  }
0x254: {  	s21 =	simm.s32 $0x8400  }
0x255: {  	[tilespmem:s21], [sflag:$0x1] =	stream.indirect_vreg.gather [hbm4b:s6+s3], $0x80, v2, vm0, $0xb8;
	[tilespmem:$0x19400] =	vst v63  }
0x256: {  	v2 =	vld.msk [tilespmem:s8+$0x88], $0xff;
	_ =	sdelay $0x4  }
0x257: {  	v3 =	vshrl.u32 v2, $0x3  }
0x258: {  	v3 =	vmul.u32 $0x30, v3  }
0x259: {  	v2 =	vand.u32 $0x7, v2  }
0x25a: {  	v2 =	vor.u32 v2, v3  }
0x25b: {  	v2 =	vperm.xlane v2, v0;
	_ =	sdelay $0x1  }
0x25c: {  	v2 =	vadd.s32 v1, v2;
	_ =	sdelay $0x3  }
0x25d: {  	s30 =	simm.s32 $0x8C00  }
0x25e: {  	[tilespmem:s30], [sflag:$0x1] =	stream.indirect_vreg.gather [hbm4b:s23+s3], $0x80, v2, vm0, $0xb8;
	[tilespmem:$0x19400] =	vst v63  }
0x25f: {  	s2 =	simm.s32 $0x9400  }
0x260: {  	[tilespmem:s2], [sflag:$0x1] =	stream.indirect_vreg.gather [hbm4b:s5+s3], $0x80, v2, vm0, $0xb8;
	[tilespmem:$0x19400] =	vst v63  }
0x261: {  	s19 =	simm.s32 $0x9C00  }
0x262: {  	[tilespmem:s19], [sflag:$0x1] =	stream.indirect_vreg.gather [hbm4b:s6+s3], $0x80, v2, vm0, $0xb8;
	[tilespmem:$0x19400] =	vst v63  }
0x263: {  	v2 =	vld.msk [tilespmem:s8+$0x90], $0xff;
	_ =	sdelay $0x4  }
0x264: {  	v3 =	vshrl.u32 v2, $0x3  }
0x265: {  	v3 =	vmul.u32 $0x30, v3  }
0x266: {  	v2 =	vand.u32 $0x7, v2  }
0x267: {  	v2 =	vor.u32 v2, v3  }
0x268: {  	v2 =	vperm.xlane v2, v0;
	_ =	sdelay $0x1  }
0x269: {  	v2 =	vadd.s32 v1, v2;
	_ =	sdelay $0x3  }
0x26a: {  	s20 =	simm.s32 $0xA400  }
0x26b: {  	[tilespmem:s20], [sflag:$0x1] =	stream.indirect_vreg.gather [hbm4b:s23+s3], $0x80, v2, vm0, $0xb8;
	[tilespmem:$0x19400] =	vst v63  }
0x26c: {  	s28 =	simm.s32 $0xAC00  }
0x26d: {  	[tilespmem:s28], [sflag:$0x1] =	stream.indirect_vreg.gather [hbm4b:s5+s3], $0x80, v2, vm0, $0xb8;
	[tilespmem:$0x19400] =	vst v63  }
0x26e: {  	s29 =	simm.s32 $0xB400  }
0x26f: {  	[tilespmem:s29], [sflag:$0x1] =	stream.indirect_vreg.gather [hbm4b:s6+s3], $0x80, v2, vm0, $0xb8;
	[tilespmem:$0x19400] =	vst v63  }
0x270: {  	v2 =	vld.msk [tilespmem:s8+$0x98], $0xff;
	_ =	sdelay $0x4  }
0x271: {  	v3 =	vshrl.u32 v2, $0x3  }
0x272: {  	v3 =	vmul.u32 $0x30, v3  }
0x273: {  	v2 =	vand.u32 $0x7, v2  }
0x274: {  	v2 =	vor.u32 v2, v3  }
0x275: {  	v2 =	vperm.xlane v2, v0;
	_ =	sdelay $0x1  }
0x276: {  	v2 =	vadd.s32 v1, v2;
	_ =	sdelay $0x3  }
0x277: {  	s1 =	simm.s32 $0xBC00;
	s9 =	rddreg [dreg:$0x9]  }
0x278: {  	[tilespmem:s1], [sflag:$0x1] =	stream.indirect_vreg.gather [hbm4b:s23+s3], $0x80, v2, vm0, $0xb8;
	[tilespmem:$0x19400] =	vst v63  }
.Ltmp3:
0x279: {  	s9 =	sadd.s32 $0x3000, s9;
	(pc) =	sbr.rel .LBB2_2-.Ltmp3, $4  }
0x27a: {  	s18 =	simm.s32 $0xC400;
	s12 =	simm.s32 $0x1400;
	[dreg:$0x9] =	wrdreg s9  }
0x27b: {  	[tilespmem:s18], [sflag:$0x1] =	stream.indirect_vreg.gather [hbm4b:s5+s3], $0x80, v2, vm0, $0xb8;
	[tilespmem:$0x19400] =	vst v63  }
0x27c: {  	s9 =	smov.u32 s23;
	s0 =	simm.s32 $0xCC00;
	s8 =	sadd.s32 $0x100, s8  }
0x27d: {  	[tilespmem:s0], [sflag:$0x1] =	stream.indirect_vreg.gather [hbm4b:s6+s3], $0x80, v2, vm0, $0xb8;
	[tilespmem:$0x19400] =	vst v63  }
.LBB2_5:
0x27e: {  	_ =	sfence.sel $0x180000  }
0x27f: {  	[bflag:$0x0] =	sbarrier.arrive $0xFFFF  }
0x280: {  	_ =	strace $0x90000047  }
0x281: {  	s0 =	stileid.u32;
	[bflag:$0x2] =	sbarrier.arrive $0xFFFF  }
0x282: {  	p0 =	sne.s32 s0, $0x0;
	s0 =	rddreg [dreg:$0x3]  }
0x283: {  	s0 =	sadd.s32 @!p0 $0x100000, s0  }
0x284: {  	[sflag:s0] =	ssyncadd.tile.s32 @!p0 $0x1;
	_ =	shalt  }
.Lfunc_end2:
_tile_overlayer_lowered:
.L_overlay_start_2:
0x285: {  	(tag) =	ssettag $0x2  }
0x286: {  	s0 =	rddreg [dreg:$0x0];
	s2 =	stileid.u32  }
0x287: {  	s1 =	rddreg [dreg:$0x1];
	p0 =	sne.s32 s2, $0x0  }
0x288: {  	s3 =	rddreg [dreg:$0x2];
	[bflag:$0x3] =	sbarrier.arrive $0xFFFF;
	s2 =	simm.s32 @!p0 $0x1C05  }
0x289: {  	[timem:s3], [sflag:s2] =	dma.local @!p0 [hbm:s0], s1  }
0x28a: {  	s0 =	simm.s32 @!p0 $0x5  }
0x28b: {  	_ =	swait.ge @!p0 [sflag:s0], s1  }
0x28c: {  	s1 =	ssub.s32 @!p0 $0x0, s1;
	[sflag:s0] =	ssyncset.done @!p0 $0x0  }
0x28d: {  	[sflag:s0] =	ssyncadd.s32 @!p0 s1  }
0x28e: {  	[bflag:$0x3] =	sbarrier.arrive $0xFFFF  }
0x28f: {  	_ =	shalt  }

</sc_bundles>
